<compile_context>
chip_gen: v7x
topology: tpu7x:2x2x1
jax: 0.10.2.dev20260603
libtpu: 0.0.44.dev20260713+nightly
codegen_flags: <defaults>
</compile_context>

<pallas_src>
import functools

import jax
import jax.numpy as jnp
from jax import lax
from jax.experimental import pallas as pl
from jax.experimental.pallas import tpu as pltpu
from jax.experimental.pallas import tpu_sc as plsc

N = 100000
E = 1600000
NUM_OPS = 1000
NUM_GRAPHS = 256
EMB = 16
XNUM = 5
HID = 64
NCLS = 2

BN = 1024
NCHUNK = 98
NPAD = BN * NCHUNK
ROWS_PER_TILE_SLICE = NPAD // 16
EROW = 128
EPAD = 16 * 98 * 8 * EROW
NEROW = EPAD // EROW
F32 = jnp.float32

_mesh = plsc.VectorSubcoreMesh(core_axis_name="c", subcore_axis_name="s")


@functools.partial(
    pl.kernel,
    out_type=jax.ShapeDtypeStruct((2, NPAD), F32),
    mesh=_mesh,
    scratch_types=[
        pltpu.VMEM((8, EROW), jnp.int32),
        pltpu.VMEM((EROW,), F32),
        pltpu.VMEM((ROWS_PER_TILE_SLICE,), F32),
        pltpu.VMEM_SHARED((NPAD,), F32),
    ],
)
def _deg_kernel(dst_hbm, out_hbm, dstv, ones_v, zbuf, acc):
    c = lax.axis_index("c")
    s = lax.axis_index("s")
    for i in range(EROW // 16):
        ones_v[pl.ds(i * 16, 16)] = jnp.ones((16,), F32)

    def zf(i, _):
        zbuf[pl.ds(i * 16, 16)] = jnp.zeros((16,), F32)
        return 0

    lax.fori_loop(0, ROWS_PER_TILE_SLICE // 16, zf, 0)
    pltpu.sync_copy(zbuf, acc.at[pl.ds(s * ROWS_PER_TILE_SLICE, ROWS_PER_TILE_SLICE)])
    plsc.subcore_barrier()

    base_row = c * (NEROW // 2) + s * (NEROW // 32)

    def body(i, _):
        pltpu.sync_copy(dst_hbm.at[pl.ds(base_row + i * 8, 8)], dstv)
        for j in range(8):
            pltpu.sync_copy(ones_v, acc.at[dstv.at[j]], add=True)
        return 0

    lax.fori_loop(0, NEROW // 32 // 8, body, 0)
    plsc.subcore_barrier()
    pltpu.sync_copy(
        acc.at[pl.ds(s * ROWS_PER_TILE_SLICE, ROWS_PER_TILE_SLICE)],
        out_hbm.at[c, pl.ds(s * ROWS_PER_TILE_SLICE, ROWS_PER_TILE_SLICE)],
    )


NCHK = NEROW // 16 // 4


@functools.partial(
    pl.kernel,
    out_type=jax.ShapeDtypeStruct((4, NPAD, 16), F32),
    mesh=_mesh,
    compiler_params=pltpu.CompilerParams(use_tc_tiling_on_sc=False),
    scratch_types=[
        pltpu.VMEM((4, EROW), jnp.int32),
        pltpu.VMEM((4, EROW), jnp.int32),
        pltpu.VMEM((4, EROW), jnp.int32),
        pltpu.VMEM((4, EROW), jnp.int32),
        pltpu.VMEM((4 * EROW, 16), F32),
        pltpu.VMEM((4 * EROW, 16), F32),
        pltpu.VMEM_SHARED((NPAD, 16), F32),
        pltpu.SemaphoreType.DMA,
        pltpu.SemaphoreType.DMA,
    ],
)
def _msg_kernel(y_hbm, src_hbm, dst_hbm, out_hbm, srcv0, dstv0, srcv1, dstv1,
                rows0, rows1, acc, gsem0, gsem1):
    c = lax.axis_index("c")
    s = lax.axis_index("s")
    lo = s * ROWS_PER_TILE_SLICE
    base_row = s * (NEROW // 16)

    def cg_pass(k, _):
        cg = 2 * k + c
        pltpu.sync_copy(
            y_hbm.at[cg, pl.ds(lo, ROWS_PER_TILE_SLICE)],
            acc.at[pl.ds(lo, ROWS_PER_TILE_SLICE)],
        )
        plsc.subcore_barrier()

        def prefetch(it, sv, dv, rw, sem):
            r = base_row + it * 4
            pltpu.sync_copy(src_hbm.at[pl.ds(r, 4)], sv)
            pltpu.sync_copy(dst_hbm.at[pl.ds(r, 4)], dv)
            for j in range(4):
                pltpu.async_copy(
                    y_hbm.at[cg].at[sv.at[j]],
                    rw.at[pl.ds(j * EROW, EROW)], sem,
                )

        prefetch(0, srcv0, dstv0, rows0, gsem0)

        def body(i, _):
            for j in range(4):
                pltpu.make_async_copy(
                    y_hbm.at[cg].at[srcv0.at[j]],
                    rows0.at[pl.ds(j * EROW, EROW)], gsem0,
                ).wait()
            prefetch(2 * i + 1, srcv1, dstv1, rows1, gsem1)
            for j in range(4):
                pltpu.sync_copy(
                    rows0.at[pl.ds(j * EROW, EROW)], acc.at[dstv0.at[j]],
                    add=True,
                )
            for j in range(4):
                pltpu.make_async_copy(
                    y_hbm.at[cg].at[srcv1.at[j]],
                    rows1.at[pl.ds(j * EROW, EROW)], gsem1,
                ).wait()

            @pl.when(i <= NCHK // 2 - 2)
            def _():
                prefetch(2 * i + 2, srcv0, dstv0, rows0, gsem0)

            for j in range(4):
                pltpu.sync_copy(
                    rows1.at[pl.ds(j * EROW, EROW)], acc.at[dstv1.at[j]],
                    add=True,
                )
            return 0

        lax.fori_loop(0, NCHK // 2, body, 0)
        plsc.subcore_barrier()
        pltpu.sync_copy(
            acc.at[pl.ds(lo, ROWS_PER_TILE_SLICE)],
            out_hbm.at[cg, pl.ds(lo, ROWS_PER_TILE_SLICE)],
        )
        plsc.subcore_barrier()
        return 0

    lax.fori_loop(0, 2, cg_pass, 0)


def _prep_body(deg_ref, x_ref, opi_ref, emb_ref, w1a_ref, w1b_ref, y_ref):
    p = deg_ref[0] + deg_ref[1] + 1.0
    dinv = lax.rsqrt(p)
    xw = jnp.dot(x_ref[...], w1a_ref[...], preferred_element_type=F32)
    embw = jnp.dot(emb_ref[...], w1b_ref[...], preferred_element_type=F32)
    oh = (opi_ref[...][:, None]
          == lax.broadcasted_iota(jnp.int32, (BN, NUM_OPS), 1)).astype(F32)
    xw = xw + jnp.dot(oh, embw, preferred_element_type=F32)
    xw = xw * dinv[:, None]
    for cg in range(4):
        y_ref[cg] = xw[:, cg * 16:(cg + 1) * 16]


def _prep_call(deg2, xp, opp, op_emb, w1a, w1b):
    return pl.pallas_call(
        _prep_body,
        grid=(NCHUNK,),
        in_specs=[
            pl.BlockSpec((2, BN), lambda ch: (0, ch)),
            pl.BlockSpec((BN, XNUM), lambda ch: (ch, 0)),
            pl.BlockSpec((BN,), lambda ch: (ch,)),
            pl.BlockSpec((NUM_OPS, EMB), lambda ch: (0, 0)),
            pl.BlockSpec((XNUM, HID), lambda ch: (0, 0)),
            pl.BlockSpec((EMB, HID), lambda ch: (0, 0)),
        ],
        out_specs=pl.BlockSpec((4, BN, 16), lambda ch: (0, ch, 0)),
        out_shape=jax.ShapeDtypeStruct((4, NPAD, 16), F32),
    )(deg2, xp, opp, op_emb, w1a, w1b)


def _mid_body(deg_ref, z_ref, b1_ref, w2_ref, y_ref):
    p = deg_ref[0] + deg_ref[1] + 1.0
    dinv = lax.rsqrt(p)
    h = jnp.concatenate([z_ref[ci] for ci in range(4)], axis=1)
    h = jnp.maximum(h * dinv[:, None] + b1_ref[0][None, :], 0.0)
    o = jnp.dot(h, w2_ref[...], preferred_element_type=F32) * dinv[:, None]
    for cg in range(4):
        y_ref[cg] = o[:, cg * 16:(cg + 1) * 16]


def _mid_call(deg2, z1, b1r, w2r):
    return pl.pallas_call(
        _mid_body,
        grid=(NCHUNK,),
        in_specs=[
            pl.BlockSpec((2, BN), lambda ch: (0, ch)),
            pl.BlockSpec((4, BN, 16), lambda ch: (0, ch, 0)),
            pl.BlockSpec((1, HID), lambda ch: (0, 0)),
            pl.BlockSpec((HID, HID), lambda ch: (0, 0)),
        ],
        out_specs=pl.BlockSpec((4, BN, 16), lambda ch: (0, ch, 0)),
        out_shape=jax.ShapeDtypeStruct((4, NPAD, 16), F32),
    )(deg2, z1, b1r, w2r)


def _pool_body(deg_ref, z_ref, b2_ref, batch_ref, wlin_ref, blin_ref,
               out_ref, pooled, cnt):
    ch = pl.program_id(0)

    @pl.when(ch == 0)
    def _():
        pooled[...] = jnp.zeros_like(pooled)
        cnt[...] = jnp.zeros_like(cnt)

    p = deg_ref[0] + deg_ref[1] + 1.0
    dinv = lax.rsqrt(p)
    oht = (lax.broadcasted_iota(jnp.int32, (NUM_GRAPHS, BN), 0)
           == batch_ref[...][None, :]).astype(F32)
    cnt[0, :] += jnp.sum(oht, axis=1)
    h = jnp.concatenate([z_ref[ci] for ci in range(4)], axis=1)
    h = jnp.maximum(h * dinv[:, None] + b2_ref[0][None, :], 0.0)
    pooled[...] += jnp.dot(oht, h, preferred_element_type=F32)

    @pl.when(ch == NCHUNK - 1)
    def _():
        c = jnp.maximum(cnt[0, :], 1.0)
        pm = pooled[...] / c[:, None]
        out_ref[...] = (
            jnp.dot(pm, wlin_ref[...], preferred_element_type=F32)
            + blin_ref[0][None, :]
        )


def _pool_call(deg2, z2, b2r, batchp, wlin, blinr):
    return pl.pallas_call(
        _pool_body,
        grid=(NCHUNK,),
        in_specs=[
            pl.BlockSpec((2, BN), lambda ch: (0, ch)),
            pl.BlockSpec((4, BN, 16), lambda ch: (0, ch, 0)),
            pl.BlockSpec((1, HID), lambda ch: (0, 0)),
            pl.BlockSpec((BN,), lambda ch: (ch,)),
            pl.BlockSpec((HID, NCLS), lambda ch: (0, 0)),
            pl.BlockSpec((1, NCLS), lambda ch: (0, 0)),
        ],
        out_specs=pl.BlockSpec((NUM_GRAPHS, NCLS), lambda ch: (0, 0)),
        out_shape=jax.ShapeDtypeStruct((NUM_GRAPHS, NCLS), F32),
        scratch_shapes=[
            pltpu.VMEM((NUM_GRAPHS, HID), F32),
            pltpu.VMEM((1, NUM_GRAPHS), F32),
        ],
    )(deg2, z2, b2r, batchp, wlin, blinr)


def kernel(x, op_idx, edge_index, batch, op_emb, W1, b1, W2, b2, Wlin, blin):
    npx = NPAD - N
    xp = jnp.concatenate([x, jnp.zeros((npx, XNUM), F32)], axis=0)
    opp = jnp.concatenate(
        [op_idx.astype(jnp.int32), jnp.zeros((npx,), jnp.int32)]
    )
    batchp = jnp.concatenate(
        [batch.astype(jnp.int32), jnp.full((npx,), NUM_GRAPHS + 1, jnp.int32)]
    )
    pad_ids = N + (jnp.arange(EPAD - E, dtype=jnp.int32) % npx)
    srcp = jnp.concatenate(
        [edge_index[0].astype(jnp.int32), pad_ids]
    ).reshape(NEROW, EROW)
    dstp = jnp.concatenate(
        [edge_index[1].astype(jnp.int32), pad_ids]
    ).reshape(NEROW, EROW)

    deg2 = _deg_kernel(dstp)
    y1 = _prep_call(deg2, xp, opp, op_emb, W1[:XNUM], W1[XNUM:])
    z1 = _msg_kernel(y1, srcp, dstp)
    y2 = _mid_call(deg2, z1, b1.reshape(1, HID), W2)
    z2 = _msg_kernel(y2, srcp, dstp)
    return _pool_call(deg2, z2, b2.reshape(1, HID), batchp, Wlin,
                      blin.reshape(1, NCLS))

# --- scband reference (transcript-rebuilt; emitter-appended) ---
"""Pipeline reference for scband-graph-classifier-89498528514325 (READ-ONLY COPY).

The authoritative reference and input builder live on the scoring server;
editing this copy changes nothing except your own understanding.
"""

import jax, jax.numpy as jnp
import numpy as np

N = 100000
E = 1600000
NUM_OPS = 1000
NUM_GRAPHS = 256
EMB = 16
XNUM = 5
HID = 64
NCLS = 2


def setup_inputs(seed: int = 0) -> dict:
    key = jax.random.key(seed)
    ks = jax.random.split(key, 12)
    x = jax.random.normal(ks[0], (N, XNUM), dtype=jnp.float32)
    op_idx = jax.random.randint(ks[1], (N,), 0, NUM_OPS)
    edge_index = jax.random.randint(ks[2], (2, E), 0, N)
    batch = jnp.sort(jax.random.randint(ks[3], (N,), 0, NUM_GRAPHS))
    op_emb = jax.random.normal(ks[4], (NUM_OPS, EMB), dtype=jnp.float32)
    W1 = jax.random.normal(ks[5], (XNUM + EMB, HID), dtype=jnp.float32) * 0.1
    b1 = jnp.zeros((HID,), dtype=jnp.float32)
    W2 = jax.random.normal(ks[6], (HID, HID), dtype=jnp.float32) * 0.1
    b2 = jnp.zeros((HID,), dtype=jnp.float32)
    Wlin = jax.random.normal(ks[7], (HID, NCLS), dtype=jnp.float32) * 0.1
    blin = jnp.zeros((NCLS,), dtype=jnp.float32)
    return {"x": x, "op_idx": op_idx, "edge_index": edge_index, "batch": batch,
            "op_emb": op_emb, "W1": W1, "b1": b1, "W2": W2, "b2": b2,
            "Wlin": Wlin, "blin": blin}


def _gcn_conv(h, src, dst, W, b):
    # GCNConv with self-loops already merged into (src, dst):
    # x' = D^{-1/2} (A+I) D^{-1/2} x W + b
    xw = h @ W
    n = h.shape[0]
    deg = jnp.zeros((n,), jnp.float32).at[dst].add(1.0)
    dinv = jnp.where(deg > 0, 1.0 / jnp.sqrt(deg), 0.0)
    norm = dinv[src] * dinv[dst]
    msg = xw[src] * norm[:, None]
    out = jnp.zeros_like(xw).at[dst].add(msg)
    return out + b


def reference(x, op_idx, edge_index, batch, op_emb, W1, b1, W2, b2, Wlin, blin):
    n = x.shape[0]
    loop = jnp.arange(n)
    src = jnp.concatenate([edge_index[0], loop])
    dst = jnp.concatenate([edge_index[1], loop])
    x_cat = op_emb[op_idx]
    h = jnp.concatenate([x, x_cat], axis=1)
    h = jax.nn.relu(_gcn_conv(h, src, dst, W1, b1))
    h = jax.nn.relu(_gcn_conv(h, src, dst, W2, b2))
    cnt = jnp.zeros((NUM_GRAPHS,), jnp.float32).at[batch].add(1.0)
    summed = jax.ops.segment_sum(h, batch, num_segments=NUM_GRAPHS)
    pooled = summed / jnp.clip(cnt, 1.0)[:, None]
    logits = pooled @ Wlin + blin
    return logits

if __name__ == "__main__":
    import jax
    _d = setup_inputs()
    print(jax.jit(kernel)(*tuple(_d.values())))

</pallas_src>

<mosaic_0001>
#map = affine_map<(d0, d1) -> (0, 0)>
module attributes {stable_mosaic.version = 14 : i64} {
  func.func @_deg_kernel(%arg0: i32, %arg1: i32, %arg2: memref<12544x128xi32, #tpu.memory_space<hbm>>, %arg3: memref<2x100352xf32, #tpu.memory_space<hbm>>, %arg4: memref<8x128xi32, #tpu.memory_space<vmem>>, %arg5: memref<128xf32, #tpu.memory_space<vmem>>, %arg6: memref<6272xf32, #tpu.memory_space<vmem>>, %arg7: memref<100352xf32, #tpu.memory_space<vmem_shared>>) attributes {dimension_semantics = [#tpu.dimension_semantics<core_parallel>, #tpu.dimension_semantics<subcore_parallel>], iteration_bounds = array<i64: 2, 16>, scalar_prefetch = 0 : i64, scratch_operands = 4 : i64, tpu.core_type = #tpu.core_type<sc_vector_subcore>, window_params = [{transform_indices = #map}, {transform_indices = #map}]} {
    %broadcast_in_dim3A = arith.constant 1.000000e+00 : f32
    %broadcast_in_dim3A_0 = vector.broadcast %broadcast_in_dim3A : f32 to vector<16xf32>
    %swap3A = arith.constant 0 : index
    %swap3A_1 = tpu.vector_load %arg5[%swap3A] {strides = array<i32>} : memref<128xf32, #tpu.memory_space<vmem>>, vector<16xf32>,
    %swap3A_2 = vector.shape_cast %swap3A_1 : vector<16xf32> to vector<16xf32>
    %swap3A_3 = vector.shape_cast %broadcast_in_dim3A_0 : vector<16xf32> to vector<16xf32>
    tpu.vector_store %arg5[%swap3A], %swap3A_3 {strides = array<i32>} : memref<128xf32, #tpu.memory_space<vmem>>, vector<16xf32>,
    %broadcast_in_dim3A_4 = arith.constant 1.000000e+00 : f32
    %broadcast_in_dim3A_5 = vector.broadcast %broadcast_in_dim3A_4 : f32 to vector<16xf32>
    %swap3A_6 = arith.constant 16 : index
    %swap3A_7 = tpu.vector_load %arg5[%swap3A_6] {strides = array<i32>} : memref<128xf32, #tpu.memory_space<vmem>>, vector<16xf32>,
    %swap3A_8 = vector.shape_cast %swap3A_7 : vector<16xf32> to vector<16xf32>
    %swap3A_9 = vector.shape_cast %broadcast_in_dim3A_5 : vector<16xf32> to vector<16xf32>
    tpu.vector_store %arg5[%swap3A_6], %swap3A_9 {strides = array<i32>} : memref<128xf32, #tpu.memory_space<vmem>>, vector<16xf32>,
    %broadcast_in_dim3A_10 = arith.constant 1.000000e+00 : f32
    %broadcast_in_dim3A_11 = vector.broadcast %broadcast_in_dim3A_10 : f32 to vector<16xf32>
    %swap3A_12 = arith.constant 32 : index
    %swap3A_13 = tpu.vector_load %arg5[%swap3A_12] {strides = array<i32>} : memref<128xf32, #tpu.memory_space<vmem>>, vector<16xf32>,
    %swap3A_14 = vector.shape_cast %swap3A_13 : vector<16xf32> to vector<16xf32>
    %swap3A_15 = vector.shape_cast %broadcast_in_dim3A_11 : vector<16xf32> to vector<16xf32>
    tpu.vector_store %arg5[%swap3A_12], %swap3A_15 {strides = array<i32>} : memref<128xf32, #tpu.memory_space<vmem>>, vector<16xf32>,
    %broadcast_in_dim3A_16 = arith.constant 1.000000e+00 : f32
    %broadcast_in_dim3A_17 = vector.broadcast %broadcast_in_dim3A_16 : f32 to vector<16xf32>
    %swap3A_18 = arith.constant 48 : index
    %swap3A_19 = tpu.vector_load %arg5[%swap3A_18] {strides = array<i32>} : memref<128xf32, #tpu.memory_space<vmem>>, vector<16xf32>,
    %swap3A_20 = vector.shape_cast %swap3A_19 : vector<16xf32> to vector<16xf32>
    %swap3A_21 = vector.shape_cast %broadcast_in_dim3A_17 : vector<16xf32> to vector<16xf32>
    tpu.vector_store %arg5[%swap3A_18], %swap3A_21 {strides = array<i32>} : memref<128xf32, #tpu.memory_space<vmem>>, vector<16xf32>,
    %broadcast_in_dim3A_22 = arith.constant 1.000000e+00 : f32
    %broadcast_in_dim3A_23 = vector.broadcast %broadcast_in_dim3A_22 : f32 to vector<16xf32>
    %swap3A_24 = arith.constant 64 : index
    %swap3A_25 = tpu.vector_load %arg5[%swap3A_24] {strides = array<i32>} : memref<128xf32, #tpu.memory_space<vmem>>, vector<16xf32>,
    %swap3A_26 = vector.shape_cast %swap3A_25 : vector<16xf32> to vector<16xf32>
    %swap3A_27 = vector.shape_cast %broadcast_in_dim3A_23 : vector<16xf32> to vector<16xf32>
    tpu.vector_store %arg5[%swap3A_24], %swap3A_27 {strides = array<i32>} : memref<128xf32, #tpu.memory_space<vmem>>, vector<16xf32>,
    %broadcast_in_dim3A_28 = arith.constant 1.000000e+00 : f32
    %broadcast_in_dim3A_29 = vector.broadcast %broadcast_in_dim3A_28 : f32 to vector<16xf32>
    %swap3A_30 = arith.constant 80 : index
    %swap3A_31 = tpu.vector_load %arg5[%swap3A_30] {strides = array<i32>} : memref<128xf32, #tpu.memory_space<vmem>>, vector<16xf32>,
    %swap3A_32 = vector.shape_cast %swap3A_31 : vector<16xf32> to vector<16xf32>
    %swap3A_33 = vector.shape_cast %broadcast_in_dim3A_29 : vector<16xf32> to vector<16xf32>
    tpu.vector_store %arg5[%swap3A_30], %swap3A_33 {strides = array<i32>} : memref<128xf32, #tpu.memory_space<vmem>>, vector<16xf32>,
    %broadcast_in_dim3A_34 = arith.constant 1.000000e+00 : f32
    %broadcast_in_dim3A_35 = vector.broadcast %broadcast_in_dim3A_34 : f32 to vector<16xf32>
    %swap3A_36 = arith.constant 96 : index
    %swap3A_37 = tpu.vector_load %arg5[%swap3A_36] {strides = array<i32>} : memref<128xf32, #tpu.memory_space<vmem>>, vector<16xf32>,
    %swap3A_38 = vector.shape_cast %swap3A_37 : vector<16xf32> to vector<16xf32>
    %swap3A_39 = vector.shape_cast %broadcast_in_dim3A_35 : vector<16xf32> to vector<16xf32>
    tpu.vector_store %arg5[%swap3A_36], %swap3A_39 {strides = array<i32>} : memref<128xf32, #tpu.memory_space<vmem>>, vector<16xf32>,
    %broadcast_in_dim3A_40 = arith.constant 1.000000e+00 : f32
    %broadcast_in_dim3A_41 = vector.broadcast %broadcast_in_dim3A_40 : f32 to vector<16xf32>
    %swap3A_42 = arith.constant 112 : index
    %swap3A_43 = tpu.vector_load %arg5[%swap3A_42] {strides = array<i32>} : memref<128xf32, #tpu.memory_space<vmem>>, vector<16xf32>,
    %swap3A_44 = vector.shape_cast %swap3A_43 : vector<16xf32> to vector<16xf32>
    %swap3A_45 = vector.shape_cast %broadcast_in_dim3A_41 : vector<16xf32> to vector<16xf32>
    tpu.vector_store %arg5[%swap3A_42], %swap3A_45 {strides = array<i32>} : memref<128xf32, #tpu.memory_space<vmem>>, vector<16xf32>,
    %scan3A = arith.constant 0 : i32
    %scan3A_46 = arith.constant 0 : i32
    %scan3A_47 = arith.constant 392 : i32
    %scan3A_48 = arith.addi %scan3A_46, %scan3A_47 : i32
    %scan3A_49 = arith.constant 1 : i32
    %scan3A_50 = scf.for %scan3A_69 = %scan3A_46 to %scan3A_48 step %scan3A_49 iter_args(%scan3A_70 = %scan3A) -> (i32)  : i32 {
      %broadcast_in_dim3A_71 = arith.constant 0.000000e+00 : f32
      %broadcast_in_dim3A_72 = vector.broadcast %broadcast_in_dim3A_71 : f32 to vector<16xf32>
      %mul3A_73 = arith.constant 16 : i32
      %mul3A_74 = arith.muli %scan3A_69, %mul3A_73 : i32
      %swap3A_75 = arith.index_cast %mul3A_74 : i32 to index
      %swap3A_76 = tpu.vector_load %arg6[%swap3A_75] {strides = array<i32>} : memref<6272xf32, #tpu.memory_space<vmem>>, vector<16xf32>,
      %swap3A_77 = vector.shape_cast %swap3A_76 : vector<16xf32> to vector<16xf32>
      %swap3A_78 = vector.shape_cast %broadcast_in_dim3A_72 : vector<16xf32> to vector<16xf32>
      tpu.vector_store %arg6[%swap3A_75], %swap3A_78 {strides = array<i32>} : memref<6272xf32, #tpu.memory_space<vmem>>, vector<16xf32>,
      %scan3A_79 = arith.constant 0 : i32
      scf.yield %scan3A_79 : i32
    }
    %scan3A_51 = arith.constant 392 : i32
    %mul3A = arith.constant 6272 : i32
    %mul3A_52 = arith.muli %arg1, %mul3A : i32
    "tpu.region"() ({
      %run_scoped3A = tpu.sem_alloc : memref<!tpu.dma_semaphore, #tpu.memory_space<semaphore_mem>>
      %dma_start3A = tpu.memref_slice %arg7[%mul3A_52] : memref<100352xf32, #tpu.memory_space<vmem_shared>> -> memref<6272xf32, #tpu.memory_space<vmem_shared>>
      %dma_start3A_69 = tpu.memref_slice %arg7[%mul3A_52] : memref<100352xf32, #tpu.memory_space<vmem_shared>> -> memref<6272xf32, #tpu.memory_space<vmem_shared>>
      tpu.enqueue_dma source(%arg6 : memref<6272xf32, #tpu.memory_space<vmem>>) target(%dma_start3A_69 : memref<6272xf32, #tpu.memory_space<vmem_shared>>) target_semaphore(%run_scoped3A : memref<!tpu.dma_semaphore, #tpu.memory_space<semaphore_mem>>)
      %dma_wait3A = tpu.memref_slice %arg7[%mul3A_52] : memref<100352xf32, #tpu.memory_space<vmem_shared>> -> memref<6272xf32, #tpu.memory_space<vmem_shared>>
      %dma_wait3A_70 = tpu.memref_slice %arg7[%mul3A_52] : memref<100352xf32, #tpu.memory_space<vmem_shared>> -> memref<6272xf32, #tpu.memory_space<vmem_shared>>
      tpu.wait_dma2 semaphore(%run_scoped3A : memref<!tpu.dma_semaphore, #tpu.memory_space<semaphore_mem>>) src(%arg6 : memref<6272xf32, #tpu.memory_space<vmem>>) dst(%dma_wait3A_70 : memref<6272xf32, #tpu.memory_space<vmem_shared>>)
      tpu.yield
    }) : () -> ()
    %barrier3A = arith.constant 0 : index
    tpu.barrier barrier_id(%barrier3A)
    %mul3A_53 = arith.constant 6272 : i32
    %mul3A_54 = arith.muli %arg0, %mul3A_53 : i32
    %mul3A_55 = arith.constant 392 : i32
    %mul3A_56 = arith.muli %arg1, %mul3A_55 : i32
    %add3A = arith.addi %mul3A_54, %mul3A_56 : i32
    %scan3A_57 = arith.constant 0 : i32
    %scan3A_58 = arith.constant 0 : i32
    %scan3A_59 = arith.constant 49 : i32
    %scan3A_60 = arith.addi %scan3A_58, %scan3A_59 : i32
    %scan3A_61 = arith.constant 1 : i32
    %scan3A_62 = scf.for %scan3A_69 = %scan3A_58 to %scan3A_60 step %scan3A_61 iter_args(%scan3A_70 = %scan3A_57) -> (i32)  : i32 {
      %mul3A_71 = arith.constant 8 : i32
      %mul3A_72 = arith.muli %scan3A_69, %mul3A_71 : i32
      %add3A_73 = arith.addi %add3A, %mul3A_72 : i32
      "tpu.region"() ({
        %run_scoped3A_82 = tpu.sem_alloc : memref<!tpu.dma_semaphore, #tpu.memory_space<semaphore_mem>>
        %dma_start3A = arith.constant 0 : i32
        %dma_start3A_83 = tpu.memref_slice %arg2[%add3A_73, %dma_start3A] : memref<12544x128xi32, #tpu.memory_space<hbm>> -> memref<8x128xi32, #tpu.memory_space<hbm>>
        %dma_start3A_84 = arith.constant 0 : i32
        %dma_start3A_85 = tpu.memref_slice %arg2[%add3A_73, %dma_start3A_84] : memref<12544x128xi32, #tpu.memory_space<hbm>> -> memref<8x128xi32, #tpu.memory_space<hbm>>
        tpu.enqueue_dma source(%dma_start3A_85 : memref<8x128xi32, #tpu.memory_space<hbm>>) target(%arg4 : memref<8x128xi32, #tpu.memory_space<vmem>>) target_semaphore(%run_scoped3A_82 : memref<!tpu.dma_semaphore, #tpu.memory_space<semaphore_mem>>)
        %dma_wait3A = arith.constant 0 : i32
        %dma_wait3A_86 = tpu.memref_slice %arg2[%add3A_73, %dma_wait3A] : memref<12544x128xi32, #tpu.memory_space<hbm>> -> memref<8x128xi32, #tpu.memory_space<hbm>>
        %dma_wait3A_87 = arith.constant 0 : i32
        %dma_wait3A_88 = tpu.memref_slice %arg2[%add3A_73, %dma_wait3A_87] : memref<12544x128xi32, #tpu.memory_space<hbm>> -> memref<8x128xi32, #tpu.memory_space<hbm>>
        tpu.wait_dma2 semaphore(%run_scoped3A_82 : memref<!tpu.dma_semaphore, #tpu.memory_space<semaphore_mem>>) src(%dma_wait3A_88 : memref<8x128xi32, #tpu.memory_space<hbm>>) dst(%arg4 : memref<8x128xi32, #tpu.memory_space<vmem>>)
        tpu.yield
      }) : () -> ()
      %run_scoped3A = arith.constant 0 : i32
      "tpu.region"() ({
        %run_scoped3A_82 = tpu.sem_alloc : memref<!tpu.dma_semaphore, #tpu.memory_space<semaphore_mem>>
        %dma_start3A = arith.constant 0 : i32
        %dma_start3A_83 = tpu.memref_slice %arg4[%run_scoped3A, %dma_start3A] : memref<8x128xi32, #tpu.memory_space<vmem>> -> memref<1x128xi32, #tpu.memory_space<vmem>>
        %dma_start3A_84 = tpu.memref_squeeze %dma_start3A_83 : memref<1x128xi32, #tpu.memory_space<vmem>> -> memref<128xi32, #tpu.memory_space<vmem>>
        %dma_start3A_85 = arith.constant 0 : i32
        %dma_start3A_86 = tpu.memref_slice %arg7[%dma_start3A_85] : memref<100352xf32, #tpu.memory_space<vmem_shared>> -> memref<100352xf32, #tpu.memory_space<vmem_shared>>
        tpu.enqueue_indirect_dma source(%arg5 : memref<128xf32, #tpu.memory_space<vmem>>) target(%dma_start3A_86 : memref<100352xf32, #tpu.memory_space<vmem_shared>>) offsets(%dma_start3A_84 : memref<128xi32, #tpu.memory_space<vmem>>) semaphore(%run_scoped3A_82 : memref<!tpu.dma_semaphore, #tpu.memory_space<semaphore_mem>>) {add = true}
        %dma_wait3A = arith.constant 0 : i32
        %dma_wait3A_87 = tpu.memref_slice %arg4[%run_scoped3A, %dma_wait3A] : memref<8x128xi32, #tpu.memory_space<vmem>> -> memref<1x128xi32, #tpu.memory_space<vmem>>
        %dma_wait3A_88 = tpu.memref_squeeze %dma_wait3A_87 : memref<1x128xi32, #tpu.memory_space<vmem>> -> memref<128xi32, #tpu.memory_space<vmem>>
        %dma_wait3A_89 = arith.constant 0 : i32
        %dma_wait3A_90 = tpu.memref_slice %arg7[%dma_wait3A_89] : memref<100352xf32, #tpu.memory_space<vmem_shared>> -> memref<100352xf32, #tpu.memory_space<vmem_shared>>
        tpu.wait_indirect_dma semaphore(%run_scoped3A_82 : memref<!tpu.dma_semaphore, #tpu.memory_space<semaphore_mem>>) src(%arg5 : memref<128xf32, #tpu.memory_space<vmem>>) dst(%dma_wait3A_90 : memref<100352xf32, #tpu.memory_space<vmem_shared>>)
        tpu.yield
      }) : () -> ()
      %run_scoped3A_74 = arith.constant 1 : i32
      "tpu.region"() ({
        %run_scoped3A_82 = tpu.sem_alloc : memref<!tpu.dma_semaphore, #tpu.memory_space<semaphore_mem>>
        %dma_start3A = arith.constant 0 : i32
        %dma_start3A_83 = tpu.memref_slice %arg4[%run_scoped3A_74, %dma_start3A] : memref<8x128xi32, #tpu.memory_space<vmem>> -> memref<1x128xi32, #tpu.memory_space<vmem>>
        %dma_start3A_84 = tpu.memref_squeeze %dma_start3A_83 : memref<1x128xi32, #tpu.memory_space<vmem>> -> memref<128xi32, #tpu.memory_space<vmem>>
        %dma_start3A_85 = arith.constant 0 : i32
        %dma_start3A_86 = tpu.memref_slice %arg7[%dma_start3A_85] : memref<100352xf32, #tpu.memory_space<vmem_shared>> -> memref<100352xf32, #tpu.memory_space<vmem_shared>>
        tpu.enqueue_indirect_dma source(%arg5 : memref<128xf32, #tpu.memory_space<vmem>>) target(%dma_start3A_86 : memref<100352xf32, #tpu.memory_space<vmem_shared>>) offsets(%dma_start3A_84 : memref<128xi32, #tpu.memory_space<vmem>>) semaphore(%run_scoped3A_82 : memref<!tpu.dma_semaphore, #tpu.memory_space<semaphore_mem>>) {add = true}
        %dma_wait3A = arith.constant 0 : i32
        %dma_wait3A_87 = tpu.memref_slice %arg4[%run_scoped3A_74, %dma_wait3A] : memref<8x128xi32, #tpu.memory_space<vmem>> -> memref<1x128xi32, #tpu.memory_space<vmem>>
        %dma_wait3A_88 = tpu.memref_squeeze %dma_wait3A_87 : memref<1x128xi32, #tpu.memory_space<vmem>> -> memref<128xi32, #tpu.memory_space<vmem>>
        %dma_wait3A_89 = arith.constant 0 : i32
        %dma_wait3A_90 = tpu.memref_slice %arg7[%dma_wait3A_89] : memref<100352xf32, #tpu.memory_space<vmem_shared>> -> memref<100352xf32, #tpu.memory_space<vmem_shared>>
        tpu.wait_indirect_dma semaphore(%run_scoped3A_82 : memref<!tpu.dma_semaphore, #tpu.memory_space<semaphore_mem>>) src(%arg5 : memref<128xf32, #tpu.memory_space<vmem>>) dst(%dma_wait3A_90 : memref<100352xf32, #tpu.memory_space<vmem_shared>>)
        tpu.yield
      }) : () -> ()
      %run_scoped3A_75 = arith.constant 2 : i32
      "tpu.region"() ({
        %run_scoped3A_82 = tpu.sem_alloc : memref<!tpu.dma_semaphore, #tpu.memory_space<semaphore_mem>>
        %dma_start3A = arith.constant 0 : i32
        %dma_start3A_83 = tpu.memref_slice %arg4[%run_scoped3A_75, %dma_start3A] : memref<8x128xi32, #tpu.memory_space<vmem>> -> memref<1x128xi32, #tpu.memory_space<vmem>>
        %dma_start3A_84 = tpu.memref_squeeze %dma_start3A_83 : memref<1x128xi32, #tpu.memory_space<vmem>> -> memref<128xi32, #tpu.memory_space<vmem>>
        %dma_start3A_85 = arith.constant 0 : i32
        %dma_start3A_86 = tpu.memref_slice %arg7[%dma_start3A_85] : memref<100352xf32, #tpu.memory_space<vmem_shared>> -> memref<100352xf32, #tpu.memory_space<vmem_shared>>
        tpu.enqueue_indirect_dma source(%arg5 : memref<128xf32, #tpu.memory_space<vmem>>) target(%dma_start3A_86 : memref<100352xf32, #tpu.memory_space<vmem_shared>>) offsets(%dma_start3A_84 : memref<128xi32, #tpu.memory_space<vmem>>) semaphore(%run_scoped3A_82 : memref<!tpu.dma_semaphore, #tpu.memory_space<semaphore_mem>>) {add = true}
        %dma_wait3A = arith.constant 0 : i32
        %dma_wait3A_87 = tpu.memref_slice %arg4[%run_scoped3A_75, %dma_wait3A] : memref<8x128xi32, #tpu.memory_space<vmem>> -> memref<1x128xi32, #tpu.memory_space<vmem>>
        %dma_wait3A_88 = tpu.memref_squeeze %dma_wait3A_87 : memref<1x128xi32, #tpu.memory_space<vmem>> -> memref<128xi32, #tpu.memory_space<vmem>>
        %dma_wait3A_89 = arith.constant 0 : i32
        %dma_wait3A_90 = tpu.memref_slice %arg7[%dma_wait3A_89] : memref<100352xf32, #tpu.memory_space<vmem_shared>> -> memref<100352xf32, #tpu.memory_space<vmem_shared>>
        tpu.wait_indirect_dma semaphore(%run_scoped3A_82 : memref<!tpu.dma_semaphore, #tpu.memory_space<semaphore_mem>>) src(%arg5 : memref<128xf32, #tpu.memory_space<vmem>>) dst(%dma_wait3A_90 : memref<100352xf32, #tpu.memory_space<vmem_shared>>)
        tpu.yield
      }) : () -> ()
      %run_scoped3A_76 = arith.constant 3 : i32
      "tpu.region"() ({
        %run_scoped3A_82 = tpu.sem_alloc : memref<!tpu.dma_semaphore, #tpu.memory_space<semaphore_mem>>
        %dma_start3A = arith.constant 0 : i32
        %dma_start3A_83 = tpu.memref_slice %arg4[%run_scoped3A_76, %dma_start3A] : memref<8x128xi32, #tpu.memory_space<vmem>> -> memref<1x128xi32, #tpu.memory_space<vmem>>
        %dma_start3A_84 = tpu.memref_squeeze %dma_start3A_83 : memref<1x128xi32, #tpu.memory_space<vmem>> -> memref<128xi32, #tpu.memory_space<vmem>>
        %dma_start3A_85 = arith.constant 0 : i32
        %dma_start3A_86 = tpu.memref_slice %arg7[%dma_start3A_85] : memref<100352xf32, #tpu.memory_space<vmem_shared>> -> memref<100352xf32, #tpu.memory_space<vmem_shared>>
        tpu.enqueue_indirect_dma source(%arg5 : memref<128xf32, #tpu.memory_space<vmem>>) target(%dma_start3A_86 : memref<100352xf32, #tpu.memory_space<vmem_shared>>) offsets(%dma_start3A_84 : memref<128xi32, #tpu.memory_space<vmem>>) semaphore(%run_scoped3A_82 : memref<!tpu.dma_semaphore, #tpu.memory_space<semaphore_mem>>) {add = true}
        %dma_wait3A = arith.constant 0 : i32
        %dma_wait3A_87 = tpu.memref_slice %arg4[%run_scoped3A_76, %dma_wait3A] : memref<8x128xi32, #tpu.memory_space<vmem>> -> memref<1x128xi32, #tpu.memory_space<vmem>>
        %dma_wait3A_88 = tpu.memref_squeeze %dma_wait3A_87 : memref<1x128xi32, #tpu.memory_space<vmem>> -> memref<128xi32, #tpu.memory_space<vmem>>
        %dma_wait3A_89 = arith.constant 0 : i32
        %dma_wait3A_90 = tpu.memref_slice %arg7[%dma_wait3A_89] : memref<100352xf32, #tpu.memory_space<vmem_shared>> -> memref<100352xf32, #tpu.memory_space<vmem_shared>>
        tpu.wait_indirect_dma semaphore(%run_scoped3A_82 : memref<!tpu.dma_semaphore, #tpu.memory_space<semaphore_mem>>) src(%arg5 : memref<128xf32, #tpu.memory_space<vmem>>) dst(%dma_wait3A_90 : memref<100352xf32, #tpu.memory_space<vmem_shared>>)
        tpu.yield
      }) : () -> ()
      %run_scoped3A_77 = arith.constant 4 : i32
      "tpu.region"() ({
        %run_scoped3A_82 = tpu.sem_alloc : memref<!tpu.dma_semaphore, #tpu.memory_space<semaphore_mem>>
        %dma_start3A = arith.constant 0 : i32
        %dma_start3A_83 = tpu.memref_slice %arg4[%run_scoped3A_77, %dma_start3A] : memref<8x128xi32, #tpu.memory_space<vmem>> -> memref<1x128xi32, #tpu.memory_space<vmem>>
        %dma_start3A_84 = tpu.memref_squeeze %dma_start3A_83 : memref<1x128xi32, #tpu.memory_space<vmem>> -> memref<128xi32, #tpu.memory_space<vmem>>
        %dma_start3A_85 = arith.constant 0 : i32
        %dma_start3A_86 = tpu.memref_slice %arg7[%dma_start3A_85] : memref<100352xf32, #tpu.memory_space<vmem_shared>> -> memref<100352xf32, #tpu.memory_space<vmem_shared>>
        tpu.enqueue_indirect_dma source(%arg5 : memref<128xf32, #tpu.memory_space<vmem>>) target(%dma_start3A_86 : memref<100352xf32, #tpu.memory_space<vmem_shared>>) offsets(%dma_start3A_84 : memref<128xi32, #tpu.memory_space<vmem>>) semaphore(%run_scoped3A_82 : memref<!tpu.dma_semaphore, #tpu.memory_space<semaphore_mem>>) {add = true}
        %dma_wait3A = arith.constant 0 : i32
        %dma_wait3A_87 = tpu.memref_slice %arg4[%run_scoped3A_77, %dma_wait3A] : memref<8x128xi32, #tpu.memory_space<vmem>> -> memref<1x128xi32, #tpu.memory_space<vmem>>
        %dma_wait3A_88 = tpu.memref_squeeze %dma_wait3A_87 : memref<1x128xi32, #tpu.memory_space<vmem>> -> memref<128xi32, #tpu.memory_space<vmem>>
        %dma_wait3A_89 = arith.constant 0 : i32
        %dma_wait3A_90 = tpu.memref_slice %arg7[%dma_wait3A_89] : memref<100352xf32, #tpu.memory_space<vmem_shared>> -> memref<100352xf32, #tpu.memory_space<vmem_shared>>
        tpu.wait_indirect_dma semaphore(%run_scoped3A_82 : memref<!tpu.dma_semaphore, #tpu.memory_space<semaphore_mem>>) src(%arg5 : memref<128xf32, #tpu.memory_space<vmem>>) dst(%dma_wait3A_90 : memref<100352xf32, #tpu.memory_space<vmem_shared>>)
        tpu.yield
      }) : () -> ()
      %run_scoped3A_78 = arith.constant 5 : i32
      "tpu.region"() ({
        %run_scoped3A_82 = tpu.sem_alloc : memref<!tpu.dma_semaphore, #tpu.memory_space<semaphore_mem>>
        %dma_start3A = arith.constant 0 : i32
        %dma_start3A_83 = tpu.memref_slice %arg4[%run_scoped3A_78, %dma_start3A] : memref<8x128xi32, #tpu.memory_space<vmem>> -> memref<1x128xi32, #tpu.memory_space<vmem>>
        %dma_start3A_84 = tpu.memref_squeeze %dma_start3A_83 : memref<1x128xi32, #tpu.memory_space<vmem>> -> memref<128xi32, #tpu.memory_space<vmem>>
        %dma_start3A_85 = arith.constant 0 : i32
        %dma_start3A_86 = tpu.memref_slice %arg7[%dma_start3A_85] : memref<100352xf32, #tpu.memory_space<vmem_shared>> -> memref<100352xf32, #tpu.memory_space<vmem_shared>>
        tpu.enqueue_indirect_dma source(%arg5 : memref<128xf32, #tpu.memory_space<vmem>>) target(%dma_start3A_86 : memref<100352xf32, #tpu.memory_space<vmem_shared>>) offsets(%dma_start3A_84 : memref<128xi32, #tpu.memory_space<vmem>>) semaphore(%run_scoped3A_82 : memref<!tpu.dma_semaphore, #tpu.memory_space<semaphore_mem>>) {add = true}
        %dma_wait3A = arith.constant 0 : i32
        %dma_wait3A_87 = tpu.memref_slice %arg4[%run_scoped3A_78, %dma_wait3A] : memref<8x128xi32, #tpu.memory_space<vmem>> -> memref<1x128xi32, #tpu.memory_space<vmem>>
        %dma_wait3A_88 = tpu.memref_squeeze %dma_wait3A_87 : memref<1x128xi32, #tpu.memory_space<vmem>> -> memref<128xi32, #tpu.memory_space<vmem>>
        %dma_wait3A_89 = arith.constant 0 : i32
        %dma_wait3A_90 = tpu.memref_slice %arg7[%dma_wait3A_89] : memref<100352xf32, #tpu.memory_space<vmem_shared>> -> memref<100352xf32, #tpu.memory_space<vmem_shared>>
        tpu.wait_indirect_dma semaphore(%run_scoped3A_82 : memref<!tpu.dma_semaphore, #tpu.memory_space<semaphore_mem>>) src(%arg5 : memref<128xf32, #tpu.memory_space<vmem>>) dst(%dma_wait3A_90 : memref<100352xf32, #tpu.memory_space<vmem_shared>>)
        tpu.yield
      }) : () -> ()
      %run_scoped3A_79 = arith.constant 6 : i32
      "tpu.region"() ({
        %run_scoped3A_82 = tpu.sem_alloc : memref<!tpu.dma_semaphore, #tpu.memory_space<semaphore_mem>>
        %dma_start3A = arith.constant 0 : i32
        %dma_start3A_83 = tpu.memref_slice %arg4[%run_scoped3A_79, %dma_start3A] : memref<8x128xi32, #tpu.memory_space<vmem>> -> memref<1x128xi32, #tpu.memory_space<vmem>>
        %dma_start3A_84 = tpu.memref_squeeze %dma_start3A_83 : memref<1x128xi32, #tpu.memory_space<vmem>> -> memref<128xi32, #tpu.memory_space<vmem>>
        %dma_start3A_85 = arith.constant 0 : i32
        %dma_start3A_86 = tpu.memref_slice %arg7[%dma_start3A_85] : memref<100352xf32, #tpu.memory_space<vmem_shared>> -> memref<100352xf32, #tpu.memory_space<vmem_shared>>
        tpu.enqueue_indirect_dma source(%arg5 : memref<128xf32, #tpu.memory_space<vmem>>) target(%dma_start3A_86 : memref<100352xf32, #tpu.memory_space<vmem_shared>>) offsets(%dma_start3A_84 : memref<128xi32, #tpu.memory_space<vmem>>) semaphore(%run_scoped3A_82 : memref<!tpu.dma_semaphore, #tpu.memory_space<semaphore_mem>>) {add = true}
        %dma_wait3A = arith.constant 0 : i32
        %dma_wait3A_87 = tpu.memref_slice %arg4[%run_scoped3A_79, %dma_wait3A] : memref<8x128xi32, #tpu.memory_space<vmem>> -> memref<1x128xi32, #tpu.memory_space<vmem>>
        %dma_wait3A_88 = tpu.memref_squeeze %dma_wait3A_87 : memref<1x128xi32, #tpu.memory_space<vmem>> -> memref<128xi32, #tpu.memory_space<vmem>>
        %dma_wait3A_89 = arith.constant 0 : i32
        %dma_wait3A_90 = tpu.memref_slice %arg7[%dma_wait3A_89] : memref<100352xf32, #tpu.memory_space<vmem_shared>> -> memref<100352xf32, #tpu.memory_space<vmem_shared>>
        tpu.wait_indirect_dma semaphore(%run_scoped3A_82 : memref<!tpu.dma_semaphore, #tpu.memory_space<semaphore_mem>>) src(%arg5 : memref<128xf32, #tpu.memory_space<vmem>>) dst(%dma_wait3A_90 : memref<100352xf32, #tpu.memory_space<vmem_shared>>)
        tpu.yield
      }) : () -> ()
      %run_scoped3A_80 = arith.constant 7 : i32
      "tpu.region"() ({
        %run_scoped3A_82 = tpu.sem_alloc : memref<!tpu.dma_semaphore, #tpu.memory_space<semaphore_mem>>
        %dma_start3A = arith.constant 0 : i32
        %dma_start3A_83 = tpu.memref_slice %arg4[%run_scoped3A_80, %dma_start3A] : memref<8x128xi32, #tpu.memory_space<vmem>> -> memref<1x128xi32, #tpu.memory_space<vmem>>
        %dma_start3A_84 = tpu.memref_squeeze %dma_start3A_83 : memref<1x128xi32, #tpu.memory_space<vmem>> -> memref<128xi32, #tpu.memory_space<vmem>>
        %dma_start3A_85 = arith.constant 0 : i32
        %dma_start3A_86 = tpu.memref_slice %arg7[%dma_start3A_85] : memref<100352xf32, #tpu.memory_space<vmem_shared>> -> memref<100352xf32, #tpu.memory_space<vmem_shared>>
        tpu.enqueue_indirect_dma source(%arg5 : memref<128xf32, #tpu.memory_space<vmem>>) target(%dma_start3A_86 : memref<100352xf32, #tpu.memory_space<vmem_shared>>) offsets(%dma_start3A_84 : memref<128xi32, #tpu.memory_space<vmem>>) semaphore(%run_scoped3A_82 : memref<!tpu.dma_semaphore, #tpu.memory_space<semaphore_mem>>) {add = true}
        %dma_wait3A = arith.constant 0 : i32
        %dma_wait3A_87 = tpu.memref_slice %arg4[%run_scoped3A_80, %dma_wait3A] : memref<8x128xi32, #tpu.memory_space<vmem>> -> memref<1x128xi32, #tpu.memory_space<vmem>>
        %dma_wait3A_88 = tpu.memref_squeeze %dma_wait3A_87 : memref<1x128xi32, #tpu.memory_space<vmem>> -> memref<128xi32, #tpu.memory_space<vmem>>
        %dma_wait3A_89 = arith.constant 0 : i32
        %dma_wait3A_90 = tpu.memref_slice %arg7[%dma_wait3A_89] : memref<100352xf32, #tpu.memory_space<vmem_shared>> -> memref<100352xf32, #tpu.memory_space<vmem_shared>>
        tpu.wait_indirect_dma semaphore(%run_scoped3A_82 : memref<!tpu.dma_semaphore, #tpu.memory_space<semaphore_mem>>) src(%arg5 : memref<128xf32, #tpu.memory_space<vmem>>) dst(%dma_wait3A_90 : memref<100352xf32, #tpu.memory_space<vmem_shared>>)
        tpu.yield
      }) : () -> ()
      %scan3A_81 = arith.constant 0 : i32
      scf.yield %scan3A_81 : i32
    }
    %scan3A_63 = arith.constant 49 : i32
    %barrier3A_64 = arith.constant 0 : index
    tpu.barrier barrier_id(%barrier3A_64)
    %mul3A_65 = arith.constant 6272 : i32
    %mul3A_66 = arith.muli %arg1, %mul3A_65 : i32
    %mul3A_67 = arith.constant 6272 : i32
    %mul3A_68 = arith.muli %arg1, %mul3A_67 : i32
    "tpu.region"() ({
      %run_scoped3A = tpu.sem_alloc : memref<!tpu.dma_semaphore, #tpu.memory_space<semaphore_mem>>
      %dma_start3A = tpu.memref_slice %arg3[%arg0, %mul3A_68] : memref<2x100352xf32, #tpu.memory_space<hbm>> -> memref<1x6272xf32, #tpu.memory_space<hbm>>
      %dma_start3A_69 = tpu.memref_squeeze %dma_start3A : memref<1x6272xf32, #tpu.memory_space<hbm>> -> memref<6272xf32, #tpu.memory_space<hbm>>
      %dma_start3A_70 = tpu.memref_slice %arg7[%mul3A_66] : memref<100352xf32, #tpu.memory_space<vmem_shared>> -> memref<6272xf32, #tpu.memory_space<vmem_shared>>
      tpu.enqueue_dma source(%dma_start3A_70 : memref<6272xf32, #tpu.memory_space<vmem_shared>>) target(%dma_start3A_69 : memref<6272xf32, #tpu.memory_space<hbm>>) target_semaphore(%run_scoped3A : memref<!tpu.dma_semaphore, #tpu.memory_space<semaphore_mem>>)
      %dma_wait3A = tpu.memref_slice %arg3[%arg0, %mul3A_68] : memref<2x100352xf32, #tpu.memory_space<hbm>> -> memref<1x6272xf32, #tpu.memory_space<hbm>>
      %dma_wait3A_71 = tpu.memref_squeeze %dma_wait3A : memref<1x6272xf32, #tpu.memory_space<hbm>> -> memref<6272xf32, #tpu.memory_space<hbm>>
      %dma_wait3A_72 = tpu.memref_slice %arg7[%mul3A_66] : memref<100352xf32, #tpu.memory_space<vmem_shared>> -> memref<6272xf32, #tpu.memory_space<vmem_shared>>
      tpu.wait_dma2 semaphore(%run_scoped3A : memref<!tpu.dma_semaphore, #tpu.memory_space<semaphore_mem>>) src(%dma_wait3A_72 : memref<6272xf32, #tpu.memory_space<vmem_shared>>) dst(%dma_wait3A_71 : memref<6272xf32, #tpu.memory_space<hbm>>)
      tpu.yield
    }) : () -> ()
    return
  }
}

#map = affine_map<(d0, d1) -> (0, 0, 0)>
#map1 = affine_map<(d0, d1) -> (0, 0)>
module attributes {stable_mosaic.version = 14 : i64} {
  func.func @_msg_kernel(%arg0: i32, %arg1: i32, %arg2: memref<4x100352x16xf32, #tpu.memory_space<hbm>>, %arg3: memref<12544x128xi32, #tpu.memory_space<hbm>>, %arg4: memref<12544x128xi32, #tpu.memory_space<hbm>>, %arg5: memref<4x100352x16xf32, #tpu.memory_space<hbm>>, %arg6: memref<4x128xi32, #tpu.memory_space<vmem>>, %arg7: memref<4x128xi32, #tpu.memory_space<vmem>>, %arg8: memref<4x128xi32, #tpu.memory_space<vmem>>, %arg9: memref<4x128xi32, #tpu.memory_space<vmem>>, %arg10: memref<512x16xf32, #tpu.memory_space<vmem>>, %arg11: memref<512x16xf32, #tpu.memory_space<vmem>>, %arg12: memref<100352x16xf32, #tpu.memory_space<vmem_shared>>, %arg13: memref<!tpu.dma_semaphore, #tpu.memory_space<semaphore_mem>>, %arg14: memref<!tpu.dma_semaphore, #tpu.memory_space<semaphore_mem>>) attributes {dimension_semantics = [#tpu.dimension_semantics<core_parallel>, #tpu.dimension_semantics<subcore_parallel>], iteration_bounds = array<i64: 2, 16>, scalar_prefetch = 0 : i64, scratch_operands = 9 : i64, tpu.core_type = #tpu.core_type<sc_vector_subcore>, window_params = [{transform_indices = #map}, {transform_indices = #map1}, {transform_indices = #map1}, {transform_indices = #map}]} {
    %mul3A = arith.constant 6272 : i32
    %mul3A_0 = arith.muli %arg1, %mul3A : i32
    %mul3A_1 = arith.constant 784 : i32
    %mul3A_2 = arith.muli %arg1, %mul3A_1 : i32
    %scan3A = arith.constant 0 : i32
    %scan3A_3 = arith.constant 0 : i32
    %scan3A_4 = arith.constant 2 : i32
    %scan3A_5 = arith.addi %scan3A_3, %scan3A_4 : i32
    %scan3A_6 = arith.constant 1 : i32
    %scan3A_7 = scf.for %scan3A_9 = %scan3A_3 to %scan3A_5 step %scan3A_6 iter_args(%scan3A_10 = %scan3A) -> (i32)  : i32 {
      %mul3A_11 = arith.constant 2 : i32
      %mul3A_12 = arith.muli %mul3A_11, %scan3A_9 : i32
      %add3A = arith.addi %mul3A_12, %arg0 : i32
      "tpu.region"() ({
        %run_scoped3A = tpu.sem_alloc : memref<!tpu.dma_semaphore, #tpu.memory_space<semaphore_mem>>
        %dma_start3A_80 = arith.constant 0 : i32
        %dma_start3A_81 = tpu.memref_slice %arg12[%mul3A_0, %dma_start3A_80] : memref<100352x16xf32, #tpu.memory_space<vmem_shared>> -> memref<6272x16xf32, #tpu.memory_space<vmem_shared>>
        %dma_start3A_82 = arith.constant 0 : i32
        %dma_start3A_83 = tpu.memref_slice %arg2[%add3A, %mul3A_0, %dma_start3A_82] : memref<4x100352x16xf32, #tpu.memory_space<hbm>> -> memref<1x6272x16xf32, #tpu.memory_space<hbm>>
        %dma_start3A_84 = tpu.memref_squeeze %dma_start3A_83 : memref<1x6272x16xf32, #tpu.memory_space<hbm>> -> memref<6272x16xf32, #tpu.memory_space<hbm>>
        tpu.enqueue_dma source(%dma_start3A_84 : memref<6272x16xf32, #tpu.memory_space<hbm>>) target(%dma_start3A_81 : memref<6272x16xf32, #tpu.memory_space<vmem_shared>>) target_semaphore(%run_scoped3A : memref<!tpu.dma_semaphore, #tpu.memory_space<semaphore_mem>>)
        %dma_wait3A = arith.constant 0 : i32
        %dma_wait3A_85 = tpu.memref_slice %arg12[%mul3A_0, %dma_wait3A] : memref<100352x16xf32, #tpu.memory_space<vmem_shared>> -> memref<6272x16xf32, #tpu.memory_space<vmem_shared>>
        %dma_wait3A_86 = arith.constant 0 : i32
        %dma_wait3A_87 = tpu.memref_slice %arg2[%add3A, %mul3A_0, %dma_wait3A_86] : memref<4x100352x16xf32, #tpu.memory_space<hbm>> -> memref<1x6272x16xf32, #tpu.memory_space<hbm>>
        %dma_wait3A_88 = tpu.memref_squeeze %dma_wait3A_87 : memref<1x6272x16xf32, #tpu.memory_space<hbm>> -> memref<6272x16xf32, #tpu.memory_space<hbm>>
        tpu.wait_dma2 semaphore(%run_scoped3A : memref<!tpu.dma_semaphore, #tpu.memory_space<semaphore_mem>>) src(%dma_wait3A_88 : memref<6272x16xf32, #tpu.memory_space<hbm>>) dst(%dma_wait3A_85 : memref<6272x16xf32, #tpu.memory_space<vmem_shared>>)
        tpu.yield
      }) : () -> ()
      %barrier3A = arith.constant 0 : index
      tpu.barrier barrier_id(%barrier3A)
      %add3A_13 = arith.constant 0 : i32
      %add3A_14 = arith.addi %mul3A_2, %add3A_13 : i32
      "tpu.region"() ({
        %run_scoped3A = tpu.sem_alloc : memref<!tpu.dma_semaphore, #tpu.memory_space<semaphore_mem>>
        %dma_start3A_80 = arith.constant 0 : i32
        %dma_start3A_81 = tpu.memref_slice %arg3[%add3A_14, %dma_start3A_80] : memref<12544x128xi32, #tpu.memory_space<hbm>> -> memref<4x128xi32, #tpu.memory_space<hbm>>
        %dma_start3A_82 = arith.constant 0 : i32
        %dma_start3A_83 = tpu.memref_slice %arg3[%add3A_14, %dma_start3A_82] : memref<12544x128xi32, #tpu.memory_space<hbm>> -> memref<4x128xi32, #tpu.memory_space<hbm>>
        tpu.enqueue_dma source(%dma_start3A_83 : memref<4x128xi32, #tpu.memory_space<hbm>>) target(%arg6 : memref<4x128xi32, #tpu.memory_space<vmem>>) target_semaphore(%run_scoped3A : memref<!tpu.dma_semaphore, #tpu.memory_space<semaphore_mem>>)
        %dma_wait3A = arith.constant 0 : i32
        %dma_wait3A_84 = tpu.memref_slice %arg3[%add3A_14, %dma_wait3A] : memref<12544x128xi32, #tpu.memory_space<hbm>> -> memref<4x128xi32, #tpu.memory_space<hbm>>
        %dma_wait3A_85 = arith.constant 0 : i32
        %dma_wait3A_86 = tpu.memref_slice %arg3[%add3A_14, %dma_wait3A_85] : memref<12544x128xi32, #tpu.memory_space<hbm>> -> memref<4x128xi32, #tpu.memory_space<hbm>>
        tpu.wait_dma2 semaphore(%run_scoped3A : memref<!tpu.dma_semaphore, #tpu.memory_space<semaphore_mem>>) src(%dma_wait3A_86 : memref<4x128xi32, #tpu.memory_space<hbm>>) dst(%arg6 : memref<4x128xi32, #tpu.memory_space<vmem>>)
        tpu.yield
      }) : () -> ()
      "tpu.region"() ({
        %run_scoped3A = tpu.sem_alloc : memref<!tpu.dma_semaphore, #tpu.memory_space<semaphore_mem>>
        %dma_start3A_80 = arith.constant 0 : i32
        %dma_start3A_81 = tpu.memref_slice %arg4[%add3A_14, %dma_start3A_80] : memref<12544x128xi32, #tpu.memory_space<hbm>> -> memref<4x128xi32, #tpu.memory_space<hbm>>
        %dma_start3A_82 = arith.constant 0 : i32
        %dma_start3A_83 = tpu.memref_slice %arg4[%add3A_14, %dma_start3A_82] : memref<12544x128xi32, #tpu.memory_space<hbm>> -> memref<4x128xi32, #tpu.memory_space<hbm>>
        tpu.enqueue_dma source(%dma_start3A_83 : memref<4x128xi32, #tpu.memory_space<hbm>>) target(%arg7 : memref<4x128xi32, #tpu.memory_space<vmem>>) target_semaphore(%run_scoped3A : memref<!tpu.dma_semaphore, #tpu.memory_space<semaphore_mem>>)
        %dma_wait3A = arith.constant 0 : i32
        %dma_wait3A_84 = tpu.memref_slice %arg4[%add3A_14, %dma_wait3A] : memref<12544x128xi32, #tpu.memory_space<hbm>> -> memref<4x128xi32, #tpu.memory_space<hbm>>
        %dma_wait3A_85 = arith.constant 0 : i32
        %dma_wait3A_86 = tpu.memref_slice %arg4[%add3A_14, %dma_wait3A_85] : memref<12544x128xi32, #tpu.memory_space<hbm>> -> memref<4x128xi32, #tpu.memory_space<hbm>>
        tpu.wait_dma2 semaphore(%run_scoped3A : memref<!tpu.dma_semaphore, #tpu.memory_space<semaphore_mem>>) src(%dma_wait3A_86 : memref<4x128xi32, #tpu.memory_space<hbm>>) dst(%arg7 : memref<4x128xi32, #tpu.memory_space<vmem>>)
        tpu.yield
      }) : () -> ()
      %dma_start3A = arith.constant 0 : i32
      %dma_start3A_15 = arith.constant 0 : i32
      %dma_start3A_16 = arith.constant 0 : i32
      %dma_start3A_17 = tpu.memref_slice %arg10[%dma_start3A_15, %dma_start3A_16] : memref<512x16xf32, #tpu.memory_space<vmem>> -> memref<128x16xf32, #tpu.memory_space<vmem>>
      %dma_start3A_18 = arith.constant 0 : i32
      %dma_start3A_19 = tpu.memref_slice %arg6[%dma_start3A, %dma_start3A_18] : memref<4x128xi32, #tpu.memory_space<vmem>> -> memref<1x128xi32, #tpu.memory_space<vmem>>
      %dma_start3A_20 = tpu.memref_squeeze %dma_start3A_19 : memref<1x128xi32, #tpu.memory_space<vmem>> -> memref<128xi32, #tpu.memory_space<vmem>>
      %dma_start3A_21 = arith.constant 0 : i32
      %dma_start3A_22 = arith.constant 0 : i32
      %dma_start3A_23 = tpu.memref_slice %arg2[%add3A, %dma_start3A_21, %dma_start3A_22] : memref<4x100352x16xf32, #tpu.memory_space<hbm>> -> memref<1x100352x16xf32, #tpu.memory_space<hbm>>
      %dma_start3A_24 = tpu.memref_squeeze %dma_start3A_23 : memref<1x100352x16xf32, #tpu.memory_space<hbm>> -> memref<100352x16xf32, #tpu.memory_space<hbm>>
      %dma_start3A_25 = arith.constant 0 : i32
      %dma_start3A_26 = arith.constant 0 : i32
      %dma_start3A_27 = tpu.memref_slice %dma_start3A_24[%dma_start3A_25, %dma_start3A_26] : memref<100352x16xf32, #tpu.memory_space<hbm>> -> memref<100352x16xf32, #tpu.memory_space<hbm>>
      tpu.enqueue_indirect_dma source(%dma_start3A_27 : memref<100352x16xf32, #tpu.memory_space<hbm>>) target(%dma_start3A_17 : memref<128x16xf32, #tpu.memory_space<vmem>>) offsets(%dma_start3A_20 : memref<128xi32, #tpu.memory_space<vmem>>) semaphore(%arg13 : memref<!tpu.dma_semaphore, #tpu.memory_space<semaphore_mem>>)
      %dma_start3A_28 = arith.constant 1 : i32
      %dma_start3A_29 = arith.constant 128 : i32
      %dma_start3A_30 = arith.constant 0 : i32
      %dma_start3A_31 = tpu.memref_slice %arg10[%dma_start3A_29, %dma_start3A_30] : memref<512x16xf32, #tpu.memory_space<vmem>> -> memref<128x16xf32, #tpu.memory_space<vmem>>
      %dma_start3A_32 = arith.constant 0 : i32
      %dma_start3A_33 = tpu.memref_slice %arg6[%dma_start3A_28, %dma_start3A_32] : memref<4x128xi32, #tpu.memory_space<vmem>> -> memref<1x128xi32, #tpu.memory_space<vmem>>
      %dma_start3A_34 = tpu.memref_squeeze %dma_start3A_33 : memref<1x128xi32, #tpu.memory_space<vmem>> -> memref<128xi32, #tpu.memory_space<vmem>>
      %dma_start3A_35 = arith.constant 0 : i32
      %dma_start3A_36 = arith.constant 0 : i32
      %dma_start3A_37 = tpu.memref_slice %arg2[%add3A, %dma_start3A_35, %dma_start3A_36] : memref<4x100352x16xf32, #tpu.memory_space<hbm>> -> memref<1x100352x16xf32, #tpu.memory_space<hbm>>
      %dma_start3A_38 = tpu.memref_squeeze %dma_start3A_37 : memref<1x100352x16xf32, #tpu.memory_space<hbm>> -> memref<100352x16xf32, #tpu.memory_space<hbm>>
      %dma_start3A_39 = arith.constant 0 : i32
      %dma_start3A_40 = arith.constant 0 : i32
      %dma_start3A_41 = tpu.memref_slice %dma_start3A_38[%dma_start3A_39, %dma_start3A_40] : memref<100352x16xf32, #tpu.memory_space<hbm>> -> memref<100352x16xf32, #tpu.memory_space<hbm>>
      tpu.enqueue_indirect_dma source(%dma_start3A_41 : memref<100352x16xf32, #tpu.memory_space<hbm>>) target(%dma_start3A_31 : memref<128x16xf32, #tpu.memory_space<vmem>>) offsets(%dma_start3A_34 : memref<128xi32, #tpu.memory_space<vmem>>) semaphore(%arg13 : memref<!tpu.dma_semaphore, #tpu.memory_space<semaphore_mem>>)
      %dma_start3A_42 = arith.constant 2 : i32
      %dma_start3A_43 = arith.constant 256 : i32
      %dma_start3A_44 = arith.constant 0 : i32
      %dma_start3A_45 = tpu.memref_slice %arg10[%dma_start3A_43, %dma_start3A_44] : memref<512x16xf32, #tpu.memory_space<vmem>> -> memref<128x16xf32, #tpu.memory_space<vmem>>
      %dma_start3A_46 = arith.constant 0 : i32
      %dma_start3A_47 = tpu.memref_slice %arg6[%dma_start3A_42, %dma_start3A_46] : memref<4x128xi32, #tpu.memory_space<vmem>> -> memref<1x128xi32, #tpu.memory_space<vmem>>
      %dma_start3A_48 = tpu.memref_squeeze %dma_start3A_47 : memref<1x128xi32, #tpu.memory_space<vmem>> -> memref<128xi32, #tpu.memory_space<vmem>>
      %dma_start3A_49 = arith.constant 0 : i32
      %dma_start3A_50 = arith.constant 0 : i32
      %dma_start3A_51 = tpu.memref_slice %arg2[%add3A, %dma_start3A_49, %dma_start3A_50] : memref<4x100352x16xf32, #tpu.memory_space<hbm>> -> memref<1x100352x16xf32, #tpu.memory_space<hbm>>
      %dma_start3A_52 = tpu.memref_squeeze %dma_start3A_51 : memref<1x100352x16xf32, #tpu.memory_space<hbm>> -> memref<100352x16xf32, #tpu.memory_space<hbm>>
      %dma_start3A_53 = arith.constant 0 : i32
      %dma_start3A_54 = arith.constant 0 : i32
      %dma_start3A_55 = tpu.memref_slice %dma_start3A_52[%dma_start3A_53, %dma_start3A_54] : memref<100352x16xf32, #tpu.memory_space<hbm>> -> memref<100352x16xf32, #tpu.memory_space<hbm>>
      tpu.enqueue_indirect_dma source(%dma_start3A_55 : memref<100352x16xf32, #tpu.memory_space<hbm>>) target(%dma_start3A_45 : memref<128x16xf32, #tpu.memory_space<vmem>>) offsets(%dma_start3A_48 : memref<128xi32, #tpu.memory_space<vmem>>) semaphore(%arg13 : memref<!tpu.dma_semaphore, #tpu.memory_space<semaphore_mem>>)
      %dma_start3A_56 = arith.constant 3 : i32
      %dma_start3A_57 = arith.constant 384 : i32
      %dma_start3A_58 = arith.constant 0 : i32
      %dma_start3A_59 = tpu.memref_slice %arg10[%dma_start3A_57, %dma_start3A_58] : memref<512x16xf32, #tpu.memory_space<vmem>> -> memref<128x16xf32, #tpu.memory_space<vmem>>
      %dma_start3A_60 = arith.constant 0 : i32
      %dma_start3A_61 = tpu.memref_slice %arg6[%dma_start3A_56, %dma_start3A_60] : memref<4x128xi32, #tpu.memory_space<vmem>> -> memref<1x128xi32, #tpu.memory_space<vmem>>
      %dma_start3A_62 = tpu.memref_squeeze %dma_start3A_61 : memref<1x128xi32, #tpu.memory_space<vmem>> -> memref<128xi32, #tpu.memory_space<vmem>>
      %dma_start3A_63 = arith.constant 0 : i32
      %dma_start3A_64 = arith.constant 0 : i32
      %dma_start3A_65 = tpu.memref_slice %arg2[%add3A, %dma_start3A_63, %dma_start3A_64] : memref<4x100352x16xf32, #tpu.memory_space<hbm>> -> memref<1x100352x16xf32, #tpu.memory_space<hbm>>
      %dma_start3A_66 = tpu.memref_squeeze %dma_start3A_65 : memref<1x100352x16xf32, #tpu.memory_space<hbm>> -> memref<100352x16xf32, #tpu.memory_space<hbm>>
      %dma_start3A_67 = arith.constant 0 : i32
      %dma_start3A_68 = arith.constant 0 : i32
      %dma_start3A_69 = tpu.memref_slice %dma_start3A_66[%dma_start3A_67, %dma_start3A_68] : memref<100352x16xf32, #tpu.memory_space<hbm>> -> memref<100352x16xf32, #tpu.memory_space<hbm>>
      tpu.enqueue_indirect_dma source(%dma_start3A_69 : memref<100352x16xf32, #tpu.memory_space<hbm>>) target(%dma_start3A_59 : memref<128x16xf32, #tpu.memory_space<vmem>>) offsets(%dma_start3A_62 : memref<128xi32, #tpu.memory_space<vmem>>) semaphore(%arg13 : memref<!tpu.dma_semaphore, #tpu.memory_space<semaphore_mem>>)
      %scan3A_70 = arith.constant 0 : i32
      %scan3A_71 = arith.constant 0 : i32
      %scan3A_72 = arith.constant 98 : i32
      %scan3A_73 = arith.addi %scan3A_71, %scan3A_72 : i32
      %scan3A_74 = arith.constant 1 : i32
      %scan3A_75 = scf.for %scan3A_80 = %scan3A_71 to %scan3A_73 step %scan3A_74 iter_args(%scan3A_81 = %scan3A_70) -> (i32)  : i32 {
        %dma_wait3A = arith.constant 0 : i32
        %dma_wait3A_82 = arith.constant 0 : i32
        %dma_wait3A_83 = arith.constant 0 : i32
        %dma_wait3A_84 = tpu.memref_slice %arg10[%dma_wait3A_82, %dma_wait3A_83] : memref<512x16xf32, #tpu.memory_space<vmem>> -> memref<128x16xf32, #tpu.memory_space<vmem>>
        %dma_wait3A_85 = arith.constant 0 : i32
        %dma_wait3A_86 = tpu.memref_slice %arg6[%dma_wait3A, %dma_wait3A_85] : memref<4x128xi32, #tpu.memory_space<vmem>> -> memref<1x128xi32, #tpu.memory_space<vmem>>
        %dma_wait3A_87 = tpu.memref_squeeze %dma_wait3A_86 : memref<1x128xi32, #tpu.memory_space<vmem>> -> memref<128xi32, #tpu.memory_space<vmem>>
        %dma_wait3A_88 = arith.constant 0 : i32
        %dma_wait3A_89 = arith.constant 0 : i32
        %dma_wait3A_90 = tpu.memref_slice %arg2[%add3A, %dma_wait3A_88, %dma_wait3A_89] : memref<4x100352x16xf32, #tpu.memory_space<hbm>> -> memref<1x100352x16xf32, #tpu.memory_space<hbm>>
        %dma_wait3A_91 = tpu.memref_squeeze %dma_wait3A_90 : memref<1x100352x16xf32, #tpu.memory_space<hbm>> -> memref<100352x16xf32, #tpu.memory_space<hbm>>
        %dma_wait3A_92 = arith.constant 0 : i32
        %dma_wait3A_93 = arith.constant 0 : i32
        %dma_wait3A_94 = tpu.memref_slice %dma_wait3A_91[%dma_wait3A_92, %dma_wait3A_93] : memref<100352x16xf32, #tpu.memory_space<hbm>> -> memref<100352x16xf32, #tpu.memory_space<hbm>>
        tpu.wait_indirect_dma semaphore(%arg13 : memref<!tpu.dma_semaphore, #tpu.memory_space<semaphore_mem>>) src(%dma_wait3A_94 : memref<100352x16xf32, #tpu.memory_space<hbm>>) dst(%dma_wait3A_84 : memref<128x16xf32, #tpu.memory_space<vmem>>)
        %dma_wait3A_95 = arith.constant 1 : i32
        %dma_wait3A_96 = arith.constant 128 : i32
        %dma_wait3A_97 = arith.constant 0 : i32
        %dma_wait3A_98 = tpu.memref_slice %arg10[%dma_wait3A_96, %dma_wait3A_97] : memref<512x16xf32, #tpu.memory_space<vmem>> -> memref<128x16xf32, #tpu.memory_space<vmem>>
        %dma_wait3A_99 = arith.constant 0 : i32
        %dma_wait3A_100 = tpu.memref_slice %arg6[%dma_wait3A_95, %dma_wait3A_99] : memref<4x128xi32, #tpu.memory_space<vmem>> -> memref<1x128xi32, #tpu.memory_space<vmem>>
        %dma_wait3A_101 = tpu.memref_squeeze %dma_wait3A_100 : memref<1x128xi32, #tpu.memory_space<vmem>> -> memref<128xi32, #tpu.memory_space<vmem>>
        %dma_wait3A_102 = arith.constant 0 : i32
        %dma_wait3A_103 = arith.constant 0 : i32
        %dma_wait3A_104 = tpu.memref_slice %arg2[%add3A, %dma_wait3A_102, %dma_wait3A_103] : memref<4x100352x16xf32, #tpu.memory_space<hbm>> -> memref<1x100352x16xf32, #tpu.memory_space<hbm>>
        %dma_wait3A_105 = tpu.memref_squeeze %dma_wait3A_104 : memref<1x100352x16xf32, #tpu.memory_space<hbm>> -> memref<100352x16xf32, #tpu.memory_space<hbm>>
        %dma_wait3A_106 = arith.constant 0 : i32
        %dma_wait3A_107 = arith.constant 0 : i32
        %dma_wait3A_108 = tpu.memref_slice %dma_wait3A_105[%dma_wait3A_106, %dma_wait3A_107] : memref<100352x16xf32, #tpu.memory_space<hbm>> -> memref<100352x16xf32, #tpu.memory_space<hbm>>
        tpu.wait_indirect_dma semaphore(%arg13 : memref<!tpu.dma_semaphore, #tpu.memory_space<semaphore_mem>>) src(%dma_wait3A_108 : memref<100352x16xf32, #tpu.memory_space<hbm>>) dst(%dma_wait3A_98 : memref<128x16xf32, #tpu.memory_space<vmem>>)
        %dma_wait3A_109 = arith.constant 2 : i32
        %dma_wait3A_110 = arith.constant 256 : i32
        %dma_wait3A_111 = arith.constant 0 : i32
        %dma_wait3A_112 = tpu.memref_slice %arg10[%dma_wait3A_110, %dma_wait3A_111] : memref<512x16xf32, #tpu.memory_space<vmem>> -> memref<128x16xf32, #tpu.memory_space<vmem>>
        %dma_wait3A_113 = arith.constant 0 : i32
        %dma_wait3A_114 = tpu.memref_slice %arg6[%dma_wait3A_109, %dma_wait3A_113] : memref<4x128xi32, #tpu.memory_space<vmem>> -> memref<1x128xi32, #tpu.memory_space<vmem>>
        %dma_wait3A_115 = tpu.memref_squeeze %dma_wait3A_114 : memref<1x128xi32, #tpu.memory_space<vmem>> -> memref<128xi32, #tpu.memory_space<vmem>>
        %dma_wait3A_116 = arith.constant 0 : i32
        %dma_wait3A_117 = arith.constant 0 : i32
        %dma_wait3A_118 = tpu.memref_slice %arg2[%add3A, %dma_wait3A_116, %dma_wait3A_117] : memref<4x100352x16xf32, #tpu.memory_space<hbm>> -> memref<1x100352x16xf32, #tpu.memory_space<hbm>>
        %dma_wait3A_119 = tpu.memref_squeeze %dma_wait3A_118 : memref<1x100352x16xf32, #tpu.memory_space<hbm>> -> memref<100352x16xf32, #tpu.memory_space<hbm>>
        %dma_wait3A_120 = arith.constant 0 : i32
        %dma_wait3A_121 = arith.constant 0 : i32
        %dma_wait3A_122 = tpu.memref_slice %dma_wait3A_119[%dma_wait3A_120, %dma_wait3A_121] : memref<100352x16xf32, #tpu.memory_space<hbm>> -> memref<100352x16xf32, #tpu.memory_space<hbm>>
        tpu.wait_indirect_dma semaphore(%arg13 : memref<!tpu.dma_semaphore, #tpu.memory_space<semaphore_mem>>) src(%dma_wait3A_122 : memref<100352x16xf32, #tpu.memory_space<hbm>>) dst(%dma_wait3A_112 : memref<128x16xf32, #tpu.memory_space<vmem>>)
        %dma_wait3A_123 = arith.constant 3 : i32
        %dma_wait3A_124 = arith.constant 384 : i32
        %dma_wait3A_125 = arith.constant 0 : i32
        %dma_wait3A_126 = tpu.memref_slice %arg10[%dma_wait3A_124, %dma_wait3A_125] : memref<512x16xf32, #tpu.memory_space<vmem>> -> memref<128x16xf32, #tpu.memory_space<vmem>>
        %dma_wait3A_127 = arith.constant 0 : i32
        %dma_wait3A_128 = tpu.memref_slice %arg6[%dma_wait3A_123, %dma_wait3A_127] : memref<4x128xi32, #tpu.memory_space<vmem>> -> memref<1x128xi32, #tpu.memory_space<vmem>>
        %dma_wait3A_129 = tpu.memref_squeeze %dma_wait3A_128 : memref<1x128xi32, #tpu.memory_space<vmem>> -> memref<128xi32, #tpu.memory_space<vmem>>
        %dma_wait3A_130 = arith.constant 0 : i32
        %dma_wait3A_131 = arith.constant 0 : i32
        %dma_wait3A_132 = tpu.memref_slice %arg2[%add3A, %dma_wait3A_130, %dma_wait3A_131] : memref<4x100352x16xf32, #tpu.memory_space<hbm>> -> memref<1x100352x16xf32, #tpu.memory_space<hbm>>
        %dma_wait3A_133 = tpu.memref_squeeze %dma_wait3A_132 : memref<1x100352x16xf32, #tpu.memory_space<hbm>> -> memref<100352x16xf32, #tpu.memory_space<hbm>>
        %dma_wait3A_134 = arith.constant 0 : i32
        %dma_wait3A_135 = arith.constant 0 : i32
        %dma_wait3A_136 = tpu.memref_slice %dma_wait3A_133[%dma_wait3A_134, %dma_wait3A_135] : memref<100352x16xf32, #tpu.memory_space<hbm>> -> memref<100352x16xf32, #tpu.memory_space<hbm>>
        tpu.wait_indirect_dma semaphore(%arg13 : memref<!tpu.dma_semaphore, #tpu.memory_space<semaphore_mem>>) src(%dma_wait3A_136 : memref<100352x16xf32, #tpu.memory_space<hbm>>) dst(%dma_wait3A_126 : memref<128x16xf32, #tpu.memory_space<vmem>>)
        %mul3A_137 = arith.constant 2 : i32
        %mul3A_138 = arith.muli %mul3A_137, %scan3A_80 : i32
        %add3A_139 = arith.constant 1 : i32
        %add3A_140 = arith.addi %mul3A_138, %add3A_139 : i32
        %mul3A_141 = arith.constant 4 : i32
        %mul3A_142 = arith.muli %add3A_140, %mul3A_141 : i32
        %add3A_143 = arith.addi %mul3A_2, %mul3A_142 : i32
        "tpu.region"() ({
          %run_scoped3A_266 = tpu.sem_alloc : memref<!tpu.dma_semaphore, #tpu.memory_space<semaphore_mem>>
          %dma_start3A_267 = arith.constant 0 : i32
          %dma_start3A_268 = tpu.memref_slice %arg3[%add3A_143, %dma_start3A_267] : memref<12544x128xi32, #tpu.memory_space<hbm>> -> memref<4x128xi32, #tpu.memory_space<hbm>>
          %dma_start3A_269 = arith.constant 0 : i32
          %dma_start3A_270 = tpu.memref_slice %arg3[%add3A_143, %dma_start3A_269] : memref<12544x128xi32, #tpu.memory_space<hbm>> -> memref<4x128xi32, #tpu.memory_space<hbm>>
          tpu.enqueue_dma source(%dma_start3A_270 : memref<4x128xi32, #tpu.memory_space<hbm>>) target(%arg8 : memref<4x128xi32, #tpu.memory_space<vmem>>) target_semaphore(%run_scoped3A_266 : memref<!tpu.dma_semaphore, #tpu.memory_space<semaphore_mem>>)
          %dma_wait3A_271 = arith.constant 0 : i32
          %dma_wait3A_272 = tpu.memref_slice %arg3[%add3A_143, %dma_wait3A_271] : memref<12544x128xi32, #tpu.memory_space<hbm>> -> memref<4x128xi32, #tpu.memory_space<hbm>>
          %dma_wait3A_273 = arith.constant 0 : i32
          %dma_wait3A_274 = tpu.memref_slice %arg3[%add3A_143, %dma_wait3A_273] : memref<12544x128xi32, #tpu.memory_space<hbm>> -> memref<4x128xi32, #tpu.memory_space<hbm>>
          tpu.wait_dma2 semaphore(%run_scoped3A_266 : memref<!tpu.dma_semaphore, #tpu.memory_space<semaphore_mem>>) src(%dma_wait3A_274 : memref<4x128xi32, #tpu.memory_space<hbm>>) dst(%arg8 : memref<4x128xi32, #tpu.memory_space<vmem>>)
          tpu.yield
        }) : () -> ()
        "tpu.region"() ({
          %run_scoped3A_266 = tpu.sem_alloc : memref<!tpu.dma_semaphore, #tpu.memory_space<semaphore_mem>>
          %dma_start3A_267 = arith.constant 0 : i32
          %dma_start3A_268 = tpu.memref_slice %arg4[%add3A_143, %dma_start3A_267] : memref<12544x128xi32, #tpu.memory_space<hbm>> -> memref<4x128xi32, #tpu.memory_space<hbm>>
          %dma_start3A_269 = arith.constant 0 : i32
          %dma_start3A_270 = tpu.memref_slice %arg4[%add3A_143, %dma_start3A_269] : memref<12544x128xi32, #tpu.memory_space<hbm>> -> memref<4x128xi32, #tpu.memory_space<hbm>>
          tpu.enqueue_dma source(%dma_start3A_270 : memref<4x128xi32, #tpu.memory_space<hbm>>) target(%arg9 : memref<4x128xi32, #tpu.memory_space<vmem>>) target_semaphore(%run_scoped3A_266 : memref<!tpu.dma_semaphore, #tpu.memory_space<semaphore_mem>>)
          %dma_wait3A_271 = arith.constant 0 : i32
          %dma_wait3A_272 = tpu.memref_slice %arg4[%add3A_143, %dma_wait3A_271] : memref<12544x128xi32, #tpu.memory_space<hbm>> -> memref<4x128xi32, #tpu.memory_space<hbm>>
          %dma_wait3A_273 = arith.constant 0 : i32
          %dma_wait3A_274 = tpu.memref_slice %arg4[%add3A_143, %dma_wait3A_273] : memref<12544x128xi32, #tpu.memory_space<hbm>> -> memref<4x128xi32, #tpu.memory_space<hbm>>
          tpu.wait_dma2 semaphore(%run_scoped3A_266 : memref<!tpu.dma_semaphore, #tpu.memory_space<semaphore_mem>>) src(%dma_wait3A_274 : memref<4x128xi32, #tpu.memory_space<hbm>>) dst(%arg9 : memref<4x128xi32, #tpu.memory_space<vmem>>)
          tpu.yield
        }) : () -> ()
        %dma_start3A_144 = arith.constant 0 : i32
        %dma_start3A_145 = arith.constant 0 : i32
        %dma_start3A_146 = arith.constant 0 : i32
        %dma_start3A_147 = tpu.memref_slice %arg11[%dma_start3A_145, %dma_start3A_146] : memref<512x16xf32, #tpu.memory_space<vmem>> -> memref<128x16xf32, #tpu.memory_space<vmem>>
        %dma_start3A_148 = arith.constant 0 : i32
        %dma_start3A_149 = tpu.memref_slice %arg8[%dma_start3A_144, %dma_start3A_148] : memref<4x128xi32, #tpu.memory_space<vmem>> -> memref<1x128xi32, #tpu.memory_space<vmem>>
        %dma_start3A_150 = tpu.memref_squeeze %dma_start3A_149 : memref<1x128xi32, #tpu.memory_space<vmem>> -> memref<128xi32, #tpu.memory_space<vmem>>
        %dma_start3A_151 = arith.constant 0 : i32
        %dma_start3A_152 = arith.constant 0 : i32
        %dma_start3A_153 = tpu.memref_slice %arg2[%add3A, %dma_start3A_151, %dma_start3A_152] : memref<4x100352x16xf32, #tpu.memory_space<hbm>> -> memref<1x100352x16xf32, #tpu.memory_space<hbm>>
        %dma_start3A_154 = tpu.memref_squeeze %dma_start3A_153 : memref<1x100352x16xf32, #tpu.memory_space<hbm>> -> memref<100352x16xf32, #tpu.memory_space<hbm>>
        %dma_start3A_155 = arith.constant 0 : i32
        %dma_start3A_156 = arith.constant 0 : i32
        %dma_start3A_157 = tpu.memref_slice %dma_start3A_154[%dma_start3A_155, %dma_start3A_156] : memref<100352x16xf32, #tpu.memory_space<hbm>> -> memref<100352x16xf32, #tpu.memory_space<hbm>>
        tpu.enqueue_indirect_dma source(%dma_start3A_157 : memref<100352x16xf32, #tpu.memory_space<hbm>>) target(%dma_start3A_147 : memref<128x16xf32, #tpu.memory_space<vmem>>) offsets(%dma_start3A_150 : memref<128xi32, #tpu.memory_space<vmem>>) semaphore(%arg14 : memref<!tpu.dma_semaphore, #tpu.memory_space<semaphore_mem>>)
        %dma_start3A_158 = arith.constant 1 : i32
        %dma_start3A_159 = arith.constant 128 : i32
        %dma_start3A_160 = arith.constant 0 : i32
        %dma_start3A_161 = tpu.memref_slice %arg11[%dma_start3A_159, %dma_start3A_160] : memref<512x16xf32, #tpu.memory_space<vmem>> -> memref<128x16xf32, #tpu.memory_space<vmem>>
        %dma_start3A_162 = arith.constant 0 : i32
        %dma_start3A_163 = tpu.memref_slice %arg8[%dma_start3A_158, %dma_start3A_162] : memref<4x128xi32, #tpu.memory_space<vmem>> -> memref<1x128xi32, #tpu.memory_space<vmem>>
        %dma_start3A_164 = tpu.memref_squeeze %dma_start3A_163 : memref<1x128xi32, #tpu.memory_space<vmem>> -> memref<128xi32, #tpu.memory_space<vmem>>
        %dma_start3A_165 = arith.constant 0 : i32
        %dma_start3A_166 = arith.constant 0 : i32
        %dma_start3A_167 = tpu.memref_slice %arg2[%add3A, %dma_start3A_165, %dma_start3A_166] : memref<4x100352x16xf32, #tpu.memory_space<hbm>> -> memref<1x100352x16xf32, #tpu.memory_space<hbm>>
        %dma_start3A_168 = tpu.memref_squeeze %dma_start3A_167 : memref<1x100352x16xf32, #tpu.memory_space<hbm>> -> memref<100352x16xf32, #tpu.memory_space<hbm>>
        %dma_start3A_169 = arith.constant 0 : i32
        %dma_start3A_170 = arith.constant 0 : i32
        %dma_start3A_171 = tpu.memref_slice %dma_start3A_168[%dma_start3A_169, %dma_start3A_170] : memref<100352x16xf32, #tpu.memory_space<hbm>> -> memref<100352x16xf32, #tpu.memory_space<hbm>>
        tpu.enqueue_indirect_dma source(%dma_start3A_171 : memref<100352x16xf32, #tpu.memory_space<hbm>>) target(%dma_start3A_161 : memref<128x16xf32, #tpu.memory_space<vmem>>) offsets(%dma_start3A_164 : memref<128xi32, #tpu.memory_space<vmem>>) semaphore(%arg14 : memref<!tpu.dma_semaphore, #tpu.memory_space<semaphore_mem>>)
        %dma_start3A_172 = arith.constant 2 : i32
        %dma_start3A_173 = arith.constant 256 : i32
        %dma_start3A_174 = arith.constant 0 : i32
        %dma_start3A_175 = tpu.memref_slice %arg11[%dma_start3A_173, %dma_start3A_174] : memref<512x16xf32, #tpu.memory_space<vmem>> -> memref<128x16xf32, #tpu.memory_space<vmem>>
        %dma_start3A_176 = arith.constant 0 : i32
        %dma_start3A_177 = tpu.memref_slice %arg8[%dma_start3A_172, %dma_start3A_176] : memref<4x128xi32, #tpu.memory_space<vmem>> -> memref<1x128xi32, #tpu.memory_space<vmem>>
        %dma_start3A_178 = tpu.memref_squeeze %dma_start3A_177 : memref<1x128xi32, #tpu.memory_space<vmem>> -> memref<128xi32, #tpu.memory_space<vmem>>
        %dma_start3A_179 = arith.constant 0 : i32
        %dma_start3A_180 = arith.constant 0 : i32
        %dma_start3A_181 = tpu.memref_slice %arg2[%add3A, %dma_start3A_179, %dma_start3A_180] : memref<4x100352x16xf32, #tpu.memory_space<hbm>> -> memref<1x100352x16xf32, #tpu.memory_space<hbm>>
        %dma_start3A_182 = tpu.memref_squeeze %dma_start3A_181 : memref<1x100352x16xf32, #tpu.memory_space<hbm>> -> memref<100352x16xf32, #tpu.memory_space<hbm>>
        %dma_start3A_183 = arith.constant 0 : i32
        %dma_start3A_184 = arith.constant 0 : i32
        %dma_start3A_185 = tpu.memref_slice %dma_start3A_182[%dma_start3A_183, %dma_start3A_184] : memref<100352x16xf32, #tpu.memory_space<hbm>> -> memref<100352x16xf32, #tpu.memory_space<hbm>>
        tpu.enqueue_indirect_dma source(%dma_start3A_185 : memref<100352x16xf32, #tpu.memory_space<hbm>>) target(%dma_start3A_175 : memref<128x16xf32, #tpu.memory_space<vmem>>) offsets(%dma_start3A_178 : memref<128xi32, #tpu.memory_space<vmem>>) semaphore(%arg14 : memref<!tpu.dma_semaphore, #tpu.memory_space<semaphore_mem>>)
        %dma_start3A_186 = arith.constant 3 : i32
        %dma_start3A_187 = arith.constant 384 : i32
        %dma_start3A_188 = arith.constant 0 : i32
        %dma_start3A_189 = tpu.memref_slice %arg11[%dma_start3A_187, %dma_start3A_188] : memref<512x16xf32, #tpu.memory_space<vmem>> -> memref<128x16xf32, #tpu.memory_space<vmem>>
        %dma_start3A_190 = arith.constant 0 : i32
        %dma_start3A_191 = tpu.memref_slice %arg8[%dma_start3A_186, %dma_start3A_190] : memref<4x128xi32, #tpu.memory_space<vmem>> -> memref<1x128xi32, #tpu.memory_space<vmem>>
        %dma_start3A_192 = tpu.memref_squeeze %dma_start3A_191 : memref<1x128xi32, #tpu.memory_space<vmem>> -> memref<128xi32, #tpu.memory_space<vmem>>
        %dma_start3A_193 = arith.constant 0 : i32
        %dma_start3A_194 = arith.constant 0 : i32
        %dma_start3A_195 = tpu.memref_slice %arg2[%add3A, %dma_start3A_193, %dma_start3A_194] : memref<4x100352x16xf32, #tpu.memory_space<hbm>> -> memref<1x100352x16xf32, #tpu.memory_space<hbm>>
        %dma_start3A_196 = tpu.memref_squeeze %dma_start3A_195 : memref<1x100352x16xf32, #tpu.memory_space<hbm>> -> memref<100352x16xf32, #tpu.memory_space<hbm>>
        %dma_start3A_197 = arith.constant 0 : i32
        %dma_start3A_198 = arith.constant 0 : i32
        %dma_start3A_199 = tpu.memref_slice %dma_start3A_196[%dma_start3A_197, %dma_start3A_198] : memref<100352x16xf32, #tpu.memory_space<hbm>> -> memref<100352x16xf32, #tpu.memory_space<hbm>>
        tpu.enqueue_indirect_dma source(%dma_start3A_199 : memref<100352x16xf32, #tpu.memory_space<hbm>>) target(%dma_start3A_189 : memref<128x16xf32, #tpu.memory_space<vmem>>) offsets(%dma_start3A_192 : memref<128xi32, #tpu.memory_space<vmem>>) semaphore(%arg14 : memref<!tpu.dma_semaphore, #tpu.memory_space<semaphore_mem>>)
        %run_scoped3A = arith.constant 0 : i32
        "tpu.region"() ({
          %run_scoped3A_266 = tpu.sem_alloc : memref<!tpu.dma_semaphore, #tpu.memory_space<semaphore_mem>>
          %dma_start3A_267 = arith.constant 0 : i32
          %dma_start3A_268 = arith.constant 0 : i32
          %dma_start3A_269 = tpu.memref_slice %arg10[%dma_start3A_267, %dma_start3A_268] : memref<512x16xf32, #tpu.memory_space<vmem>> -> memref<128x16xf32, #tpu.memory_space<vmem>>
          %dma_start3A_270 = arith.constant 0 : i32
          %dma_start3A_271 = tpu.memref_slice %arg7[%run_scoped3A, %dma_start3A_270] : memref<4x128xi32, #tpu.memory_space<vmem>> -> memref<1x128xi32, #tpu.memory_space<vmem>>
          %dma_start3A_272 = tpu.memref_squeeze %dma_start3A_271 : memref<1x128xi32, #tpu.memory_space<vmem>> -> memref<128xi32, #tpu.memory_space<vmem>>
          %dma_start3A_273 = arith.constant 0 : i32
          %dma_start3A_274 = arith.constant 0 : i32
          %dma_start3A_275 = tpu.memref_slice %arg12[%dma_start3A_273, %dma_start3A_274] : memref<100352x16xf32, #tpu.memory_space<vmem_shared>> -> memref<100352x16xf32, #tpu.memory_space<vmem_shared>>
          tpu.enqueue_indirect_dma source(%dma_start3A_269 : memref<128x16xf32, #tpu.memory_space<vmem>>) target(%dma_start3A_275 : memref<100352x16xf32, #tpu.memory_space<vmem_shared>>) offsets(%dma_start3A_272 : memref<128xi32, #tpu.memory_space<vmem>>) semaphore(%run_scoped3A_266 : memref<!tpu.dma_semaphore, #tpu.memory_space<semaphore_mem>>) {add = true}
          %dma_wait3A_276 = arith.constant 0 : i32
          %dma_wait3A_277 = arith.constant 0 : i32
          %dma_wait3A_278 = tpu.memref_slice %arg10[%dma_wait3A_276, %dma_wait3A_277] : memref<512x16xf32, #tpu.memory_space<vmem>> -> memref<128x16xf32, #tpu.memory_space<vmem>>
          %dma_wait3A_279 = arith.constant 0 : i32
          %dma_wait3A_280 = tpu.memref_slice %arg7[%run_scoped3A, %dma_wait3A_279] : memref<4x128xi32, #tpu.memory_space<vmem>> -> memref<1x128xi32, #tpu.memory_space<vmem>>
          %dma_wait3A_281 = tpu.memref_squeeze %dma_wait3A_280 : memref<1x128xi32, #tpu.memory_space<vmem>> -> memref<128xi32, #tpu.memory_space<vmem>>
          %dma_wait3A_282 = arith.constant 0 : i32
          %dma_wait3A_283 = arith.constant 0 : i32
          %dma_wait3A_284 = tpu.memref_slice %arg12[%dma_wait3A_282, %dma_wait3A_283] : memref<100352x16xf32, #tpu.memory_space<vmem_shared>> -> memref<100352x16xf32, #tpu.memory_space<vmem_shared>>
          tpu.wait_indirect_dma semaphore(%run_scoped3A_266 : memref<!tpu.dma_semaphore, #tpu.memory_space<semaphore_mem>>) src(%dma_wait3A_278 : memref<128x16xf32, #tpu.memory_space<vmem>>) dst(%dma_wait3A_284 : memref<100352x16xf32, #tpu.memory_space<vmem_shared>>)
          tpu.yield
        }) : () -> ()
        %run_scoped3A_200 = arith.constant 1 : i32
        "tpu.region"() ({
          %run_scoped3A_266 = tpu.sem_alloc : memref<!tpu.dma_semaphore, #tpu.memory_space<semaphore_mem>>
          %dma_start3A_267 = arith.constant 128 : i32
          %dma_start3A_268 = arith.constant 0 : i32
          %dma_start3A_269 = tpu.memref_slice %arg10[%dma_start3A_267, %dma_start3A_268] : memref<512x16xf32, #tpu.memory_space<vmem>> -> memref<128x16xf32, #tpu.memory_space<vmem>>
          %dma_start3A_270 = arith.constant 0 : i32
          %dma_start3A_271 = tpu.memref_slice %arg7[%run_scoped3A_200, %dma_start3A_270] : memref<4x128xi32, #tpu.memory_space<vmem>> -> memref<1x128xi32, #tpu.memory_space<vmem>>
          %dma_start3A_272 = tpu.memref_squeeze %dma_start3A_271 : memref<1x128xi32, #tpu.memory_space<vmem>> -> memref<128xi32, #tpu.memory_space<vmem>>
          %dma_start3A_273 = arith.constant 0 : i32
          %dma_start3A_274 = arith.constant 0 : i32
          %dma_start3A_275 = tpu.memref_slice %arg12[%dma_start3A_273, %dma_start3A_274] : memref<100352x16xf32, #tpu.memory_space<vmem_shared>> -> memref<100352x16xf32, #tpu.memory_space<vmem_shared>>
          tpu.enqueue_indirect_dma source(%dma_start3A_269 : memref<128x16xf32, #tpu.memory_space<vmem>>) target(%dma_start3A_275 : memref<100352x16xf32, #tpu.memory_space<vmem_shared>>) offsets(%dma_start3A_272 : memref<128xi32, #tpu.memory_space<vmem>>) semaphore(%run_scoped3A_266 : memref<!tpu.dma_semaphore, #tpu.memory_space<semaphore_mem>>) {add = true}
          %dma_wait3A_276 = arith.constant 128 : i32
          %dma_wait3A_277 = arith.constant 0 : i32
          %dma_wait3A_278 = tpu.memref_slice %arg10[%dma_wait3A_276, %dma_wait3A_277] : memref<512x16xf32, #tpu.memory_space<vmem>> -> memref<128x16xf32, #tpu.memory_space<vmem>>
          %dma_wait3A_279 = arith.constant 0 : i32
          %dma_wait3A_280 = tpu.memref_slice %arg7[%run_scoped3A_200, %dma_wait3A_279] : memref<4x128xi32, #tpu.memory_space<vmem>> -> memref<1x128xi32, #tpu.memory_space<vmem>>
          %dma_wait3A_281 = tpu.memref_squeeze %dma_wait3A_280 : memref<1x128xi32, #tpu.memory_space<vmem>> -> memref<128xi32, #tpu.memory_space<vmem>>
          %dma_wait3A_282 = arith.constant 0 : i32
          %dma_wait3A_283 = arith.constant 0 : i32
          %dma_wait3A_284 = tpu.memref_slice %arg12[%dma_wait3A_282, %dma_wait3A_283] : memref<100352x16xf32, #tpu.memory_space<vmem_shared>> -> memref<100352x16xf32, #tpu.memory_space<vmem_shared>>
          tpu.wait_indirect_dma semaphore(%run_scoped3A_266 : memref<!tpu.dma_semaphore, #tpu.memory_space<semaphore_mem>>) src(%dma_wait3A_278 : memref<128x16xf32, #tpu.memory_space<vmem>>) dst(%dma_wait3A_284 : memref<100352x16xf32, #tpu.memory_space<vmem_shared>>)
          tpu.yield
        }) : () -> ()
        %run_scoped3A_201 = arith.constant 2 : i32
        "tpu.region"() ({
          %run_scoped3A_266 = tpu.sem_alloc : memref<!tpu.dma_semaphore, #tpu.memory_space<semaphore_mem>>
          %dma_start3A_267 = arith.constant 256 : i32
          %dma_start3A_268 = arith.constant 0 : i32
          %dma_start3A_269 = tpu.memref_slice %arg10[%dma_start3A_267, %dma_start3A_268] : memref<512x16xf32, #tpu.memory_space<vmem>> -> memref<128x16xf32, #tpu.memory_space<vmem>>
          %dma_start3A_270 = arith.constant 0 : i32
          %dma_start3A_271 = tpu.memref_slice %arg7[%run_scoped3A_201, %dma_start3A_270] : memref<4x128xi32, #tpu.memory_space<vmem>> -> memref<1x128xi32, #tpu.memory_space<vmem>>
          %dma_start3A_272 = tpu.memref_squeeze %dma_start3A_271 : memref<1x128xi32, #tpu.memory_space<vmem>> -> memref<128xi32, #tpu.memory_space<vmem>>
          %dma_start3A_273 = arith.constant 0 : i32
          %dma_start3A_274 = arith.constant 0 : i32
          %dma_start3A_275 = tpu.memref_slice %arg12[%dma_start3A_273, %dma_start3A_274] : memref<100352x16xf32, #tpu.memory_space<vmem_shared>> -> memref<100352x16xf32, #tpu.memory_space<vmem_shared>>
          tpu.enqueue_indirect_dma source(%dma_start3A_269 : memref<128x16xf32, #tpu.memory_space<vmem>>) target(%dma_start3A_275 : memref<100352x16xf32, #tpu.memory_space<vmem_shared>>) offsets(%dma_start3A_272 : memref<128xi32, #tpu.memory_space<vmem>>) semaphore(%run_scoped3A_266 : memref<!tpu.dma_semaphore, #tpu.memory_space<semaphore_mem>>) {add = true}
          %dma_wait3A_276 = arith.constant 256 : i32
          %dma_wait3A_277 = arith.constant 0 : i32
          %dma_wait3A_278 = tpu.memref_slice %arg10[%dma_wait3A_276, %dma_wait3A_277] : memref<512x16xf32, #tpu.memory_space<vmem>> -> memref<128x16xf32, #tpu.memory_space<vmem>>
          %dma_wait3A_279 = arith.constant 0 : i32
          %dma_wait3A_280 = tpu.memref_slice %arg7[%run_scoped3A_201, %dma_wait3A_279] : memref<4x128xi32, #tpu.memory_space<vmem>> -> memref<1x128xi32, #tpu.memory_space<vmem>>
          %dma_wait3A_281 = tpu.memref_squeeze %dma_wait3A_280 : memref<1x128xi32, #tpu.memory_space<vmem>> -> memref<128xi32, #tpu.memory_space<vmem>>
          %dma_wait3A_282 = arith.constant 0 : i32
          %dma_wait3A_283 = arith.constant 0 : i32
          %dma_wait3A_284 = tpu.memref_slice %arg12[%dma_wait3A_282, %dma_wait3A_283] : memref<100352x16xf32, #tpu.memory_space<vmem_shared>> -> memref<100352x16xf32, #tpu.memory_space<vmem_shared>>
          tpu.wait_indirect_dma semaphore(%run_scoped3A_266 : memref<!tpu.dma_semaphore, #tpu.memory_space<semaphore_mem>>) src(%dma_wait3A_278 : memref<128x16xf32, #tpu.memory_space<vmem>>) dst(%dma_wait3A_284 : memref<100352x16xf32, #tpu.memory_space<vmem_shared>>)
          tpu.yield
        }) : () -> ()
        %run_scoped3A_202 = arith.constant 3 : i32
        "tpu.region"() ({
          %run_scoped3A_266 = tpu.sem_alloc : memref<!tpu.dma_semaphore, #tpu.memory_space<semaphore_mem>>
          %dma_start3A_267 = arith.constant 384 : i32
          %dma_start3A_268 = arith.constant 0 : i32
          %dma_start3A_269 = tpu.memref_slice %arg10[%dma_start3A_267, %dma_start3A_268] : memref<512x16xf32, #tpu.memory_space<vmem>> -> memref<128x16xf32, #tpu.memory_space<vmem>>
          %dma_start3A_270 = arith.constant 0 : i32
          %dma_start3A_271 = tpu.memref_slice %arg7[%run_scoped3A_202, %dma_start3A_270] : memref<4x128xi32, #tpu.memory_space<vmem>> -> memref<1x128xi32, #tpu.memory_space<vmem>>
          %dma_start3A_272 = tpu.memref_squeeze %dma_start3A_271 : memref<1x128xi32, #tpu.memory_space<vmem>> -> memref<128xi32, #tpu.memory_space<vmem>>
          %dma_start3A_273 = arith.constant 0 : i32
          %dma_start3A_274 = arith.constant 0 : i32
          %dma_start3A_275 = tpu.memref_slice %arg12[%dma_start3A_273, %dma_start3A_274] : memref<100352x16xf32, #tpu.memory_space<vmem_shared>> -> memref<100352x16xf32, #tpu.memory_space<vmem_shared>>
          tpu.enqueue_indirect_dma source(%dma_start3A_269 : memref<128x16xf32, #tpu.memory_space<vmem>>) target(%dma_start3A_275 : memref<100352x16xf32, #tpu.memory_space<vmem_shared>>) offsets(%dma_start3A_272 : memref<128xi32, #tpu.memory_space<vmem>>) semaphore(%run_scoped3A_266 : memref<!tpu.dma_semaphore, #tpu.memory_space<semaphore_mem>>) {add = true}
          %dma_wait3A_276 = arith.constant 384 : i32
          %dma_wait3A_277 = arith.constant 0 : i32
          %dma_wait3A_278 = tpu.memref_slice %arg10[%dma_wait3A_276, %dma_wait3A_277] : memref<512x16xf32, #tpu.memory_space<vmem>> -> memref<128x16xf32, #tpu.memory_space<vmem>>
          %dma_wait3A_279 = arith.constant 0 : i32
          %dma_wait3A_280 = tpu.memref_slice %arg7[%run_scoped3A_202, %dma_wait3A_279] : memref<4x128xi32, #tpu.memory_space<vmem>> -> memref<1x128xi32, #tpu.memory_space<vmem>>
          %dma_wait3A_281 = tpu.memref_squeeze %dma_wait3A_280 : memref<1x128xi32, #tpu.memory_space<vmem>> -> memref<128xi32, #tpu.memory_space<vmem>>
          %dma_wait3A_282 = arith.constant 0 : i32
          %dma_wait3A_283 = arith.constant 0 : i32
          %dma_wait3A_284 = tpu.memref_slice %arg12[%dma_wait3A_282, %dma_wait3A_283] : memref<100352x16xf32, #tpu.memory_space<vmem_shared>> -> memref<100352x16xf32, #tpu.memory_space<vmem_shared>>
          tpu.wait_indirect_dma semaphore(%run_scoped3A_266 : memref<!tpu.dma_semaphore, #tpu.memory_space<semaphore_mem>>) src(%dma_wait3A_278 : memref<128x16xf32, #tpu.memory_space<vmem>>) dst(%dma_wait3A_284 : memref<100352x16xf32, #tpu.memory_space<vmem_shared>>)
          tpu.yield
        }) : () -> ()
        %dma_wait3A_203 = arith.constant 0 : i32
        %dma_wait3A_204 = arith.constant 0 : i32
        %dma_wait3A_205 = arith.constant 0 : i32
        %dma_wait3A_206 = tpu.memref_slice %arg11[%dma_wait3A_204, %dma_wait3A_205] : memref<512x16xf32, #tpu.memory_space<vmem>> -> memref<128x16xf32, #tpu.memory_space<vmem>>
        %dma_wait3A_207 = arith.constant 0 : i32
        %dma_wait3A_208 = tpu.memref_slice %arg8[%dma_wait3A_203, %dma_wait3A_207] : memref<4x128xi32, #tpu.memory_space<vmem>> -> memref<1x128xi32, #tpu.memory_space<vmem>>
        %dma_wait3A_209 = tpu.memref_squeeze %dma_wait3A_208 : memref<1x128xi32, #tpu.memory_space<vmem>> -> memref<128xi32, #tpu.memory_space<vmem>>
        %dma_wait3A_210 = arith.constant 0 : i32
        %dma_wait3A_211 = arith.constant 0 : i32
        %dma_wait3A_212 = tpu.memref_slice %arg2[%add3A, %dma_wait3A_210, %dma_wait3A_211] : memref<4x100352x16xf32, #tpu.memory_space<hbm>> -> memref<1x100352x16xf32, #tpu.memory_space<hbm>>
        %dma_wait3A_213 = tpu.memref_squeeze %dma_wait3A_212 : memref<1x100352x16xf32, #tpu.memory_space<hbm>> -> memref<100352x16xf32, #tpu.memory_space<hbm>>
        %dma_wait3A_214 = arith.constant 0 : i32
        %dma_wait3A_215 = arith.constant 0 : i32
        %dma_wait3A_216 = tpu.memref_slice %dma_wait3A_213[%dma_wait3A_214, %dma_wait3A_215] : memref<100352x16xf32, #tpu.memory_space<hbm>> -> memref<100352x16xf32, #tpu.memory_space<hbm>>
        tpu.wait_indirect_dma semaphore(%arg14 : memref<!tpu.dma_semaphore, #tpu.memory_space<semaphore_mem>>) src(%dma_wait3A_216 : memref<100352x16xf32, #tpu.memory_space<hbm>>) dst(%dma_wait3A_206 : memref<128x16xf32, #tpu.memory_space<vmem>>)
        %dma_wait3A_217 = arith.constant 1 : i32
        %dma_wait3A_218 = arith.constant 128 : i32
        %dma_wait3A_219 = arith.constant 0 : i32
        %dma_wait3A_220 = tpu.memref_slice %arg11[%dma_wait3A_218, %dma_wait3A_219] : memref<512x16xf32, #tpu.memory_space<vmem>> -> memref<128x16xf32, #tpu.memory_space<vmem>>
        %dma_wait3A_221 = arith.constant 0 : i32
        %dma_wait3A_222 = tpu.memref_slice %arg8[%dma_wait3A_217, %dma_wait3A_221] : memref<4x128xi32, #tpu.memory_space<vmem>> -> memref<1x128xi32, #tpu.memory_space<vmem>>
        %dma_wait3A_223 = tpu.memref_squeeze %dma_wait3A_222 : memref<1x128xi32, #tpu.memory_space<vmem>> -> memref<128xi32, #tpu.memory_space<vmem>>
        %dma_wait3A_224 = arith.constant 0 : i32
        %dma_wait3A_225 = arith.constant 0 : i32
        %dma_wait3A_226 = tpu.memref_slice %arg2[%add3A, %dma_wait3A_224, %dma_wait3A_225] : memref<4x100352x16xf32, #tpu.memory_space<hbm>> -> memref<1x100352x16xf32, #tpu.memory_space<hbm>>
        %dma_wait3A_227 = tpu.memref_squeeze %dma_wait3A_226 : memref<1x100352x16xf32, #tpu.memory_space<hbm>> -> memref<100352x16xf32, #tpu.memory_space<hbm>>
        %dma_wait3A_228 = arith.constant 0 : i32
        %dma_wait3A_229 = arith.constant 0 : i32
        %dma_wait3A_230 = tpu.memref_slice %dma_wait3A_227[%dma_wait3A_228, %dma_wait3A_229] : memref<100352x16xf32, #tpu.memory_space<hbm>> -> memref<100352x16xf32, #tpu.memory_space<hbm>>
        tpu.wait_indirect_dma semaphore(%arg14 : memref<!tpu.dma_semaphore, #tpu.memory_space<semaphore_mem>>) src(%dma_wait3A_230 : memref<100352x16xf32, #tpu.memory_space<hbm>>) dst(%dma_wait3A_220 : memref<128x16xf32, #tpu.memory_space<vmem>>)
        %dma_wait3A_231 = arith.constant 2 : i32
        %dma_wait3A_232 = arith.constant 256 : i32
        %dma_wait3A_233 = arith.constant 0 : i32
        %dma_wait3A_234 = tpu.memref_slice %arg11[%dma_wait3A_232, %dma_wait3A_233] : memref<512x16xf32, #tpu.memory_space<vmem>> -> memref<128x16xf32, #tpu.memory_space<vmem>>
        %dma_wait3A_235 = arith.constant 0 : i32
        %dma_wait3A_236 = tpu.memref_slice %arg8[%dma_wait3A_231, %dma_wait3A_235] : memref<4x128xi32, #tpu.memory_space<vmem>> -> memref<1x128xi32, #tpu.memory_space<vmem>>
        %dma_wait3A_237 = tpu.memref_squeeze %dma_wait3A_236 : memref<1x128xi32, #tpu.memory_space<vmem>> -> memref<128xi32, #tpu.memory_space<vmem>>
        %dma_wait3A_238 = arith.constant 0 : i32
        %dma_wait3A_239 = arith.constant 0 : i32
        %dma_wait3A_240 = tpu.memref_slice %arg2[%add3A, %dma_wait3A_238, %dma_wait3A_239] : memref<4x100352x16xf32, #tpu.memory_space<hbm>> -> memref<1x100352x16xf32, #tpu.memory_space<hbm>>
        %dma_wait3A_241 = tpu.memref_squeeze %dma_wait3A_240 : memref<1x100352x16xf32, #tpu.memory_space<hbm>> -> memref<100352x16xf32, #tpu.memory_space<hbm>>
        %dma_wait3A_242 = arith.constant 0 : i32
        %dma_wait3A_243 = arith.constant 0 : i32
        %dma_wait3A_244 = tpu.memref_slice %dma_wait3A_241[%dma_wait3A_242, %dma_wait3A_243] : memref<100352x16xf32, #tpu.memory_space<hbm>> -> memref<100352x16xf32, #tpu.memory_space<hbm>>
        tpu.wait_indirect_dma semaphore(%arg14 : memref<!tpu.dma_semaphore, #tpu.memory_space<semaphore_mem>>) src(%dma_wait3A_244 : memref<100352x16xf32, #tpu.memory_space<hbm>>) dst(%dma_wait3A_234 : memref<128x16xf32, #tpu.memory_space<vmem>>)
        %dma_wait3A_245 = arith.constant 3 : i32
        %dma_wait3A_246 = arith.constant 384 : i32
        %dma_wait3A_247 = arith.constant 0 : i32
        %dma_wait3A_248 = tpu.memref_slice %arg11[%dma_wait3A_246, %dma_wait3A_247] : memref<512x16xf32, #tpu.memory_space<vmem>> -> memref<128x16xf32, #tpu.memory_space<vmem>>
        %dma_wait3A_249 = arith.constant 0 : i32
        %dma_wait3A_250 = tpu.memref_slice %arg8[%dma_wait3A_245, %dma_wait3A_249] : memref<4x128xi32, #tpu.memory_space<vmem>> -> memref<1x128xi32, #tpu.memory_space<vmem>>
        %dma_wait3A_251 = tpu.memref_squeeze %dma_wait3A_250 : memref<1x128xi32, #tpu.memory_space<vmem>> -> memref<128xi32, #tpu.memory_space<vmem>>
        %dma_wait3A_252 = arith.constant 0 : i32
        %dma_wait3A_253 = arith.constant 0 : i32
        %dma_wait3A_254 = tpu.memref_slice %arg2[%add3A, %dma_wait3A_252, %dma_wait3A_253] : memref<4x100352x16xf32, #tpu.memory_space<hbm>> -> memref<1x100352x16xf32, #tpu.memory_space<hbm>>
        %dma_wait3A_255 = tpu.memref_squeeze %dma_wait3A_254 : memref<1x100352x16xf32, #tpu.memory_space<hbm>> -> memref<100352x16xf32, #tpu.memory_space<hbm>>
        %dma_wait3A_256 = arith.constant 0 : i32
        %dma_wait3A_257 = arith.constant 0 : i32
        %dma_wait3A_258 = tpu.memref_slice %dma_wait3A_255[%dma_wait3A_256, %dma_wait3A_257] : memref<100352x16xf32, #tpu.memory_space<hbm>> -> memref<100352x16xf32, #tpu.memory_space<hbm>>
        tpu.wait_indirect_dma semaphore(%arg14 : memref<!tpu.dma_semaphore, #tpu.memory_space<semaphore_mem>>) src(%dma_wait3A_258 : memref<100352x16xf32, #tpu.memory_space<hbm>>) dst(%dma_wait3A_248 : memref<128x16xf32, #tpu.memory_space<vmem>>)
        %le3A = arith.constant 96 : i32
        %le3A_259 = arith.cmpi sle, %scan3A_80, %le3A : i32
        %convert_element_type3A = arith.extui %le3A_259 : i1 to i32
        %cond3A = arith.constant 0 : i32
        %cond3A_260 = arith.cmpi ne, %convert_element_type3A, %cond3A : i32
        scf.if %cond3A_260 {
          %mul3A_266 = arith.constant 2 : i32
          %mul3A_267 = arith.muli %mul3A_266, %scan3A_80 : i32
          %add3A_268 = arith.constant 2 : i32
          %add3A_269 = arith.addi %mul3A_267, %add3A_268 : i32
          %mul3A_270 = arith.constant 4 : i32
          %mul3A_271 = arith.muli %add3A_269, %mul3A_270 : i32
          %add3A_272 = arith.addi %mul3A_2, %mul3A_271 : i32
          "tpu.region"() ({
            %run_scoped3A_329 = tpu.sem_alloc : memref<!tpu.dma_semaphore, #tpu.memory_space<semaphore_mem>>
            %dma_start3A_330 = arith.constant 0 : i32
            %dma_start3A_331 = tpu.memref_slice %arg3[%add3A_272, %dma_start3A_330] : memref<12544x128xi32, #tpu.memory_space<hbm>> -> memref<4x128xi32, #tpu.memory_space<hbm>>
            %dma_start3A_332 = arith.constant 0 : i32
            %dma_start3A_333 = tpu.memref_slice %arg3[%add3A_272, %dma_start3A_332] : memref<12544x128xi32, #tpu.memory_space<hbm>> -> memref<4x128xi32, #tpu.memory_space<hbm>>
            tpu.enqueue_dma source(%dma_start3A_333 : memref<4x128xi32, #tpu.memory_space<hbm>>) target(%arg6 : memref<4x128xi32, #tpu.memory_space<vmem>>) target_semaphore(%run_scoped3A_329 : memref<!tpu.dma_semaphore, #tpu.memory_space<semaphore_mem>>)
            %dma_wait3A_334 = arith.constant 0 : i32
            %dma_wait3A_335 = tpu.memref_slice %arg3[%add3A_272, %dma_wait3A_334] : memref<12544x128xi32, #tpu.memory_space<hbm>> -> memref<4x128xi32, #tpu.memory_space<hbm>>
            %dma_wait3A_336 = arith.constant 0 : i32
            %dma_wait3A_337 = tpu.memref_slice %arg3[%add3A_272, %dma_wait3A_336] : memref<12544x128xi32, #tpu.memory_space<hbm>> -> memref<4x128xi32, #tpu.memory_space<hbm>>
            tpu.wait_dma2 semaphore(%run_scoped3A_329 : memref<!tpu.dma_semaphore, #tpu.memory_space<semaphore_mem>>) src(%dma_wait3A_337 : memref<4x128xi32, #tpu.memory_space<hbm>>) dst(%arg6 : memref<4x128xi32, #tpu.memory_space<vmem>>)
            tpu.yield
          }) : () -> ()
          "tpu.region"() ({
            %run_scoped3A_329 = tpu.sem_alloc : memref<!tpu.dma_semaphore, #tpu.memory_space<semaphore_mem>>
            %dma_start3A_330 = arith.constant 0 : i32
            %dma_start3A_331 = tpu.memref_slice %arg4[%add3A_272, %dma_start3A_330] : memref<12544x128xi32, #tpu.memory_space<hbm>> -> memref<4x128xi32, #tpu.memory_space<hbm>>
            %dma_start3A_332 = arith.constant 0 : i32
            %dma_start3A_333 = tpu.memref_slice %arg4[%add3A_272, %dma_start3A_332] : memref<12544x128xi32, #tpu.memory_space<hbm>> -> memref<4x128xi32, #tpu.memory_space<hbm>>
            tpu.enqueue_dma source(%dma_start3A_333 : memref<4x128xi32, #tpu.memory_space<hbm>>) target(%arg7 : memref<4x128xi32, #tpu.memory_space<vmem>>) target_semaphore(%run_scoped3A_329 : memref<!tpu.dma_semaphore, #tpu.memory_space<semaphore_mem>>)
            %dma_wait3A_334 = arith.constant 0 : i32
            %dma_wait3A_335 = tpu.memref_slice %arg4[%add3A_272, %dma_wait3A_334] : memref<12544x128xi32, #tpu.memory_space<hbm>> -> memref<4x128xi32, #tpu.memory_space<hbm>>
            %dma_wait3A_336 = arith.constant 0 : i32
            %dma_wait3A_337 = tpu.memref_slice %arg4[%add3A_272, %dma_wait3A_336] : memref<12544x128xi32, #tpu.memory_space<hbm>> -> memref<4x128xi32, #tpu.memory_space<hbm>>
            tpu.wait_dma2 semaphore(%run_scoped3A_329 : memref<!tpu.dma_semaphore, #tpu.memory_space<semaphore_mem>>) src(%dma_wait3A_337 : memref<4x128xi32, #tpu.memory_space<hbm>>) dst(%arg7 : memref<4x128xi32, #tpu.memory_space<vmem>>)
            tpu.yield
          }) : () -> ()
          %dma_start3A_273 = arith.constant 0 : i32
          %dma_start3A_274 = arith.constant 0 : i32
          %dma_start3A_275 = arith.constant 0 : i32
          %dma_start3A_276 = tpu.memref_slice %arg10[%dma_start3A_274, %dma_start3A_275] : memref<512x16xf32, #tpu.memory_space<vmem>> -> memref<128x16xf32, #tpu.memory_space<vmem>>
          %dma_start3A_277 = arith.constant 0 : i32
          %dma_start3A_278 = tpu.memref_slice %arg6[%dma_start3A_273, %dma_start3A_277] : memref<4x128xi32, #tpu.memory_space<vmem>> -> memref<1x128xi32, #tpu.memory_space<vmem>>
          %dma_start3A_279 = tpu.memref_squeeze %dma_start3A_278 : memref<1x128xi32, #tpu.memory_space<vmem>> -> memref<128xi32, #tpu.memory_space<vmem>>
          %dma_start3A_280 = arith.constant 0 : i32
          %dma_start3A_281 = arith.constant 0 : i32
          %dma_start3A_282 = tpu.memref_slice %arg2[%add3A, %dma_start3A_280, %dma_start3A_281] : memref<4x100352x16xf32, #tpu.memory_space<hbm>> -> memref<1x100352x16xf32, #tpu.memory_space<hbm>>
          %dma_start3A_283 = tpu.memref_squeeze %dma_start3A_282 : memref<1x100352x16xf32, #tpu.memory_space<hbm>> -> memref<100352x16xf32, #tpu.memory_space<hbm>>
          %dma_start3A_284 = arith.constant 0 : i32
          %dma_start3A_285 = arith.constant 0 : i32
          %dma_start3A_286 = tpu.memref_slice %dma_start3A_283[%dma_start3A_284, %dma_start3A_285] : memref<100352x16xf32, #tpu.memory_space<hbm>> -> memref<100352x16xf32, #tpu.memory_space<hbm>>
          tpu.enqueue_indirect_dma source(%dma_start3A_286 : memref<100352x16xf32, #tpu.memory_space<hbm>>) target(%dma_start3A_276 : memref<128x16xf32, #tpu.memory_space<vmem>>) offsets(%dma_start3A_279 : memref<128xi32, #tpu.memory_space<vmem>>) semaphore(%arg13 : memref<!tpu.dma_semaphore, #tpu.memory_space<semaphore_mem>>)
          %dma_start3A_287 = arith.constant 1 : i32
          %dma_start3A_288 = arith.constant 128 : i32
          %dma_start3A_289 = arith.constant 0 : i32
          %dma_start3A_290 = tpu.memref_slice %arg10[%dma_start3A_288, %dma_start3A_289] : memref<512x16xf32, #tpu.memory_space<vmem>> -> memref<128x16xf32, #tpu.memory_space<vmem>>
          %dma_start3A_291 = arith.constant 0 : i32
          %dma_start3A_292 = tpu.memref_slice %arg6[%dma_start3A_287, %dma_start3A_291] : memref<4x128xi32, #tpu.memory_space<vmem>> -> memref<1x128xi32, #tpu.memory_space<vmem>>
          %dma_start3A_293 = tpu.memref_squeeze %dma_start3A_292 : memref<1x128xi32, #tpu.memory_space<vmem>> -> memref<128xi32, #tpu.memory_space<vmem>>
          %dma_start3A_294 = arith.constant 0 : i32
          %dma_start3A_295 = arith.constant 0 : i32
          %dma_start3A_296 = tpu.memref_slice %arg2[%add3A, %dma_start3A_294, %dma_start3A_295] : memref<4x100352x16xf32, #tpu.memory_space<hbm>> -> memref<1x100352x16xf32, #tpu.memory_space<hbm>>
          %dma_start3A_297 = tpu.memref_squeeze %dma_start3A_296 : memref<1x100352x16xf32, #tpu.memory_space<hbm>> -> memref<100352x16xf32, #tpu.memory_space<hbm>>
          %dma_start3A_298 = arith.constant 0 : i32
          %dma_start3A_299 = arith.constant 0 : i32
          %dma_start3A_300 = tpu.memref_slice %dma_start3A_297[%dma_start3A_298, %dma_start3A_299] : memref<100352x16xf32, #tpu.memory_space<hbm>> -> memref<100352x16xf32, #tpu.memory_space<hbm>>
          tpu.enqueue_indirect_dma source(%dma_start3A_300 : memref<100352x16xf32, #tpu.memory_space<hbm>>) target(%dma_start3A_290 : memref<128x16xf32, #tpu.memory_space<vmem>>) offsets(%dma_start3A_293 : memref<128xi32, #tpu.memory_space<vmem>>) semaphore(%arg13 : memref<!tpu.dma_semaphore, #tpu.memory_space<semaphore_mem>>)
          %dma_start3A_301 = arith.constant 2 : i32
          %dma_start3A_302 = arith.constant 256 : i32
          %dma_start3A_303 = arith.constant 0 : i32
          %dma_start3A_304 = tpu.memref_slice %arg10[%dma_start3A_302, %dma_start3A_303] : memref<512x16xf32, #tpu.memory_space<vmem>> -> memref<128x16xf32, #tpu.memory_space<vmem>>
          %dma_start3A_305 = arith.constant 0 : i32
          %dma_start3A_306 = tpu.memref_slice %arg6[%dma_start3A_301, %dma_start3A_305] : memref<4x128xi32, #tpu.memory_space<vmem>> -> memref<1x128xi32, #tpu.memory_space<vmem>>
          %dma_start3A_307 = tpu.memref_squeeze %dma_start3A_306 : memref<1x128xi32, #tpu.memory_space<vmem>> -> memref<128xi32, #tpu.memory_space<vmem>>
          %dma_start3A_308 = arith.constant 0 : i32
          %dma_start3A_309 = arith.constant 0 : i32
          %dma_start3A_310 = tpu.memref_slice %arg2[%add3A, %dma_start3A_308, %dma_start3A_309] : memref<4x100352x16xf32, #tpu.memory_space<hbm>> -> memref<1x100352x16xf32, #tpu.memory_space<hbm>>
          %dma_start3A_311 = tpu.memref_squeeze %dma_start3A_310 : memref<1x100352x16xf32, #tpu.memory_space<hbm>> -> memref<100352x16xf32, #tpu.memory_space<hbm>>
          %dma_start3A_312 = arith.constant 0 : i32
          %dma_start3A_313 = arith.constant 0 : i32
          %dma_start3A_314 = tpu.memref_slice %dma_start3A_311[%dma_start3A_312, %dma_start3A_313] : memref<100352x16xf32, #tpu.memory_space<hbm>> -> memref<100352x16xf32, #tpu.memory_space<hbm>>
          tpu.enqueue_indirect_dma source(%dma_start3A_314 : memref<100352x16xf32, #tpu.memory_space<hbm>>) target(%dma_start3A_304 : memref<128x16xf32, #tpu.memory_space<vmem>>) offsets(%dma_start3A_307 : memref<128xi32, #tpu.memory_space<vmem>>) semaphore(%arg13 : memref<!tpu.dma_semaphore, #tpu.memory_space<semaphore_mem>>)
          %dma_start3A_315 = arith.constant 3 : i32
          %dma_start3A_316 = arith.constant 384 : i32
          %dma_start3A_317 = arith.constant 0 : i32
          %dma_start3A_318 = tpu.memref_slice %arg10[%dma_start3A_316, %dma_start3A_317] : memref<512x16xf32, #tpu.memory_space<vmem>> -> memref<128x16xf32, #tpu.memory_space<vmem>>
          %dma_start3A_319 = arith.constant 0 : i32
          %dma_start3A_320 = tpu.memref_slice %arg6[%dma_start3A_315, %dma_start3A_319] : memref<4x128xi32, #tpu.memory_space<vmem>> -> memref<1x128xi32, #tpu.memory_space<vmem>>
          %dma_start3A_321 = tpu.memref_squeeze %dma_start3A_320 : memref<1x128xi32, #tpu.memory_space<vmem>> -> memref<128xi32, #tpu.memory_space<vmem>>
          %dma_start3A_322 = arith.constant 0 : i32
          %dma_start3A_323 = arith.constant 0 : i32
          %dma_start3A_324 = tpu.memref_slice %arg2[%add3A, %dma_start3A_322, %dma_start3A_323] : memref<4x100352x16xf32, #tpu.memory_space<hbm>> -> memref<1x100352x16xf32, #tpu.memory_space<hbm>>
          %dma_start3A_325 = tpu.memref_squeeze %dma_start3A_324 : memref<1x100352x16xf32, #tpu.memory_space<hbm>> -> memref<100352x16xf32, #tpu.memory_space<hbm>>
          %dma_start3A_326 = arith.constant 0 : i32
          %dma_start3A_327 = arith.constant 0 : i32
          %dma_start3A_328 = tpu.memref_slice %dma_start3A_325[%dma_start3A_326, %dma_start3A_327] : memref<100352x16xf32, #tpu.memory_space<hbm>> -> memref<100352x16xf32, #tpu.memory_space<hbm>>
          tpu.enqueue_indirect_dma source(%dma_start3A_328 : memref<100352x16xf32, #tpu.memory_space<hbm>>) target(%dma_start3A_318 : memref<128x16xf32, #tpu.memory_space<vmem>>) offsets(%dma_start3A_321 : memref<128xi32, #tpu.memory_space<vmem>>) semaphore(%arg13 : memref<!tpu.dma_semaphore, #tpu.memory_space<semaphore_mem>>)
        } else {
        }
        %run_scoped3A_261 = arith.constant 0 : i32
        "tpu.region"() ({
          %run_scoped3A_266 = tpu.sem_alloc : memref<!tpu.dma_semaphore, #tpu.memory_space<semaphore_mem>>
          %dma_start3A_267 = arith.constant 0 : i32
          %dma_start3A_268 = arith.constant 0 : i32
          %dma_start3A_269 = tpu.memref_slice %arg11[%dma_start3A_267, %dma_start3A_268] : memref<512x16xf32, #tpu.memory_space<vmem>> -> memref<128x16xf32, #tpu.memory_space<vmem>>
          %dma_start3A_270 = arith.constant 0 : i32
          %dma_start3A_271 = tpu.memref_slice %arg9[%run_scoped3A_261, %dma_start3A_270] : memref<4x128xi32, #tpu.memory_space<vmem>> -> memref<1x128xi32, #tpu.memory_space<vmem>>
          %dma_start3A_272 = tpu.memref_squeeze %dma_start3A_271 : memref<1x128xi32, #tpu.memory_space<vmem>> -> memref<128xi32, #tpu.memory_space<vmem>>
          %dma_start3A_273 = arith.constant 0 : i32
          %dma_start3A_274 = arith.constant 0 : i32
          %dma_start3A_275 = tpu.memref_slice %arg12[%dma_start3A_273, %dma_start3A_274] : memref<100352x16xf32, #tpu.memory_space<vmem_shared>> -> memref<100352x16xf32, #tpu.memory_space<vmem_shared>>
          tpu.enqueue_indirect_dma source(%dma_start3A_269 : memref<128x16xf32, #tpu.memory_space<vmem>>) target(%dma_start3A_275 : memref<100352x16xf32, #tpu.memory_space<vmem_shared>>) offsets(%dma_start3A_272 : memref<128xi32, #tpu.memory_space<vmem>>) semaphore(%run_scoped3A_266 : memref<!tpu.dma_semaphore, #tpu.memory_space<semaphore_mem>>) {add = true}
          %dma_wait3A_276 = arith.constant 0 : i32
          %dma_wait3A_277 = arith.constant 0 : i32
          %dma_wait3A_278 = tpu.memref_slice %arg11[%dma_wait3A_276, %dma_wait3A_277] : memref<512x16xf32, #tpu.memory_space<vmem>> -> memref<128x16xf32, #tpu.memory_space<vmem>>
          %dma_wait3A_279 = arith.constant 0 : i32
          %dma_wait3A_280 = tpu.memref_slice %arg9[%run_scoped3A_261, %dma_wait3A_279] : memref<4x128xi32, #tpu.memory_space<vmem>> -> memref<1x128xi32, #tpu.memory_space<vmem>>
          %dma_wait3A_281 = tpu.memref_squeeze %dma_wait3A_280 : memref<1x128xi32, #tpu.memory_space<vmem>> -> memref<128xi32, #tpu.memory_space<vmem>>
          %dma_wait3A_282 = arith.constant 0 : i32
          %dma_wait3A_283 = arith.constant 0 : i32
          %dma_wait3A_284 = tpu.memref_slice %arg12[%dma_wait3A_282, %dma_wait3A_283] : memref<100352x16xf32, #tpu.memory_space<vmem_shared>> -> memref<100352x16xf32, #tpu.memory_space<vmem_shared>>
          tpu.wait_indirect_dma semaphore(%run_scoped3A_266 : memref<!tpu.dma_semaphore, #tpu.memory_space<semaphore_mem>>) src(%dma_wait3A_278 : memref<128x16xf32, #tpu.memory_space<vmem>>) dst(%dma_wait3A_284 : memref<100352x16xf32, #tpu.memory_space<vmem_shared>>)
          tpu.yield
        }) : () -> ()
        %run_scoped3A_262 = arith.constant 1 : i32
        "tpu.region"() ({
          %run_scoped3A_266 = tpu.sem_alloc : memref<!tpu.dma_semaphore, #tpu.memory_space<semaphore_mem>>
          %dma_start3A_267 = arith.constant 128 : i32
          %dma_start3A_268 = arith.constant 0 : i32
          %dma_start3A_269 = tpu.memref_slice %arg11[%dma_start3A_267, %dma_start3A_268] : memref<512x16xf32, #tpu.memory_space<vmem>> -> memref<128x16xf32, #tpu.memory_space<vmem>>
          %dma_start3A_270 = arith.constant 0 : i32
          %dma_start3A_271 = tpu.memref_slice %arg9[%run_scoped3A_262, %dma_start3A_270] : memref<4x128xi32, #tpu.memory_space<vmem>> -> memref<1x128xi32, #tpu.memory_space<vmem>>
          %dma_start3A_272 = tpu.memref_squeeze %dma_start3A_271 : memref<1x128xi32, #tpu.memory_space<vmem>> -> memref<128xi32, #tpu.memory_space<vmem>>
          %dma_start3A_273 = arith.constant 0 : i32
          %dma_start3A_274 = arith.constant 0 : i32
          %dma_start3A_275 = tpu.memref_slice %arg12[%dma_start3A_273, %dma_start3A_274] : memref<100352x16xf32, #tpu.memory_space<vmem_shared>> -> memref<100352x16xf32, #tpu.memory_space<vmem_shared>>
          tpu.enqueue_indirect_dma source(%dma_start3A_269 : memref<128x16xf32, #tpu.memory_space<vmem>>) target(%dma_start3A_275 : memref<100352x16xf32, #tpu.memory_space<vmem_shared>>) offsets(%dma_start3A_272 : memref<128xi32, #tpu.memory_space<vmem>>) semaphore(%run_scoped3A_266 : memref<!tpu.dma_semaphore, #tpu.memory_space<semaphore_mem>>) {add = true}
          %dma_wait3A_276 = arith.constant 128 : i32
          %dma_wait3A_277 = arith.constant 0 : i32
          %dma_wait3A_278 = tpu.memref_slice %arg11[%dma_wait3A_276, %dma_wait3A_277] : memref<512x16xf32, #tpu.memory_space<vmem>> -> memref<128x16xf32, #tpu.memory_space<vmem>>
          %dma_wait3A_279 = arith.constant 0 : i32
          %dma_wait3A_280 = tpu.memref_slice %arg9[%run_scoped3A_262, %dma_wait3A_279] : memref<4x128xi32, #tpu.memory_space<vmem>> -> memref<1x128xi32, #tpu.memory_space<vmem>>
          %dma_wait3A_281 = tpu.memref_squeeze %dma_wait3A_280 : memref<1x128xi32, #tpu.memory_space<vmem>> -> memref<128xi32, #tpu.memory_space<vmem>>
          %dma_wait3A_282 = arith.constant 0 : i32
          %dma_wait3A_283 = arith.constant 0 : i32
          %dma_wait3A_284 = tpu.memref_slice %arg12[%dma_wait3A_282, %dma_wait3A_283] : memref<100352x16xf32, #tpu.memory_space<vmem_shared>> -> memref<100352x16xf32, #tpu.memory_space<vmem_shared>>
          tpu.wait_indirect_dma semaphore(%run_scoped3A_266 : memref<!tpu.dma_semaphore, #tpu.memory_space<semaphore_mem>>) src(%dma_wait3A_278 : memref<128x16xf32, #tpu.memory_space<vmem>>) dst(%dma_wait3A_284 : memref<100352x16xf32, #tpu.memory_space<vmem_shared>>)
          tpu.yield
        }) : () -> ()
        %run_scoped3A_263 = arith.constant 2 : i32
        "tpu.region"() ({
          %run_scoped3A_266 = tpu.sem_alloc : memref<!tpu.dma_semaphore, #tpu.memory_space<semaphore_mem>>
          %dma_start3A_267 = arith.constant 256 : i32
          %dma_start3A_268 = arith.constant 0 : i32
          %dma_start3A_269 = tpu.memref_slice %arg11[%dma_start3A_267, %dma_start3A_268] : memref<512x16xf32, #tpu.memory_space<vmem>> -> memref<128x16xf32, #tpu.memory_space<vmem>>
          %dma_start3A_270 = arith.constant 0 : i32
          %dma_start3A_271 = tpu.memref_slice %arg9[%run_scoped3A_263, %dma_start3A_270] : memref<4x128xi32, #tpu.memory_space<vmem>> -> memref<1x128xi32, #tpu.memory_space<vmem>>
          %dma_start3A_272 = tpu.memref_squeeze %dma_start3A_271 : memref<1x128xi32, #tpu.memory_space<vmem>> -> memref<128xi32, #tpu.memory_space<vmem>>
          %dma_start3A_273 = arith.constant 0 : i32
          %dma_start3A_274 = arith.constant 0 : i32
          %dma_start3A_275 = tpu.memref_slice %arg12[%dma_start3A_273, %dma_start3A_274] : memref<100352x16xf32, #tpu.memory_space<vmem_shared>> -> memref<100352x16xf32, #tpu.memory_space<vmem_shared>>
          tpu.enqueue_indirect_dma source(%dma_start3A_269 : memref<128x16xf32, #tpu.memory_space<vmem>>) target(%dma_start3A_275 : memref<100352x16xf32, #tpu.memory_space<vmem_shared>>) offsets(%dma_start3A_272 : memref<128xi32, #tpu.memory_space<vmem>>) semaphore(%run_scoped3A_266 : memref<!tpu.dma_semaphore, #tpu.memory_space<semaphore_mem>>) {add = true}
          %dma_wait3A_276 = arith.constant 256 : i32
          %dma_wait3A_277 = arith.constant 0 : i32
          %dma_wait3A_278 = tpu.memref_slice %arg11[%dma_wait3A_276, %dma_wait3A_277] : memref<512x16xf32, #tpu.memory_space<vmem>> -> memref<128x16xf32, #tpu.memory_space<vmem>>
          %dma_wait3A_279 = arith.constant 0 : i32
          %dma_wait3A_280 = tpu.memref_slice %arg9[%run_scoped3A_263, %dma_wait3A_279] : memref<4x128xi32, #tpu.memory_space<vmem>> -> memref<1x128xi32, #tpu.memory_space<vmem>>
          %dma_wait3A_281 = tpu.memref_squeeze %dma_wait3A_280 : memref<1x128xi32, #tpu.memory_space<vmem>> -> memref<128xi32, #tpu.memory_space<vmem>>
          %dma_wait3A_282 = arith.constant 0 : i32
          %dma_wait3A_283 = arith.constant 0 : i32
          %dma_wait3A_284 = tpu.memref_slice %arg12[%dma_wait3A_282, %dma_wait3A_283] : memref<100352x16xf32, #tpu.memory_space<vmem_shared>> -> memref<100352x16xf32, #tpu.memory_space<vmem_shared>>
          tpu.wait_indirect_dma semaphore(%run_scoped3A_266 : memref<!tpu.dma_semaphore, #tpu.memory_space<semaphore_mem>>) src(%dma_wait3A_278 : memref<128x16xf32, #tpu.memory_space<vmem>>) dst(%dma_wait3A_284 : memref<100352x16xf32, #tpu.memory_space<vmem_shared>>)
          tpu.yield
        }) : () -> ()
        %run_scoped3A_264 = arith.constant 3 : i32
        "tpu.region"() ({
          %run_scoped3A_266 = tpu.sem_alloc : memref<!tpu.dma_semaphore, #tpu.memory_space<semaphore_mem>>
          %dma_start3A_267 = arith.constant 384 : i32
          %dma_start3A_268 = arith.constant 0 : i32
          %dma_start3A_269 = tpu.memref_slice %arg11[%dma_start3A_267, %dma_start3A_268] : memref<512x16xf32, #tpu.memory_space<vmem>> -> memref<128x16xf32, #tpu.memory_space<vmem>>
          %dma_start3A_270 = arith.constant 0 : i32
          %dma_start3A_271 = tpu.memref_slice %arg9[%run_scoped3A_264, %dma_start3A_270] : memref<4x128xi32, #tpu.memory_space<vmem>> -> memref<1x128xi32, #tpu.memory_space<vmem>>
          %dma_start3A_272 = tpu.memref_squeeze %dma_start3A_271 : memref<1x128xi32, #tpu.memory_space<vmem>> -> memref<128xi32, #tpu.memory_space<vmem>>
          %dma_start3A_273 = arith.constant 0 : i32
          %dma_start3A_274 = arith.constant 0 : i32
          %dma_start3A_275 = tpu.memref_slice %arg12[%dma_start3A_273, %dma_start3A_274] : memref<100352x16xf32, #tpu.memory_space<vmem_shared>> -> memref<100352x16xf32, #tpu.memory_space<vmem_shared>>
          tpu.enqueue_indirect_dma source(%dma_start3A_269 : memref<128x16xf32, #tpu.memory_space<vmem>>) target(%dma_start3A_275 : memref<100352x16xf32, #tpu.memory_space<vmem_shared>>) offsets(%dma_start3A_272 : memref<128xi32, #tpu.memory_space<vmem>>) semaphore(%run_scoped3A_266 : memref<!tpu.dma_semaphore, #tpu.memory_space<semaphore_mem>>) {add = true}
          %dma_wait3A_276 = arith.constant 384 : i32
          %dma_wait3A_277 = arith.constant 0 : i32
          %dma_wait3A_278 = tpu.memref_slice %arg11[%dma_wait3A_276, %dma_wait3A_277] : memref<512x16xf32, #tpu.memory_space<vmem>> -> memref<128x16xf32, #tpu.memory_space<vmem>>
          %dma_wait3A_279 = arith.constant 0 : i32
          %dma_wait3A_280 = tpu.memref_slice %arg9[%run_scoped3A_264, %dma_wait3A_279] : memref<4x128xi32, #tpu.memory_space<vmem>> -> memref<1x128xi32, #tpu.memory_space<vmem>>
          %dma_wait3A_281 = tpu.memref_squeeze %dma_wait3A_280 : memref<1x128xi32, #tpu.memory_space<vmem>> -> memref<128xi32, #tpu.memory_space<vmem>>
          %dma_wait3A_282 = arith.constant 0 : i32
          %dma_wait3A_283 = arith.constant 0 : i32
          %dma_wait3A_284 = tpu.memref_slice %arg12[%dma_wait3A_282, %dma_wait3A_283] : memref<100352x16xf32, #tpu.memory_space<vmem_shared>> -> memref<100352x16xf32, #tpu.memory_space<vmem_shared>>
          tpu.wait_indirect_dma semaphore(%run_scoped3A_266 : memref<!tpu.dma_semaphore, #tpu.memory_space<semaphore_mem>>) src(%dma_wait3A_278 : memref<128x16xf32, #tpu.memory_space<vmem>>) dst(%dma_wait3A_284 : memref<100352x16xf32, #tpu.memory_space<vmem_shared>>)
          tpu.yield
        }) : () -> ()
        %scan3A_265 = arith.constant 0 : i32
        scf.yield %scan3A_265 : i32
      }
      %scan3A_76 = arith.constant 98 : i32
      %barrier3A_77 = arith.constant 0 : index
      tpu.barrier barrier_id(%barrier3A_77)
      "tpu.region"() ({
        %run_scoped3A = tpu.sem_alloc : memref<!tpu.dma_semaphore, #tpu.memory_space<semaphore_mem>>
        %dma_start3A_80 = arith.constant 0 : i32
        %dma_start3A_81 = tpu.memref_slice %arg5[%add3A, %mul3A_0, %dma_start3A_80] : memref<4x100352x16xf32, #tpu.memory_space<hbm>> -> memref<1x6272x16xf32, #tpu.memory_space<hbm>>
        %dma_start3A_82 = tpu.memref_squeeze %dma_start3A_81 : memref<1x6272x16xf32, #tpu.memory_space<hbm>> -> memref<6272x16xf32, #tpu.memory_space<hbm>>
        %dma_start3A_83 = arith.constant 0 : i32
        %dma_start3A_84 = tpu.memref_slice %arg12[%mul3A_0, %dma_start3A_83] : memref<100352x16xf32, #tpu.memory_space<vmem_shared>> -> memref<6272x16xf32, #tpu.memory_space<vmem_shared>>
        tpu.enqueue_dma source(%dma_start3A_84 : memref<6272x16xf32, #tpu.memory_space<vmem_shared>>) target(%dma_start3A_82 : memref<6272x16xf32, #tpu.memory_space<hbm>>) target_semaphore(%run_scoped3A : memref<!tpu.dma_semaphore, #tpu.memory_space<semaphore_mem>>)
        %dma_wait3A = arith.constant 0 : i32
        %dma_wait3A_85 = tpu.memref_slice %arg5[%add3A, %mul3A_0, %dma_wait3A] : memref<4x100352x16xf32, #tpu.memory_space<hbm>> -> memref<1x6272x16xf32, #tpu.memory_space<hbm>>
        %dma_wait3A_86 = tpu.memref_squeeze %dma_wait3A_85 : memref<1x6272x16xf32, #tpu.memory_space<hbm>> -> memref<6272x16xf32, #tpu.memory_space<hbm>>
        %dma_wait3A_87 = arith.constant 0 : i32
        %dma_wait3A_88 = tpu.memref_slice %arg12[%mul3A_0, %dma_wait3A_87] : memref<100352x16xf32, #tpu.memory_space<vmem_shared>> -> memref<6272x16xf32, #tpu.memory_space<vmem_shared>>
        tpu.wait_dma2 semaphore(%run_scoped3A : memref<!tpu.dma_semaphore, #tpu.memory_space<semaphore_mem>>) src(%dma_wait3A_88 : memref<6272x16xf32, #tpu.memory_space<vmem_shared>>) dst(%dma_wait3A_86 : memref<6272x16xf32, #tpu.memory_space<hbm>>)
        tpu.yield
      }) : () -> ()
      %barrier3A_78 = arith.constant 0 : index
      tpu.barrier barrier_id(%barrier3A_78)
      %scan3A_79 = arith.constant 0 : i32
      scf.yield %scan3A_79 : i32
    }
    %scan3A_8 = arith.constant 2 : i32
    return
  }
}

#map = affine_map<(d0, d1) -> (0, 0, 0)>
#map1 = affine_map<(d0, d1) -> (0, 0)>
module attributes {stable_mosaic.version = 14 : i64} {
  func.func @_msg_kernel(%arg0: i32, %arg1: i32, %arg2: memref<4x100352x16xf32, #tpu.memory_space<hbm>>, %arg3: memref<12544x128xi32, #tpu.memory_space<hbm>>, %arg4: memref<12544x128xi32, #tpu.memory_space<hbm>>, %arg5: memref<4x100352x16xf32, #tpu.memory_space<hbm>>, %arg6: memref<4x128xi32, #tpu.memory_space<vmem>>, %arg7: memref<4x128xi32, #tpu.memory_space<vmem>>, %arg8: memref<4x128xi32, #tpu.memory_space<vmem>>, %arg9: memref<4x128xi32, #tpu.memory_space<vmem>>, %arg10: memref<512x16xf32, #tpu.memory_space<vmem>>, %arg11: memref<512x16xf32, #tpu.memory_space<vmem>>, %arg12: memref<100352x16xf32, #tpu.memory_space<vmem_shared>>, %arg13: memref<!tpu.dma_semaphore, #tpu.memory_space<semaphore_mem>>, %arg14: memref<!tpu.dma_semaphore, #tpu.memory_space<semaphore_mem>>) attributes {dimension_semantics = [#tpu.dimension_semantics<core_parallel>, #tpu.dimension_semantics<subcore_parallel>], iteration_bounds = array<i64: 2, 16>, scalar_prefetch = 0 : i64, scratch_operands = 9 : i64, tpu.core_type = #tpu.core_type<sc_vector_subcore>, window_params = [{transform_indices = #map}, {transform_indices = #map1}, {transform_indices = #map1}, {transform_indices = #map}]} {
    %mul3A = arith.constant 6272 : i32
    %mul3A_0 = arith.muli %arg1, %mul3A : i32
    %mul3A_1 = arith.constant 784 : i32
    %mul3A_2 = arith.muli %arg1, %mul3A_1 : i32
    %scan3A = arith.constant 0 : i32
    %scan3A_3 = arith.constant 0 : i32
    %scan3A_4 = arith.constant 2 : i32
    %scan3A_5 = arith.addi %scan3A_3, %scan3A_4 : i32
    %scan3A_6 = arith.constant 1 : i32
    %scan3A_7 = scf.for %scan3A_9 = %scan3A_3 to %scan3A_5 step %scan3A_6 iter_args(%scan3A_10 = %scan3A) -> (i32)  : i32 {
      %mul3A_11 = arith.constant 2 : i32
      %mul3A_12 = arith.muli %mul3A_11, %scan3A_9 : i32
      %add3A = arith.addi %mul3A_12, %arg0 : i32
      "tpu.region"() ({
        %run_scoped3A = tpu.sem_alloc : memref<!tpu.dma_semaphore, #tpu.memory_space<semaphore_mem>>
        %dma_start3A_80 = arith.constant 0 : i32
        %dma_start3A_81 = tpu.memref_slice %arg12[%mul3A_0, %dma_start3A_80] : memref<100352x16xf32, #tpu.memory_space<vmem_shared>> -> memref<6272x16xf32, #tpu.memory_space<vmem_shared>>
        %dma_start3A_82 = arith.constant 0 : i32
        %dma_start3A_83 = tpu.memref_slice %arg2[%add3A, %mul3A_0, %dma_start3A_82] : memref<4x100352x16xf32, #tpu.memory_space<hbm>> -> memref<1x6272x16xf32, #tpu.memory_space<hbm>>
        %dma_start3A_84 = tpu.memref_squeeze %dma_start3A_83 : memref<1x6272x16xf32, #tpu.memory_space<hbm>> -> memref<6272x16xf32, #tpu.memory_space<hbm>>
        tpu.enqueue_dma source(%dma_start3A_84 : memref<6272x16xf32, #tpu.memory_space<hbm>>) target(%dma_start3A_81 : memref<6272x16xf32, #tpu.memory_space<vmem_shared>>) target_semaphore(%run_scoped3A : memref<!tpu.dma_semaphore, #tpu.memory_space<semaphore_mem>>)
        %dma_wait3A = arith.constant 0 : i32
        %dma_wait3A_85 = tpu.memref_slice %arg12[%mul3A_0, %dma_wait3A] : memref<100352x16xf32, #tpu.memory_space<vmem_shared>> -> memref<6272x16xf32, #tpu.memory_space<vmem_shared>>
        %dma_wait3A_86 = arith.constant 0 : i32
        %dma_wait3A_87 = tpu.memref_slice %arg2[%add3A, %mul3A_0, %dma_wait3A_86] : memref<4x100352x16xf32, #tpu.memory_space<hbm>> -> memref<1x6272x16xf32, #tpu.memory_space<hbm>>
        %dma_wait3A_88 = tpu.memref_squeeze %dma_wait3A_87 : memref<1x6272x16xf32, #tpu.memory_space<hbm>> -> memref<6272x16xf32, #tpu.memory_space<hbm>>
        tpu.wait_dma2 semaphore(%run_scoped3A : memref<!tpu.dma_semaphore, #tpu.memory_space<semaphore_mem>>) src(%dma_wait3A_88 : memref<6272x16xf32, #tpu.memory_space<hbm>>) dst(%dma_wait3A_85 : memref<6272x16xf32, #tpu.memory_space<vmem_shared>>)
        tpu.yield
      }) : () -> ()
      %barrier3A = arith.constant 0 : index
      tpu.barrier barrier_id(%barrier3A)
      %add3A_13 = arith.constant 0 : i32
      %add3A_14 = arith.addi %mul3A_2, %add3A_13 : i32
      "tpu.region"() ({
        %run_scoped3A = tpu.sem_alloc : memref<!tpu.dma_semaphore, #tpu.memory_space<semaphore_mem>>
        %dma_start3A_80 = arith.constant 0 : i32
        %dma_start3A_81 = tpu.memref_slice %arg3[%add3A_14, %dma_start3A_80] : memref<12544x128xi32, #tpu.memory_space<hbm>> -> memref<4x128xi32, #tpu.memory_space<hbm>>
        %dma_start3A_82 = arith.constant 0 : i32
        %dma_start3A_83 = tpu.memref_slice %arg3[%add3A_14, %dma_start3A_82] : memref<12544x128xi32, #tpu.memory_space<hbm>> -> memref<4x128xi32, #tpu.memory_space<hbm>>
        tpu.enqueue_dma source(%dma_start3A_83 : memref<4x128xi32, #tpu.memory_space<hbm>>) target(%arg6 : memref<4x128xi32, #tpu.memory_space<vmem>>) target_semaphore(%run_scoped3A : memref<!tpu.dma_semaphore, #tpu.memory_space<semaphore_mem>>)
        %dma_wait3A = arith.constant 0 : i32
        %dma_wait3A_84 = tpu.memref_slice %arg3[%add3A_14, %dma_wait3A] : memref<12544x128xi32, #tpu.memory_space<hbm>> -> memref<4x128xi32, #tpu.memory_space<hbm>>
        %dma_wait3A_85 = arith.constant 0 : i32
        %dma_wait3A_86 = tpu.memref_slice %arg3[%add3A_14, %dma_wait3A_85] : memref<12544x128xi32, #tpu.memory_space<hbm>> -> memref<4x128xi32, #tpu.memory_space<hbm>>
        tpu.wait_dma2 semaphore(%run_scoped3A : memref<!tpu.dma_semaphore, #tpu.memory_space<semaphore_mem>>) src(%dma_wait3A_86 : memref<4x128xi32, #tpu.memory_space<hbm>>) dst(%arg6 : memref<4x128xi32, #tpu.memory_space<vmem>>)
        tpu.yield
      }) : () -> ()
      "tpu.region"() ({
        %run_scoped3A = tpu.sem_alloc : memref<!tpu.dma_semaphore, #tpu.memory_space<semaphore_mem>>
        %dma_start3A_80 = arith.constant 0 : i32
        %dma_start3A_81 = tpu.memref_slice %arg4[%add3A_14, %dma_start3A_80] : memref<12544x128xi32, #tpu.memory_space<hbm>> -> memref<4x128xi32, #tpu.memory_space<hbm>>
        %dma_start3A_82 = arith.constant 0 : i32
        %dma_start3A_83 = tpu.memref_slice %arg4[%add3A_14, %dma_start3A_82] : memref<12544x128xi32, #tpu.memory_space<hbm>> -> memref<4x128xi32, #tpu.memory_space<hbm>>
        tpu.enqueue_dma source(%dma_start3A_83 : memref<4x128xi32, #tpu.memory_space<hbm>>) target(%arg7 : memref<4x128xi32, #tpu.memory_space<vmem>>) target_semaphore(%run_scoped3A : memref<!tpu.dma_semaphore, #tpu.memory_space<semaphore_mem>>)
        %dma_wait3A = arith.constant 0 : i32
        %dma_wait3A_84 = tpu.memref_slice %arg4[%add3A_14, %dma_wait3A] : memref<12544x128xi32, #tpu.memory_space<hbm>> -> memref<4x128xi32, #tpu.memory_space<hbm>>
        %dma_wait3A_85 = arith.constant 0 : i32
        %dma_wait3A_86 = tpu.memref_slice %arg4[%add3A_14, %dma_wait3A_85] : memref<12544x128xi32, #tpu.memory_space<hbm>> -> memref<4x128xi32, #tpu.memory_space<hbm>>
        tpu.wait_dma2 semaphore(%run_scoped3A : memref<!tpu.dma_semaphore, #tpu.memory_space<semaphore_mem>>) src(%dma_wait3A_86 : memref<4x128xi32, #tpu.memory_space<hbm>>) dst(%arg7 : memref<4x128xi32, #tpu.memory_space<vmem>>)
        tpu.yield
      }) : () -> ()
      %dma_start3A = arith.constant 0 : i32
      %dma_start3A_15 = arith.constant 0 : i32
      %dma_start3A_16 = arith.constant 0 : i32
      %dma_start3A_17 = tpu.memref_slice %arg10[%dma_start3A_15, %dma_start3A_16] : memref<512x16xf32, #tpu.memory_space<vmem>> -> memref<128x16xf32, #tpu.memory_space<vmem>>
      %dma_start3A_18 = arith.constant 0 : i32
      %dma_start3A_19 = tpu.memref_slice %arg6[%dma_start3A, %dma_start3A_18] : memref<4x128xi32, #tpu.memory_space<vmem>> -> memref<1x128xi32, #tpu.memory_space<vmem>>
      %dma_start3A_20 = tpu.memref_squeeze %dma_start3A_19 : memref<1x128xi32, #tpu.memory_space<vmem>> -> memref<128xi32, #tpu.memory_space<vmem>>
      %dma_start3A_21 = arith.constant 0 : i32
      %dma_start3A_22 = arith.constant 0 : i32
      %dma_start3A_23 = tpu.memref_slice %arg2[%add3A, %dma_start3A_21, %dma_start3A_22] : memref<4x100352x16xf32, #tpu.memory_space<hbm>> -> memref<1x100352x16xf32, #tpu.memory_space<hbm>>
      %dma_start3A_24 = tpu.memref_squeeze %dma_start3A_23 : memref<1x100352x16xf32, #tpu.memory_space<hbm>> -> memref<100352x16xf32, #tpu.memory_space<hbm>>
      %dma_start3A_25 = arith.constant 0 : i32
      %dma_start3A_26 = arith.constant 0 : i32
      %dma_start3A_27 = tpu.memref_slice %dma_start3A_24[%dma_start3A_25, %dma_start3A_26] : memref<100352x16xf32, #tpu.memory_space<hbm>> -> memref<100352x16xf32, #tpu.memory_space<hbm>>
      tpu.enqueue_indirect_dma source(%dma_start3A_27 : memref<100352x16xf32, #tpu.memory_space<hbm>>) target(%dma_start3A_17 : memref<128x16xf32, #tpu.memory_space<vmem>>) offsets(%dma_start3A_20 : memref<128xi32, #tpu.memory_space<vmem>>) semaphore(%arg13 : memref<!tpu.dma_semaphore, #tpu.memory_space<semaphore_mem>>)
      %dma_start3A_28 = arith.constant 1 : i32
      %dma_start3A_29 = arith.constant 128 : i32
      %dma_start3A_30 = arith.constant 0 : i32
      %dma_start3A_31 = tpu.memref_slice %arg10[%dma_start3A_29, %dma_start3A_30] : memref<512x16xf32, #tpu.memory_space<vmem>> -> memref<128x16xf32, #tpu.memory_space<vmem>>
      %dma_start3A_32 = arith.constant 0 : i32
      %dma_start3A_33 = tpu.memref_slice %arg6[%dma_start3A_28, %dma_start3A_32] : memref<4x128xi32, #tpu.memory_space<vmem>> -> memref<1x128xi32, #tpu.memory_space<vmem>>
      %dma_start3A_34 = tpu.memref_squeeze %dma_start3A_33 : memref<1x128xi32, #tpu.memory_space<vmem>> -> memref<128xi32, #tpu.memory_space<vmem>>
      %dma_start3A_35 = arith.constant 0 : i32
      %dma_start3A_36 = arith.constant 0 : i32
      %dma_start3A_37 = tpu.memref_slice %arg2[%add3A, %dma_start3A_35, %dma_start3A_36] : memref<4x100352x16xf32, #tpu.memory_space<hbm>> -> memref<1x100352x16xf32, #tpu.memory_space<hbm>>
      %dma_start3A_38 = tpu.memref_squeeze %dma_start3A_37 : memref<1x100352x16xf32, #tpu.memory_space<hbm>> -> memref<100352x16xf32, #tpu.memory_space<hbm>>
      %dma_start3A_39 = arith.constant 0 : i32
      %dma_start3A_40 = arith.constant 0 : i32
      %dma_start3A_41 = tpu.memref_slice %dma_start3A_38[%dma_start3A_39, %dma_start3A_40] : memref<100352x16xf32, #tpu.memory_space<hbm>> -> memref<100352x16xf32, #tpu.memory_space<hbm>>
      tpu.enqueue_indirect_dma source(%dma_start3A_41 : memref<100352x16xf32, #tpu.memory_space<hbm>>) target(%dma_start3A_31 : memref<128x16xf32, #tpu.memory_space<vmem>>) offsets(%dma_start3A_34 : memref<128xi32, #tpu.memory_space<vmem>>) semaphore(%arg13 : memref<!tpu.dma_semaphore, #tpu.memory_space<semaphore_mem>>)
      %dma_start3A_42 = arith.constant 2 : i32
      %dma_start3A_43 = arith.constant 256 : i32
      %dma_start3A_44 = arith.constant 0 : i32
      %dma_start3A_45 = tpu.memref_slice %arg10[%dma_start3A_43, %dma_start3A_44] : memref<512x16xf32, #tpu.memory_space<vmem>> -> memref<128x16xf32, #tpu.memory_space<vmem>>
      %dma_start3A_46 = arith.constant 0 : i32
      %dma_start3A_47 = tpu.memref_slice %arg6[%dma_start3A_42, %dma_start3A_46] : memref<4x128xi32, #tpu.memory_space<vmem>> -> memref<1x128xi32, #tpu.memory_space<vmem>>
      %dma_start3A_48 = tpu.memref_squeeze %dma_start3A_47 : memref<1x128xi32, #tpu.memory_space<vmem>> -> memref<128xi32, #tpu.memory_space<vmem>>
      %dma_start3A_49 = arith.constant 0 : i32
      %dma_start3A_50 = arith.constant 0 : i32
      %dma_start3A_51 = tpu.memref_slice %arg2[%add3A, %dma_start3A_49, %dma_start3A_50] : memref<4x100352x16xf32, #tpu.memory_space<hbm>> -> memref<1x100352x16xf32, #tpu.memory_space<hbm>>
      %dma_start3A_52 = tpu.memref_squeeze %dma_start3A_51 : memref<1x100352x16xf32, #tpu.memory_space<hbm>> -> memref<100352x16xf32, #tpu.memory_space<hbm>>
      %dma_start3A_53 = arith.constant 0 : i32
      %dma_start3A_54 = arith.constant 0 : i32
      %dma_start3A_55 = tpu.memref_slice %dma_start3A_52[%dma_start3A_53, %dma_start3A_54] : memref<100352x16xf32, #tpu.memory_space<hbm>> -> memref<100352x16xf32, #tpu.memory_space<hbm>>
      tpu.enqueue_indirect_dma source(%dma_start3A_55 : memref<100352x16xf32, #tpu.memory_space<hbm>>) target(%dma_start3A_45 : memref<128x16xf32, #tpu.memory_space<vmem>>) offsets(%dma_start3A_48 : memref<128xi32, #tpu.memory_space<vmem>>) semaphore(%arg13 : memref<!tpu.dma_semaphore, #tpu.memory_space<semaphore_mem>>)
      %dma_start3A_56 = arith.constant 3 : i32
      %dma_start3A_57 = arith.constant 384 : i32
      %dma_start3A_58 = arith.constant 0 : i32
      %dma_start3A_59 = tpu.memref_slice %arg10[%dma_start3A_57, %dma_start3A_58] : memref<512x16xf32, #tpu.memory_space<vmem>> -> memref<128x16xf32, #tpu.memory_space<vmem>>
      %dma_start3A_60 = arith.constant 0 : i32
      %dma_start3A_61 = tpu.memref_slice %arg6[%dma_start3A_56, %dma_start3A_60] : memref<4x128xi32, #tpu.memory_space<vmem>> -> memref<1x128xi32, #tpu.memory_space<vmem>>
      %dma_start3A_62 = tpu.memref_squeeze %dma_start3A_61 : memref<1x128xi32, #tpu.memory_space<vmem>> -> memref<128xi32, #tpu.memory_space<vmem>>
      %dma_start3A_63 = arith.constant 0 : i32
      %dma_start3A_64 = arith.constant 0 : i32
      %dma_start3A_65 = tpu.memref_slice %arg2[%add3A, %dma_start3A_63, %dma_start3A_64] : memref<4x100352x16xf32, #tpu.memory_space<hbm>> -> memref<1x100352x16xf32, #tpu.memory_space<hbm>>
      %dma_start3A_66 = tpu.memref_squeeze %dma_start3A_65 : memref<1x100352x16xf32, #tpu.memory_space<hbm>> -> memref<100352x16xf32, #tpu.memory_space<hbm>>
      %dma_start3A_67 = arith.constant 0 : i32
      %dma_start3A_68 = arith.constant 0 : i32
      %dma_start3A_69 = tpu.memref_slice %dma_start3A_66[%dma_start3A_67, %dma_start3A_68] : memref<100352x16xf32, #tpu.memory_space<hbm>> -> memref<100352x16xf32, #tpu.memory_space<hbm>>
      tpu.enqueue_indirect_dma source(%dma_start3A_69 : memref<100352x16xf32, #tpu.memory_space<hbm>>) target(%dma_start3A_59 : memref<128x16xf32, #tpu.memory_space<vmem>>) offsets(%dma_start3A_62 : memref<128xi32, #tpu.memory_space<vmem>>) semaphore(%arg13 : memref<!tpu.dma_semaphore, #tpu.memory_space<semaphore_mem>>)
      %scan3A_70 = arith.constant 0 : i32
      %scan3A_71 = arith.constant 0 : i32
      %scan3A_72 = arith.constant 98 : i32
      %scan3A_73 = arith.addi %scan3A_71, %scan3A_72 : i32
      %scan3A_74 = arith.constant 1 : i32
      %scan3A_75 = scf.for %scan3A_80 = %scan3A_71 to %scan3A_73 step %scan3A_74 iter_args(%scan3A_81 = %scan3A_70) -> (i32)  : i32 {
        %dma_wait3A = arith.constant 0 : i32
        %dma_wait3A_82 = arith.constant 0 : i32
        %dma_wait3A_83 = arith.constant 0 : i32
        %dma_wait3A_84 = tpu.memref_slice %arg10[%dma_wait3A_82, %dma_wait3A_83] : memref<512x16xf32, #tpu.memory_space<vmem>> -> memref<128x16xf32, #tpu.memory_space<vmem>>
        %dma_wait3A_85 = arith.constant 0 : i32
        %dma_wait3A_86 = tpu.memref_slice %arg6[%dma_wait3A, %dma_wait3A_85] : memref<4x128xi32, #tpu.memory_space<vmem>> -> memref<1x128xi32, #tpu.memory_space<vmem>>
        %dma_wait3A_87 = tpu.memref_squeeze %dma_wait3A_86 : memref<1x128xi32, #tpu.memory_space<vmem>> -> memref<128xi32, #tpu.memory_space<vmem>>
        %dma_wait3A_88 = arith.constant 0 : i32
        %dma_wait3A_89 = arith.constant 0 : i32
        %dma_wait3A_90 = tpu.memref_slice %arg2[%add3A, %dma_wait3A_88, %dma_wait3A_89] : memref<4x100352x16xf32, #tpu.memory_space<hbm>> -> memref<1x100352x16xf32, #tpu.memory_space<hbm>>
        %dma_wait3A_91 = tpu.memref_squeeze %dma_wait3A_90 : memref<1x100352x16xf32, #tpu.memory_space<hbm>> -> memref<100352x16xf32, #tpu.memory_space<hbm>>
        %dma_wait3A_92 = arith.constant 0 : i32
        %dma_wait3A_93 = arith.constant 0 : i32
        %dma_wait3A_94 = tpu.memref_slice %dma_wait3A_91[%dma_wait3A_92, %dma_wait3A_93] : memref<100352x16xf32, #tpu.memory_space<hbm>> -> memref<100352x16xf32, #tpu.memory_space<hbm>>
        tpu.wait_indirect_dma semaphore(%arg13 : memref<!tpu.dma_semaphore, #tpu.memory_space<semaphore_mem>>) src(%dma_wait3A_94 : memref<100352x16xf32, #tpu.memory_space<hbm>>) dst(%dma_wait3A_84 : memref<128x16xf32, #tpu.memory_space<vmem>>)
        %dma_wait3A_95 = arith.constant 1 : i32
        %dma_wait3A_96 = arith.constant 128 : i32
        %dma_wait3A_97 = arith.constant 0 : i32
        %dma_wait3A_98 = tpu.memref_slice %arg10[%dma_wait3A_96, %dma_wait3A_97] : memref<512x16xf32, #tpu.memory_space<vmem>> -> memref<128x16xf32, #tpu.memory_space<vmem>>
        %dma_wait3A_99 = arith.constant 0 : i32
        %dma_wait3A_100 = tpu.memref_slice %arg6[%dma_wait3A_95, %dma_wait3A_99] : memref<4x128xi32, #tpu.memory_space<vmem>> -> memref<1x128xi32, #tpu.memory_space<vmem>>
        %dma_wait3A_101 = tpu.memref_squeeze %dma_wait3A_100 : memref<1x128xi32, #tpu.memory_space<vmem>> -> memref<128xi32, #tpu.memory_space<vmem>>
        %dma_wait3A_102 = arith.constant 0 : i32
        %dma_wait3A_103 = arith.constant 0 : i32
        %dma_wait3A_104 = tpu.memref_slice %arg2[%add3A, %dma_wait3A_102, %dma_wait3A_103] : memref<4x100352x16xf32, #tpu.memory_space<hbm>> -> memref<1x100352x16xf32, #tpu.memory_space<hbm>>
        %dma_wait3A_105 = tpu.memref_squeeze %dma_wait3A_104 : memref<1x100352x16xf32, #tpu.memory_space<hbm>> -> memref<100352x16xf32, #tpu.memory_space<hbm>>
        %dma_wait3A_106 = arith.constant 0 : i32
        %dma_wait3A_107 = arith.constant 0 : i32
        %dma_wait3A_108 = tpu.memref_slice %dma_wait3A_105[%dma_wait3A_106, %dma_wait3A_107] : memref<100352x16xf32, #tpu.memory_space<hbm>> -> memref<100352x16xf32, #tpu.memory_space<hbm>>
        tpu.wait_indirect_dma semaphore(%arg13 : memref<!tpu.dma_semaphore, #tpu.memory_space<semaphore_mem>>) src(%dma_wait3A_108 : memref<100352x16xf32, #tpu.memory_space<hbm>>) dst(%dma_wait3A_98 : memref<128x16xf32, #tpu.memory_space<vmem>>)
        %dma_wait3A_109 = arith.constant 2 : i32
        %dma_wait3A_110 = arith.constant 256 : i32
        %dma_wait3A_111 = arith.constant 0 : i32
        %dma_wait3A_112 = tpu.memref_slice %arg10[%dma_wait3A_110, %dma_wait3A_111] : memref<512x16xf32, #tpu.memory_space<vmem>> -> memref<128x16xf32, #tpu.memory_space<vmem>>
        %dma_wait3A_113 = arith.constant 0 : i32
        %dma_wait3A_114 = tpu.memref_slice %arg6[%dma_wait3A_109, %dma_wait3A_113] : memref<4x128xi32, #tpu.memory_space<vmem>> -> memref<1x128xi32, #tpu.memory_space<vmem>>
        %dma_wait3A_115 = tpu.memref_squeeze %dma_wait3A_114 : memref<1x128xi32, #tpu.memory_space<vmem>> -> memref<128xi32, #tpu.memory_space<vmem>>
        %dma_wait3A_116 = arith.constant 0 : i32
        %dma_wait3A_117 = arith.constant 0 : i32
        %dma_wait3A_118 = tpu.memref_slice %arg2[%add3A, %dma_wait3A_116, %dma_wait3A_117] : memref<4x100352x16xf32, #tpu.memory_space<hbm>> -> memref<1x100352x16xf32, #tpu.memory_space<hbm>>
        %dma_wait3A_119 = tpu.memref_squeeze %dma_wait3A_118 : memref<1x100352x16xf32, #tpu.memory_space<hbm>> -> memref<100352x16xf32, #tpu.memory_space<hbm>>
        %dma_wait3A_120 = arith.constant 0 : i32
        %dma_wait3A_121 = arith.constant 0 : i32
        %dma_wait3A_122 = tpu.memref_slice %dma_wait3A_119[%dma_wait3A_120, %dma_wait3A_121] : memref<100352x16xf32, #tpu.memory_space<hbm>> -> memref<100352x16xf32, #tpu.memory_space<hbm>>
        tpu.wait_indirect_dma semaphore(%arg13 : memref<!tpu.dma_semaphore, #tpu.memory_space<semaphore_mem>>) src(%dma_wait3A_122 : memref<100352x16xf32, #tpu.memory_space<hbm>>) dst(%dma_wait3A_112 : memref<128x16xf32, #tpu.memory_space<vmem>>)
        %dma_wait3A_123 = arith.constant 3 : i32
        %dma_wait3A_124 = arith.constant 384 : i32
        %dma_wait3A_125 = arith.constant 0 : i32
        %dma_wait3A_126 = tpu.memref_slice %arg10[%dma_wait3A_124, %dma_wait3A_125] : memref<512x16xf32, #tpu.memory_space<vmem>> -> memref<128x16xf32, #tpu.memory_space<vmem>>
        %dma_wait3A_127 = arith.constant 0 : i32
        %dma_wait3A_128 = tpu.memref_slice %arg6[%dma_wait3A_123, %dma_wait3A_127] : memref<4x128xi32, #tpu.memory_space<vmem>> -> memref<1x128xi32, #tpu.memory_space<vmem>>
        %dma_wait3A_129 = tpu.memref_squeeze %dma_wait3A_128 : memref<1x128xi32, #tpu.memory_space<vmem>> -> memref<128xi32, #tpu.memory_space<vmem>>
        %dma_wait3A_130 = arith.constant 0 : i32
        %dma_wait3A_131 = arith.constant 0 : i32
        %dma_wait3A_132 = tpu.memref_slice %arg2[%add3A, %dma_wait3A_130, %dma_wait3A_131] : memref<4x100352x16xf32, #tpu.memory_space<hbm>> -> memref<1x100352x16xf32, #tpu.memory_space<hbm>>
        %dma_wait3A_133 = tpu.memref_squeeze %dma_wait3A_132 : memref<1x100352x16xf32, #tpu.memory_space<hbm>> -> memref<100352x16xf32, #tpu.memory_space<hbm>>
        %dma_wait3A_134 = arith.constant 0 : i32
        %dma_wait3A_135 = arith.constant 0 : i32
        %dma_wait3A_136 = tpu.memref_slice %dma_wait3A_133[%dma_wait3A_134, %dma_wait3A_135] : memref<100352x16xf32, #tpu.memory_space<hbm>> -> memref<100352x16xf32, #tpu.memory_space<hbm>>
        tpu.wait_indirect_dma semaphore(%arg13 : memref<!tpu.dma_semaphore, #tpu.memory_space<semaphore_mem>>) src(%dma_wait3A_136 : memref<100352x16xf32, #tpu.memory_space<hbm>>) dst(%dma_wait3A_126 : memref<128x16xf32, #tpu.memory_space<vmem>>)
        %mul3A_137 = arith.constant 2 : i32
        %mul3A_138 = arith.muli %mul3A_137, %scan3A_80 : i32
        %add3A_139 = arith.constant 1 : i32
        %add3A_140 = arith.addi %mul3A_138, %add3A_139 : i32
        %mul3A_141 = arith.constant 4 : i32
        %mul3A_142 = arith.muli %add3A_140, %mul3A_141 : i32
        %add3A_143 = arith.addi %mul3A_2, %mul3A_142 : i32
        "tpu.region"() ({
          %run_scoped3A_266 = tpu.sem_alloc : memref<!tpu.dma_semaphore, #tpu.memory_space<semaphore_mem>>
          %dma_start3A_267 = arith.constant 0 : i32
          %dma_start3A_268 = tpu.memref_slice %arg3[%add3A_143, %dma_start3A_267] : memref<12544x128xi32, #tpu.memory_space<hbm>> -> memref<4x128xi32, #tpu.memory_space<hbm>>
          %dma_start3A_269 = arith.constant 0 : i32
          %dma_start3A_270 = tpu.memref_slice %arg3[%add3A_143, %dma_start3A_269] : memref<12544x128xi32, #tpu.memory_space<hbm>> -> memref<4x128xi32, #tpu.memory_space<hbm>>
          tpu.enqueue_dma source(%dma_start3A_270 : memref<4x128xi32, #tpu.memory_space<hbm>>) target(%arg8 : memref<4x128xi32, #tpu.memory_space<vmem>>) target_semaphore(%run_scoped3A_266 : memref<!tpu.dma_semaphore, #tpu.memory_space<semaphore_mem>>)
          %dma_wait3A_271 = arith.constant 0 : i32
          %dma_wait3A_272 = tpu.memref_slice %arg3[%add3A_143, %dma_wait3A_271] : memref<12544x128xi32, #tpu.memory_space<hbm>> -> memref<4x128xi32, #tpu.memory_space<hbm>>
          %dma_wait3A_273 = arith.constant 0 : i32
          %dma_wait3A_274 = tpu.memref_slice %arg3[%add3A_143, %dma_wait3A_273] : memref<12544x128xi32, #tpu.memory_space<hbm>> -> memref<4x128xi32, #tpu.memory_space<hbm>>
          tpu.wait_dma2 semaphore(%run_scoped3A_266 : memref<!tpu.dma_semaphore, #tpu.memory_space<semaphore_mem>>) src(%dma_wait3A_274 : memref<4x128xi32, #tpu.memory_space<hbm>>) dst(%arg8 : memref<4x128xi32, #tpu.memory_space<vmem>>)
          tpu.yield
        }) : () -> ()
        "tpu.region"() ({
          %run_scoped3A_266 = tpu.sem_alloc : memref<!tpu.dma_semaphore, #tpu.memory_space<semaphore_mem>>
          %dma_start3A_267 = arith.constant 0 : i32
          %dma_start3A_268 = tpu.memref_slice %arg4[%add3A_143, %dma_start3A_267] : memref<12544x128xi32, #tpu.memory_space<hbm>> -> memref<4x128xi32, #tpu.memory_space<hbm>>
          %dma_start3A_269 = arith.constant 0 : i32
          %dma_start3A_270 = tpu.memref_slice %arg4[%add3A_143, %dma_start3A_269] : memref<12544x128xi32, #tpu.memory_space<hbm>> -> memref<4x128xi32, #tpu.memory_space<hbm>>
          tpu.enqueue_dma source(%dma_start3A_270 : memref<4x128xi32, #tpu.memory_space<hbm>>) target(%arg9 : memref<4x128xi32, #tpu.memory_space<vmem>>) target_semaphore(%run_scoped3A_266 : memref<!tpu.dma_semaphore, #tpu.memory_space<semaphore_mem>>)
          %dma_wait3A_271 = arith.constant 0 : i32
          %dma_wait3A_272 = tpu.memref_slice %arg4[%add3A_143, %dma_wait3A_271] : memref<12544x128xi32, #tpu.memory_space<hbm>> -> memref<4x128xi32, #tpu.memory_space<hbm>>
          %dma_wait3A_273 = arith.constant 0 : i32
          %dma_wait3A_274 = tpu.memref_slice %arg4[%add3A_143, %dma_wait3A_273] : memref<12544x128xi32, #tpu.memory_space<hbm>> -> memref<4x128xi32, #tpu.memory_space<hbm>>
          tpu.wait_dma2 semaphore(%run_scoped3A_266 : memref<!tpu.dma_semaphore, #tpu.memory_space<semaphore_mem>>) src(%dma_wait3A_274 : memref<4x128xi32, #tpu.memory_space<hbm>>) dst(%arg9 : memref<4x128xi32, #tpu.memory_space<vmem>>)
          tpu.yield
        }) : () -> ()
        %dma_start3A_144 = arith.constant 0 : i32
        %dma_start3A_145 = arith.constant 0 : i32
        %dma_start3A_146 = arith.constant 0 : i32
        %dma_start3A_147 = tpu.memref_slice %arg11[%dma_start3A_145, %dma_start3A_146] : memref<512x16xf32, #tpu.memory_space<vmem>> -> memref<128x16xf32, #tpu.memory_space<vmem>>
        %dma_start3A_148 = arith.constant 0 : i32
        %dma_start3A_149 = tpu.memref_slice %arg8[%dma_start3A_144, %dma_start3A_148] : memref<4x128xi32, #tpu.memory_space<vmem>> -> memref<1x128xi32, #tpu.memory_space<vmem>>
        %dma_start3A_150 = tpu.memref_squeeze %dma_start3A_149 : memref<1x128xi32, #tpu.memory_space<vmem>> -> memref<128xi32, #tpu.memory_space<vmem>>
        %dma_start3A_151 = arith.constant 0 : i32
        %dma_start3A_152 = arith.constant 0 : i32
        %dma_start3A_153 = tpu.memref_slice %arg2[%add3A, %dma_start3A_151, %dma_start3A_152] : memref<4x100352x16xf32, #tpu.memory_space<hbm>> -> memref<1x100352x16xf32, #tpu.memory_space<hbm>>
        %dma_start3A_154 = tpu.memref_squeeze %dma_start3A_153 : memref<1x100352x16xf32, #tpu.memory_space<hbm>> -> memref<100352x16xf32, #tpu.memory_space<hbm>>
        %dma_start3A_155 = arith.constant 0 : i32
        %dma_start3A_156 = arith.constant 0 : i32
        %dma_start3A_157 = tpu.memref_slice %dma_start3A_154[%dma_start3A_155, %dma_start3A_156] : memref<100352x16xf32, #tpu.memory_space<hbm>> -> memref<100352x16xf32, #tpu.memory_space<hbm>>
        tpu.enqueue_indirect_dma source(%dma_start3A_157 : memref<100352x16xf32, #tpu.memory_space<hbm>>) target(%dma_start3A_147 : memref<128x16xf32, #tpu.memory_space<vmem>>) offsets(%dma_start3A_150 : memref<128xi32, #tpu.memory_space<vmem>>) semaphore(%arg14 : memref<!tpu.dma_semaphore, #tpu.memory_space<semaphore_mem>>)
        %dma_start3A_158 = arith.constant 1 : i32
        %dma_start3A_159 = arith.constant 128 : i32
        %dma_start3A_160 = arith.constant 0 : i32
        %dma_start3A_161 = tpu.memref_slice %arg11[%dma_start3A_159, %dma_start3A_160] : memref<512x16xf32, #tpu.memory_space<vmem>> -> memref<128x16xf32, #tpu.memory_space<vmem>>
        %dma_start3A_162 = arith.constant 0 : i32
        %dma_start3A_163 = tpu.memref_slice %arg8[%dma_start3A_158, %dma_start3A_162] : memref<4x128xi32, #tpu.memory_space<vmem>> -> memref<1x128xi32, #tpu.memory_space<vmem>>
        %dma_start3A_164 = tpu.memref_squeeze %dma_start3A_163 : memref<1x128xi32, #tpu.memory_space<vmem>> -> memref<128xi32, #tpu.memory_space<vmem>>
        %dma_start3A_165 = arith.constant 0 : i32
        %dma_start3A_166 = arith.constant 0 : i32
        %dma_start3A_167 = tpu.memref_slice %arg2[%add3A, %dma_start3A_165, %dma_start3A_166] : memref<4x100352x16xf32, #tpu.memory_space<hbm>> -> memref<1x100352x16xf32, #tpu.memory_space<hbm>>
        %dma_start3A_168 = tpu.memref_squeeze %dma_start3A_167 : memref<1x100352x16xf32, #tpu.memory_space<hbm>> -> memref<100352x16xf32, #tpu.memory_space<hbm>>
        %dma_start3A_169 = arith.constant 0 : i32
        %dma_start3A_170 = arith.constant 0 : i32
        %dma_start3A_171 = tpu.memref_slice %dma_start3A_168[%dma_start3A_169, %dma_start3A_170] : memref<100352x16xf32, #tpu.memory_space<hbm>> -> memref<100352x16xf32, #tpu.memory_space<hbm>>
        tpu.enqueue_indirect_dma source(%dma_start3A_171 : memref<100352x16xf32, #tpu.memory_space<hbm>>) target(%dma_start3A_161 : memref<128x16xf32, #tpu.memory_space<vmem>>) offsets(%dma_start3A_164 : memref<128xi32, #tpu.memory_space<vmem>>) semaphore(%arg14 : memref<!tpu.dma_semaphore, #tpu.memory_space<semaphore_mem>>)
        %dma_start3A_172 = arith.constant 2 : i32
        %dma_start3A_173 = arith.constant 256 : i32
        %dma_start3A_174 = arith.constant 0 : i32
        %dma_start3A_175 = tpu.memref_slice %arg11[%dma_start3A_173, %dma_start3A_174] : memref<512x16xf32, #tpu.memory_space<vmem>> -> memref<128x16xf32, #tpu.memory_space<vmem>>
        %dma_start3A_176 = arith.constant 0 : i32
        %dma_start3A_177 = tpu.memref_slice %arg8[%dma_start3A_172, %dma_start3A_176] : memref<4x128xi32, #tpu.memory_space<vmem>> -> memref<1x128xi32, #tpu.memory_space<vmem>>
        %dma_start3A_178 = tpu.memref_squeeze %dma_start3A_177 : memref<1x128xi32, #tpu.memory_space<vmem>> -> memref<128xi32, #tpu.memory_space<vmem>>
        %dma_start3A_179 = arith.constant 0 : i32
        %dma_start3A_180 = arith.constant 0 : i32
        %dma_start3A_181 = tpu.memref_slice %arg2[%add3A, %dma_start3A_179, %dma_start3A_180] : memref<4x100352x16xf32, #tpu.memory_space<hbm>> -> memref<1x100352x16xf32, #tpu.memory_space<hbm>>
        %dma_start3A_182 = tpu.memref_squeeze %dma_start3A_181 : memref<1x100352x16xf32, #tpu.memory_space<hbm>> -> memref<100352x16xf32, #tpu.memory_space<hbm>>
        %dma_start3A_183 = arith.constant 0 : i32
        %dma_start3A_184 = arith.constant 0 : i32
        %dma_start3A_185 = tpu.memref_slice %dma_start3A_182[%dma_start3A_183, %dma_start3A_184] : memref<100352x16xf32, #tpu.memory_space<hbm>> -> memref<100352x16xf32, #tpu.memory_space<hbm>>
        tpu.enqueue_indirect_dma source(%dma_start3A_185 : memref<100352x16xf32, #tpu.memory_space<hbm>>) target(%dma_start3A_175 : memref<128x16xf32, #tpu.memory_space<vmem>>) offsets(%dma_start3A_178 : memref<128xi32, #tpu.memory_space<vmem>>) semaphore(%arg14 : memref<!tpu.dma_semaphore, #tpu.memory_space<semaphore_mem>>)
        %dma_start3A_186 = arith.constant 3 : i32
        %dma_start3A_187 = arith.constant 384 : i32
        %dma_start3A_188 = arith.constant 0 : i32
        %dma_start3A_189 = tpu.memref_slice %arg11[%dma_start3A_187, %dma_start3A_188] : memref<512x16xf32, #tpu.memory_space<vmem>> -> memref<128x16xf32, #tpu.memory_space<vmem>>
        %dma_start3A_190 = arith.constant 0 : i32
        %dma_start3A_191 = tpu.memref_slice %arg8[%dma_start3A_186, %dma_start3A_190] : memref<4x128xi32, #tpu.memory_space<vmem>> -> memref<1x128xi32, #tpu.memory_space<vmem>>
        %dma_start3A_192 = tpu.memref_squeeze %dma_start3A_191 : memref<1x128xi32, #tpu.memory_space<vmem>> -> memref<128xi32, #tpu.memory_space<vmem>>
        %dma_start3A_193 = arith.constant 0 : i32
        %dma_start3A_194 = arith.constant 0 : i32
        %dma_start3A_195 = tpu.memref_slice %arg2[%add3A, %dma_start3A_193, %dma_start3A_194] : memref<4x100352x16xf32, #tpu.memory_space<hbm>> -> memref<1x100352x16xf32, #tpu.memory_space<hbm>>
        %dma_start3A_196 = tpu.memref_squeeze %dma_start3A_195 : memref<1x100352x16xf32, #tpu.memory_space<hbm>> -> memref<100352x16xf32, #tpu.memory_space<hbm>>
        %dma_start3A_197 = arith.constant 0 : i32
        %dma_start3A_198 = arith.constant 0 : i32
        %dma_start3A_199 = tpu.memref_slice %dma_start3A_196[%dma_start3A_197, %dma_start3A_198] : memref<100352x16xf32, #tpu.memory_space<hbm>> -> memref<100352x16xf32, #tpu.memory_space<hbm>>
        tpu.enqueue_indirect_dma source(%dma_start3A_199 : memref<100352x16xf32, #tpu.memory_space<hbm>>) target(%dma_start3A_189 : memref<128x16xf32, #tpu.memory_space<vmem>>) offsets(%dma_start3A_192 : memref<128xi32, #tpu.memory_space<vmem>>) semaphore(%arg14 : memref<!tpu.dma_semaphore, #tpu.memory_space<semaphore_mem>>)
        %run_scoped3A = arith.constant 0 : i32
        "tpu.region"() ({
          %run_scoped3A_266 = tpu.sem_alloc : memref<!tpu.dma_semaphore, #tpu.memory_space<semaphore_mem>>
          %dma_start3A_267 = arith.constant 0 : i32
          %dma_start3A_268 = arith.constant 0 : i32
          %dma_start3A_269 = tpu.memref_slice %arg10[%dma_start3A_267, %dma_start3A_268] : memref<512x16xf32, #tpu.memory_space<vmem>> -> memref<128x16xf32, #tpu.memory_space<vmem>>
          %dma_start3A_270 = arith.constant 0 : i32
          %dma_start3A_271 = tpu.memref_slice %arg7[%run_scoped3A, %dma_start3A_270] : memref<4x128xi32, #tpu.memory_space<vmem>> -> memref<1x128xi32, #tpu.memory_space<vmem>>
          %dma_start3A_272 = tpu.memref_squeeze %dma_start3A_271 : memref<1x128xi32, #tpu.memory_space<vmem>> -> memref<128xi32, #tpu.memory_space<vmem>>
          %dma_start3A_273 = arith.constant 0 : i32
          %dma_start3A_274 = arith.constant 0 : i32
          %dma_start3A_275 = tpu.memref_slice %arg12[%dma_start3A_273, %dma_start3A_274] : memref<100352x16xf32, #tpu.memory_space<vmem_shared>> -> memref<100352x16xf32, #tpu.memory_space<vmem_shared>>
          tpu.enqueue_indirect_dma source(%dma_start3A_269 : memref<128x16xf32, #tpu.memory_space<vmem>>) target(%dma_start3A_275 : memref<100352x16xf32, #tpu.memory_space<vmem_shared>>) offsets(%dma_start3A_272 : memref<128xi32, #tpu.memory_space<vmem>>) semaphore(%run_scoped3A_266 : memref<!tpu.dma_semaphore, #tpu.memory_space<semaphore_mem>>) {add = true}
          %dma_wait3A_276 = arith.constant 0 : i32
          %dma_wait3A_277 = arith.constant 0 : i32
          %dma_wait3A_278 = tpu.memref_slice %arg10[%dma_wait3A_276, %dma_wait3A_277] : memref<512x16xf32, #tpu.memory_space<vmem>> -> memref<128x16xf32, #tpu.memory_space<vmem>>
          %dma_wait3A_279 = arith.constant 0 : i32
          %dma_wait3A_280 = tpu.memref_slice %arg7[%run_scoped3A, %dma_wait3A_279] : memref<4x128xi32, #tpu.memory_space<vmem>> -> memref<1x128xi32, #tpu.memory_space<vmem>>
          %dma_wait3A_281 = tpu.memref_squeeze %dma_wait3A_280 : memref<1x128xi32, #tpu.memory_space<vmem>> -> memref<128xi32, #tpu.memory_space<vmem>>
          %dma_wait3A_282 = arith.constant 0 : i32
          %dma_wait3A_283 = arith.constant 0 : i32
          %dma_wait3A_284 = tpu.memref_slice %arg12[%dma_wait3A_282, %dma_wait3A_283] : memref<100352x16xf32, #tpu.memory_space<vmem_shared>> -> memref<100352x16xf32, #tpu.memory_space<vmem_shared>>
          tpu.wait_indirect_dma semaphore(%run_scoped3A_266 : memref<!tpu.dma_semaphore, #tpu.memory_space<semaphore_mem>>) src(%dma_wait3A_278 : memref<128x16xf32, #tpu.memory_space<vmem>>) dst(%dma_wait3A_284 : memref<100352x16xf32, #tpu.memory_space<vmem_shared>>)
          tpu.yield
        }) : () -> ()
        %run_scoped3A_200 = arith.constant 1 : i32
        "tpu.region"() ({
          %run_scoped3A_266 = tpu.sem_alloc : memref<!tpu.dma_semaphore, #tpu.memory_space<semaphore_mem>>
          %dma_start3A_267 = arith.constant 128 : i32
          %dma_start3A_268 = arith.constant 0 : i32
          %dma_start3A_269 = tpu.memref_slice %arg10[%dma_start3A_267, %dma_start3A_268] : memref<512x16xf32, #tpu.memory_space<vmem>> -> memref<128x16xf32, #tpu.memory_space<vmem>>
          %dma_start3A_270 = arith.constant 0 : i32
          %dma_start3A_271 = tpu.memref_slice %arg7[%run_scoped3A_200, %dma_start3A_270] : memref<4x128xi32, #tpu.memory_space<vmem>> -> memref<1x128xi32, #tpu.memory_space<vmem>>
          %dma_start3A_272 = tpu.memref_squeeze %dma_start3A_271 : memref<1x128xi32, #tpu.memory_space<vmem>> -> memref<128xi32, #tpu.memory_space<vmem>>
          %dma_start3A_273 = arith.constant 0 : i32
          %dma_start3A_274 = arith.constant 0 : i32
          %dma_start3A_275 = tpu.memref_slice %arg12[%dma_start3A_273, %dma_start3A_274] : memref<100352x16xf32, #tpu.memory_space<vmem_shared>> -> memref<100352x16xf32, #tpu.memory_space<vmem_shared>>
          tpu.enqueue_indirect_dma source(%dma_start3A_269 : memref<128x16xf32, #tpu.memory_space<vmem>>) target(%dma_start3A_275 : memref<100352x16xf32, #tpu.memory_space<vmem_shared>>) offsets(%dma_start3A_272 : memref<128xi32, #tpu.memory_space<vmem>>) semaphore(%run_scoped3A_266 : memref<!tpu.dma_semaphore, #tpu.memory_space<semaphore_mem>>) {add = true}
          %dma_wait3A_276 = arith.constant 128 : i32
          %dma_wait3A_277 = arith.constant 0 : i32
          %dma_wait3A_278 = tpu.memref_slice %arg10[%dma_wait3A_276, %dma_wait3A_277] : memref<512x16xf32, #tpu.memory_space<vmem>> -> memref<128x16xf32, #tpu.memory_space<vmem>>
          %dma_wait3A_279 = arith.constant 0 : i32
          %dma_wait3A_280 = tpu.memref_slice %arg7[%run_scoped3A_200, %dma_wait3A_279] : memref<4x128xi32, #tpu.memory_space<vmem>> -> memref<1x128xi32, #tpu.memory_space<vmem>>
          %dma_wait3A_281 = tpu.memref_squeeze %dma_wait3A_280 : memref<1x128xi32, #tpu.memory_space<vmem>> -> memref<128xi32, #tpu.memory_space<vmem>>
          %dma_wait3A_282 = arith.constant 0 : i32
          %dma_wait3A_283 = arith.constant 0 : i32
          %dma_wait3A_284 = tpu.memref_slice %arg12[%dma_wait3A_282, %dma_wait3A_283] : memref<100352x16xf32, #tpu.memory_space<vmem_shared>> -> memref<100352x16xf32, #tpu.memory_space<vmem_shared>>
          tpu.wait_indirect_dma semaphore(%run_scoped3A_266 : memref<!tpu.dma_semaphore, #tpu.memory_space<semaphore_mem>>) src(%dma_wait3A_278 : memref<128x16xf32, #tpu.memory_space<vmem>>) dst(%dma_wait3A_284 : memref<100352x16xf32, #tpu.memory_space<vmem_shared>>)
          tpu.yield
        }) : () -> ()
        %run_scoped3A_201 = arith.constant 2 : i32
        "tpu.region"() ({
          %run_scoped3A_266 = tpu.sem_alloc : memref<!tpu.dma_semaphore, #tpu.memory_space<semaphore_mem>>
          %dma_start3A_267 = arith.constant 256 : i32
          %dma_start3A_268 = arith.constant 0 : i32
          %dma_start3A_269 = tpu.memref_slice %arg10[%dma_start3A_267, %dma_start3A_268] : memref<512x16xf32, #tpu.memory_space<vmem>> -> memref<128x16xf32, #tpu.memory_space<vmem>>
          %dma_start3A_270 = arith.constant 0 : i32
          %dma_start3A_271 = tpu.memref_slice %arg7[%run_scoped3A_201, %dma_start3A_270] : memref<4x128xi32, #tpu.memory_space<vmem>> -> memref<1x128xi32, #tpu.memory_space<vmem>>
          %dma_start3A_272 = tpu.memref_squeeze %dma_start3A_271 : memref<1x128xi32, #tpu.memory_space<vmem>> -> memref<128xi32, #tpu.memory_space<vmem>>
          %dma_start3A_273 = arith.constant 0 : i32
          %dma_start3A_274 = arith.constant 0 : i32
          %dma_start3A_275 = tpu.memref_slice %arg12[%dma_start3A_273, %dma_start3A_274] : memref<100352x16xf32, #tpu.memory_space<vmem_shared>> -> memref<100352x16xf32, #tpu.memory_space<vmem_shared>>
          tpu.enqueue_indirect_dma source(%dma_start3A_269 : memref<128x16xf32, #tpu.memory_space<vmem>>) target(%dma_start3A_275 : memref<100352x16xf32, #tpu.memory_space<vmem_shared>>) offsets(%dma_start3A_272 : memref<128xi32, #tpu.memory_space<vmem>>) semaphore(%run_scoped3A_266 : memref<!tpu.dma_semaphore, #tpu.memory_space<semaphore_mem>>) {add = true}
          %dma_wait3A_276 = arith.constant 256 : i32
          %dma_wait3A_277 = arith.constant 0 : i32
          %dma_wait3A_278 = tpu.memref_slice %arg10[%dma_wait3A_276, %dma_wait3A_277] : memref<512x16xf32, #tpu.memory_space<vmem>> -> memref<128x16xf32, #tpu.memory_space<vmem>>
          %dma_wait3A_279 = arith.constant 0 : i32
          %dma_wait3A_280 = tpu.memref_slice %arg7[%run_scoped3A_201, %dma_wait3A_279] : memref<4x128xi32, #tpu.memory_space<vmem>> -> memref<1x128xi32, #tpu.memory_space<vmem>>
          %dma_wait3A_281 = tpu.memref_squeeze %dma_wait3A_280 : memref<1x128xi32, #tpu.memory_space<vmem>> -> memref<128xi32, #tpu.memory_space<vmem>>
          %dma_wait3A_282 = arith.constant 0 : i32
          %dma_wait3A_283 = arith.constant 0 : i32
          %dma_wait3A_284 = tpu.memref_slice %arg12[%dma_wait3A_282, %dma_wait3A_283] : memref<100352x16xf32, #tpu.memory_space<vmem_shared>> -> memref<100352x16xf32, #tpu.memory_space<vmem_shared>>
          tpu.wait_indirect_dma semaphore(%run_scoped3A_266 : memref<!tpu.dma_semaphore, #tpu.memory_space<semaphore_mem>>) src(%dma_wait3A_278 : memref<128x16xf32, #tpu.memory_space<vmem>>) dst(%dma_wait3A_284 : memref<100352x16xf32, #tpu.memory_space<vmem_shared>>)
          tpu.yield
        }) : () -> ()
        %run_scoped3A_202 = arith.constant 3 : i32
        "tpu.region"() ({
          %run_scoped3A_266 = tpu.sem_alloc : memref<!tpu.dma_semaphore, #tpu.memory_space<semaphore_mem>>
          %dma_start3A_267 = arith.constant 384 : i32
          %dma_start3A_268 = arith.constant 0 : i32
          %dma_start3A_269 = tpu.memref_slice %arg10[%dma_start3A_267, %dma_start3A_268] : memref<512x16xf32, #tpu.memory_space<vmem>> -> memref<128x16xf32, #tpu.memory_space<vmem>>
          %dma_start3A_270 = arith.constant 0 : i32
          %dma_start3A_271 = tpu.memref_slice %arg7[%run_scoped3A_202, %dma_start3A_270] : memref<4x128xi32, #tpu.memory_space<vmem>> -> memref<1x128xi32, #tpu.memory_space<vmem>>
          %dma_start3A_272 = tpu.memref_squeeze %dma_start3A_271 : memref<1x128xi32, #tpu.memory_space<vmem>> -> memref<128xi32, #tpu.memory_space<vmem>>
          %dma_start3A_273 = arith.constant 0 : i32
          %dma_start3A_274 = arith.constant 0 : i32
          %dma_start3A_275 = tpu.memref_slice %arg12[%dma_start3A_273, %dma_start3A_274] : memref<100352x16xf32, #tpu.memory_space<vmem_shared>> -> memref<100352x16xf32, #tpu.memory_space<vmem_shared>>
          tpu.enqueue_indirect_dma source(%dma_start3A_269 : memref<128x16xf32, #tpu.memory_space<vmem>>) target(%dma_start3A_275 : memref<100352x16xf32, #tpu.memory_space<vmem_shared>>) offsets(%dma_start3A_272 : memref<128xi32, #tpu.memory_space<vmem>>) semaphore(%run_scoped3A_266 : memref<!tpu.dma_semaphore, #tpu.memory_space<semaphore_mem>>) {add = true}
          %dma_wait3A_276 = arith.constant 384 : i32
          %dma_wait3A_277 = arith.constant 0 : i32
          %dma_wait3A_278 = tpu.memref_slice %arg10[%dma_wait3A_276, %dma_wait3A_277] : memref<512x16xf32, #tpu.memory_space<vmem>> -> memref<128x16xf32, #tpu.memory_space<vmem>>
          %dma_wait3A_279 = arith.constant 0 : i32
          %dma_wait3A_280 = tpu.memref_slice %arg7[%run_scoped3A_202, %dma_wait3A_279] : memref<4x128xi32, #tpu.memory_space<vmem>> -> memref<1x128xi32, #tpu.memory_space<vmem>>
          %dma_wait3A_281 = tpu.memref_squeeze %dma_wait3A_280 : memref<1x128xi32, #tpu.memory_space<vmem>> -> memref<128xi32, #tpu.memory_space<vmem>>
          %dma_wait3A_282 = arith.constant 0 : i32
          %dma_wait3A_283 = arith.constant 0 : i32
          %dma_wait3A_284 = tpu.memref_slice %arg12[%dma_wait3A_282, %dma_wait3A_283] : memref<100352x16xf32, #tpu.memory_space<vmem_shared>> -> memref<100352x16xf32, #tpu.memory_space<vmem_shared>>
          tpu.wait_indirect_dma semaphore(%run_scoped3A_266 : memref<!tpu.dma_semaphore, #tpu.memory_space<semaphore_mem>>) src(%dma_wait3A_278 : memref<128x16xf32, #tpu.memory_space<vmem>>) dst(%dma_wait3A_284 : memref<100352x16xf32, #tpu.memory_space<vmem_shared>>)
          tpu.yield
        }) : () -> ()
        %dma_wait3A_203 = arith.constant 0 : i32
        %dma_wait3A_204 = arith.constant 0 : i32
        %dma_wait3A_205 = arith.constant 0 : i32
        %dma_wait3A_206 = tpu.memref_slice %arg11[%dma_wait3A_204, %dma_wait3A_205] : memref<512x16xf32, #tpu.memory_space<vmem>> -> memref<128x16xf32, #tpu.memory_space<vmem>>
        %dma_wait3A_207 = arith.constant 0 : i32
        %dma_wait3A_208 = tpu.memref_slice %arg8[%dma_wait3A_203, %dma_wait3A_207] : memref<4x128xi32, #tpu.memory_space<vmem>> -> memref<1x128xi32, #tpu.memory_space<vmem>>
        %dma_wait3A_209 = tpu.memref_squeeze %dma_wait3A_208 : memref<1x128xi32, #tpu.memory_space<vmem>> -> memref<128xi32, #tpu.memory_space<vmem>>
        %dma_wait3A_210 = arith.constant 0 : i32
        %dma_wait3A_211 = arith.constant 0 : i32
        %dma_wait3A_212 = tpu.memref_slice %arg2[%add3A, %dma_wait3A_210, %dma_wait3A_211] : memref<4x100352x16xf32, #tpu.memory_space<hbm>> -> memref<1x100352x16xf32, #tpu.memory_space<hbm>>
        %dma_wait3A_213 = tpu.memref_squeeze %dma_wait3A_212 : memref<1x100352x16xf32, #tpu.memory_space<hbm>> -> memref<100352x16xf32, #tpu.memory_space<hbm>>
        %dma_wait3A_214 = arith.constant 0 : i32
        %dma_wait3A_215 = arith.constant 0 : i32
        %dma_wait3A_216 = tpu.memref_slice %dma_wait3A_213[%dma_wait3A_214, %dma_wait3A_215] : memref<100352x16xf32, #tpu.memory_space<hbm>> -> memref<100352x16xf32, #tpu.memory_space<hbm>>
        tpu.wait_indirect_dma semaphore(%arg14 : memref<!tpu.dma_semaphore, #tpu.memory_space<semaphore_mem>>) src(%dma_wait3A_216 : memref<100352x16xf32, #tpu.memory_space<hbm>>) dst(%dma_wait3A_206 : memref<128x16xf32, #tpu.memory_space<vmem>>)
        %dma_wait3A_217 = arith.constant 1 : i32
        %dma_wait3A_218 = arith.constant 128 : i32
        %dma_wait3A_219 = arith.constant 0 : i32
        %dma_wait3A_220 = tpu.memref_slice %arg11[%dma_wait3A_218, %dma_wait3A_219] : memref<512x16xf32, #tpu.memory_space<vmem>> -> memref<128x16xf32, #tpu.memory_space<vmem>>
        %dma_wait3A_221 = arith.constant 0 : i32
        %dma_wait3A_222 = tpu.memref_slice %arg8[%dma_wait3A_217, %dma_wait3A_221] : memref<4x128xi32, #tpu.memory_space<vmem>> -> memref<1x128xi32, #tpu.memory_space<vmem>>
        %dma_wait3A_223 = tpu.memref_squeeze %dma_wait3A_222 : memref<1x128xi32, #tpu.memory_space<vmem>> -> memref<128xi32, #tpu.memory_space<vmem>>
        %dma_wait3A_224 = arith.constant 0 : i32
        %dma_wait3A_225 = arith.constant 0 : i32
        %dma_wait3A_226 = tpu.memref_slice %arg2[%add3A, %dma_wait3A_224, %dma_wait3A_225] : memref<4x100352x16xf32, #tpu.memory_space<hbm>> -> memref<1x100352x16xf32, #tpu.memory_space<hbm>>
        %dma_wait3A_227 = tpu.memref_squeeze %dma_wait3A_226 : memref<1x100352x16xf32, #tpu.memory_space<hbm>> -> memref<100352x16xf32, #tpu.memory_space<hbm>>
        %dma_wait3A_228 = arith.constant 0 : i32
        %dma_wait3A_229 = arith.constant 0 : i32
        %dma_wait3A_230 = tpu.memref_slice %dma_wait3A_227[%dma_wait3A_228, %dma_wait3A_229] : memref<100352x16xf32, #tpu.memory_space<hbm>> -> memref<100352x16xf32, #tpu.memory_space<hbm>>
        tpu.wait_indirect_dma semaphore(%arg14 : memref<!tpu.dma_semaphore, #tpu.memory_space<semaphore_mem>>) src(%dma_wait3A_230 : memref<100352x16xf32, #tpu.memory_space<hbm>>) dst(%dma_wait3A_220 : memref<128x16xf32, #tpu.memory_space<vmem>>)
        %dma_wait3A_231 = arith.constant 2 : i32
        %dma_wait3A_232 = arith.constant 256 : i32
        %dma_wait3A_233 = arith.constant 0 : i32
        %dma_wait3A_234 = tpu.memref_slice %arg11[%dma_wait3A_232, %dma_wait3A_233] : memref<512x16xf32, #tpu.memory_space<vmem>> -> memref<128x16xf32, #tpu.memory_space<vmem>>
        %dma_wait3A_235 = arith.constant 0 : i32
        %dma_wait3A_236 = tpu.memref_slice %arg8[%dma_wait3A_231, %dma_wait3A_235] : memref<4x128xi32, #tpu.memory_space<vmem>> -> memref<1x128xi32, #tpu.memory_space<vmem>>
        %dma_wait3A_237 = tpu.memref_squeeze %dma_wait3A_236 : memref<1x128xi32, #tpu.memory_space<vmem>> -> memref<128xi32, #tpu.memory_space<vmem>>
        %dma_wait3A_238 = arith.constant 0 : i32
        %dma_wait3A_239 = arith.constant 0 : i32
        %dma_wait3A_240 = tpu.memref_slice %arg2[%add3A, %dma_wait3A_238, %dma_wait3A_239] : memref<4x100352x16xf32, #tpu.memory_space<hbm>> -> memref<1x100352x16xf32, #tpu.memory_space<hbm>>
        %dma_wait3A_241 = tpu.memref_squeeze %dma_wait3A_240 : memref<1x100352x16xf32, #tpu.memory_space<hbm>> -> memref<100352x16xf32, #tpu.memory_space<hbm>>
        %dma_wait3A_242 = arith.constant 0 : i32
        %dma_wait3A_243 = arith.constant 0 : i32
        %dma_wait3A_244 = tpu.memref_slice %dma_wait3A_241[%dma_wait3A_242, %dma_wait3A_243] : memref<100352x16xf32, #tpu.memory_space<hbm>> -> memref<100352x16xf32, #tpu.memory_space<hbm>>
        tpu.wait_indirect_dma semaphore(%arg14 : memref<!tpu.dma_semaphore, #tpu.memory_space<semaphore_mem>>) src(%dma_wait3A_244 : memref<100352x16xf32, #tpu.memory_space<hbm>>) dst(%dma_wait3A_234 : memref<128x16xf32, #tpu.memory_space<vmem>>)
        %dma_wait3A_245 = arith.constant 3 : i32
        %dma_wait3A_246 = arith.constant 384 : i32
        %dma_wait3A_247 = arith.constant 0 : i32
        %dma_wait3A_248 = tpu.memref_slice %arg11[%dma_wait3A_246, %dma_wait3A_247] : memref<512x16xf32, #tpu.memory_space<vmem>> -> memref<128x16xf32, #tpu.memory_space<vmem>>
        %dma_wait3A_249 = arith.constant 0 : i32
        %dma_wait3A_250 = tpu.memref_slice %arg8[%dma_wait3A_245, %dma_wait3A_249] : memref<4x128xi32, #tpu.memory_space<vmem>> -> memref<1x128xi32, #tpu.memory_space<vmem>>
        %dma_wait3A_251 = tpu.memref_squeeze %dma_wait3A_250 : memref<1x128xi32, #tpu.memory_space<vmem>> -> memref<128xi32, #tpu.memory_space<vmem>>
        %dma_wait3A_252 = arith.constant 0 : i32
        %dma_wait3A_253 = arith.constant 0 : i32
        %dma_wait3A_254 = tpu.memref_slice %arg2[%add3A, %dma_wait3A_252, %dma_wait3A_253] : memref<4x100352x16xf32, #tpu.memory_space<hbm>> -> memref<1x100352x16xf32, #tpu.memory_space<hbm>>
        %dma_wait3A_255 = tpu.memref_squeeze %dma_wait3A_254 : memref<1x100352x16xf32, #tpu.memory_space<hbm>> -> memref<100352x16xf32, #tpu.memory_space<hbm>>
        %dma_wait3A_256 = arith.constant 0 : i32
        %dma_wait3A_257 = arith.constant 0 : i32
        %dma_wait3A_258 = tpu.memref_slice %dma_wait3A_255[%dma_wait3A_256, %dma_wait3A_257] : memref<100352x16xf32, #tpu.memory_space<hbm>> -> memref<100352x16xf32, #tpu.memory_space<hbm>>
        tpu.wait_indirect_dma semaphore(%arg14 : memref<!tpu.dma_semaphore, #tpu.memory_space<semaphore_mem>>) src(%dma_wait3A_258 : memref<100352x16xf32, #tpu.memory_space<hbm>>) dst(%dma_wait3A_248 : memref<128x16xf32, #tpu.memory_space<vmem>>)
        %le3A = arith.constant 96 : i32
        %le3A_259 = arith.cmpi sle, %scan3A_80, %le3A : i32
        %convert_element_type3A = arith.extui %le3A_259 : i1 to i32
        %cond3A = arith.constant 0 : i32
        %cond3A_260 = arith.cmpi ne, %convert_element_type3A, %cond3A : i32
        scf.if %cond3A_260 {
          %mul3A_266 = arith.constant 2 : i32
          %mul3A_267 = arith.muli %mul3A_266, %scan3A_80 : i32
          %add3A_268 = arith.constant 2 : i32
          %add3A_269 = arith.addi %mul3A_267, %add3A_268 : i32
          %mul3A_270 = arith.constant 4 : i32
          %mul3A_271 = arith.muli %add3A_269, %mul3A_270 : i32
          %add3A_272 = arith.addi %mul3A_2, %mul3A_271 : i32
          "tpu.region"() ({
            %run_scoped3A_329 = tpu.sem_alloc : memref<!tpu.dma_semaphore, #tpu.memory_space<semaphore_mem>>
            %dma_start3A_330 = arith.constant 0 : i32
            %dma_start3A_331 = tpu.memref_slice %arg3[%add3A_272, %dma_start3A_330] : memref<12544x128xi32, #tpu.memory_space<hbm>> -> memref<4x128xi32, #tpu.memory_space<hbm>>
            %dma_start3A_332 = arith.constant 0 : i32
            %dma_start3A_333 = tpu.memref_slice %arg3[%add3A_272, %dma_start3A_332] : memref<12544x128xi32, #tpu.memory_space<hbm>> -> memref<4x128xi32, #tpu.memory_space<hbm>>
            tpu.enqueue_dma source(%dma_start3A_333 : memref<4x128xi32, #tpu.memory_space<hbm>>) target(%arg6 : memref<4x128xi32, #tpu.memory_space<vmem>>) target_semaphore(%run_scoped3A_329 : memref<!tpu.dma_semaphore, #tpu.memory_space<semaphore_mem>>)
            %dma_wait3A_334 = arith.constant 0 : i32
            %dma_wait3A_335 = tpu.memref_slice %arg3[%add3A_272, %dma_wait3A_334] : memref<12544x128xi32, #tpu.memory_space<hbm>> -> memref<4x128xi32, #tpu.memory_space<hbm>>
            %dma_wait3A_336 = arith.constant 0 : i32
            %dma_wait3A_337 = tpu.memref_slice %arg3[%add3A_272, %dma_wait3A_336] : memref<12544x128xi32, #tpu.memory_space<hbm>> -> memref<4x128xi32, #tpu.memory_space<hbm>>
            tpu.wait_dma2 semaphore(%run_scoped3A_329 : memref<!tpu.dma_semaphore, #tpu.memory_space<semaphore_mem>>) src(%dma_wait3A_337 : memref<4x128xi32, #tpu.memory_space<hbm>>) dst(%arg6 : memref<4x128xi32, #tpu.memory_space<vmem>>)
            tpu.yield
          }) : () -> ()
          "tpu.region"() ({
            %run_scoped3A_329 = tpu.sem_alloc : memref<!tpu.dma_semaphore, #tpu.memory_space<semaphore_mem>>
            %dma_start3A_330 = arith.constant 0 : i32
            %dma_start3A_331 = tpu.memref_slice %arg4[%add3A_272, %dma_start3A_330] : memref<12544x128xi32, #tpu.memory_space<hbm>> -> memref<4x128xi32, #tpu.memory_space<hbm>>
            %dma_start3A_332 = arith.constant 0 : i32
            %dma_start3A_333 = tpu.memref_slice %arg4[%add3A_272, %dma_start3A_332] : memref<12544x128xi32, #tpu.memory_space<hbm>> -> memref<4x128xi32, #tpu.memory_space<hbm>>
            tpu.enqueue_dma source(%dma_start3A_333 : memref<4x128xi32, #tpu.memory_space<hbm>>) target(%arg7 : memref<4x128xi32, #tpu.memory_space<vmem>>) target_semaphore(%run_scoped3A_329 : memref<!tpu.dma_semaphore, #tpu.memory_space<semaphore_mem>>)
            %dma_wait3A_334 = arith.constant 0 : i32
            %dma_wait3A_335 = tpu.memref_slice %arg4[%add3A_272, %dma_wait3A_334] : memref<12544x128xi32, #tpu.memory_space<hbm>> -> memref<4x128xi32, #tpu.memory_space<hbm>>
            %dma_wait3A_336 = arith.constant 0 : i32
            %dma_wait3A_337 = tpu.memref_slice %arg4[%add3A_272, %dma_wait3A_336] : memref<12544x128xi32, #tpu.memory_space<hbm>> -> memref<4x128xi32, #tpu.memory_space<hbm>>
            tpu.wait_dma2 semaphore(%run_scoped3A_329 : memref<!tpu.dma_semaphore, #tpu.memory_space<semaphore_mem>>) src(%dma_wait3A_337 : memref<4x128xi32, #tpu.memory_space<hbm>>) dst(%arg7 : memref<4x128xi32, #tpu.memory_space<vmem>>)
            tpu.yield
          }) : () -> ()
          %dma_start3A_273 = arith.constant 0 : i32
          %dma_start3A_274 = arith.constant 0 : i32
          %dma_start3A_275 = arith.constant 0 : i32
          %dma_start3A_276 = tpu.memref_slice %arg10[%dma_start3A_274, %dma_start3A_275] : memref<512x16xf32, #tpu.memory_space<vmem>> -> memref<128x16xf32, #tpu.memory_space<vmem>>
          %dma_start3A_277 = arith.constant 0 : i32
          %dma_start3A_278 = tpu.memref_slice %arg6[%dma_start3A_273, %dma_start3A_277] : memref<4x128xi32, #tpu.memory_space<vmem>> -> memref<1x128xi32, #tpu.memory_space<vmem>>
          %dma_start3A_279 = tpu.memref_squeeze %dma_start3A_278 : memref<1x128xi32, #tpu.memory_space<vmem>> -> memref<128xi32, #tpu.memory_space<vmem>>
          %dma_start3A_280 = arith.constant 0 : i32
          %dma_start3A_281 = arith.constant 0 : i32
          %dma_start3A_282 = tpu.memref_slice %arg2[%add3A, %dma_start3A_280, %dma_start3A_281] : memref<4x100352x16xf32, #tpu.memory_space<hbm>> -> memref<1x100352x16xf32, #tpu.memory_space<hbm>>
          %dma_start3A_283 = tpu.memref_squeeze %dma_start3A_282 : memref<1x100352x16xf32, #tpu.memory_space<hbm>> -> memref<100352x16xf32, #tpu.memory_space<hbm>>
          %dma_start3A_284 = arith.constant 0 : i32
          %dma_start3A_285 = arith.constant 0 : i32
          %dma_start3A_286 = tpu.memref_slice %dma_start3A_283[%dma_start3A_284, %dma_start3A_285] : memref<100352x16xf32, #tpu.memory_space<hbm>> -> memref<100352x16xf32, #tpu.memory_space<hbm>>
          tpu.enqueue_indirect_dma source(%dma_start3A_286 : memref<100352x16xf32, #tpu.memory_space<hbm>>) target(%dma_start3A_276 : memref<128x16xf32, #tpu.memory_space<vmem>>) offsets(%dma_start3A_279 : memref<128xi32, #tpu.memory_space<vmem>>) semaphore(%arg13 : memref<!tpu.dma_semaphore, #tpu.memory_space<semaphore_mem>>)
          %dma_start3A_287 = arith.constant 1 : i32
          %dma_start3A_288 = arith.constant 128 : i32
          %dma_start3A_289 = arith.constant 0 : i32
          %dma_start3A_290 = tpu.memref_slice %arg10[%dma_start3A_288, %dma_start3A_289] : memref<512x16xf32, #tpu.memory_space<vmem>> -> memref<128x16xf32, #tpu.memory_space<vmem>>
          %dma_start3A_291 = arith.constant 0 : i32
          %dma_start3A_292 = tpu.memref_slice %arg6[%dma_start3A_287, %dma_start3A_291] : memref<4x128xi32, #tpu.memory_space<vmem>> -> memref<1x128xi32, #tpu.memory_space<vmem>>
          %dma_start3A_293 = tpu.memref_squeeze %dma_start3A_292 : memref<1x128xi32, #tpu.memory_space<vmem>> -> memref<128xi32, #tpu.memory_space<vmem>>
          %dma_start3A_294 = arith.constant 0 : i32
          %dma_start3A_295 = arith.constant 0 : i32
          %dma_start3A_296 = tpu.memref_slice %arg2[%add3A, %dma_start3A_294, %dma_start3A_295] : memref<4x100352x16xf32, #tpu.memory_space<hbm>> -> memref<1x100352x16xf32, #tpu.memory_space<hbm>>
          %dma_start3A_297 = tpu.memref_squeeze %dma_start3A_296 : memref<1x100352x16xf32, #tpu.memory_space<hbm>> -> memref<100352x16xf32, #tpu.memory_space<hbm>>
          %dma_start3A_298 = arith.constant 0 : i32
          %dma_start3A_299 = arith.constant 0 : i32
          %dma_start3A_300 = tpu.memref_slice %dma_start3A_297[%dma_start3A_298, %dma_start3A_299] : memref<100352x16xf32, #tpu.memory_space<hbm>> -> memref<100352x16xf32, #tpu.memory_space<hbm>>
          tpu.enqueue_indirect_dma source(%dma_start3A_300 : memref<100352x16xf32, #tpu.memory_space<hbm>>) target(%dma_start3A_290 : memref<128x16xf32, #tpu.memory_space<vmem>>) offsets(%dma_start3A_293 : memref<128xi32, #tpu.memory_space<vmem>>) semaphore(%arg13 : memref<!tpu.dma_semaphore, #tpu.memory_space<semaphore_mem>>)
          %dma_start3A_301 = arith.constant 2 : i32
          %dma_start3A_302 = arith.constant 256 : i32
          %dma_start3A_303 = arith.constant 0 : i32
          %dma_start3A_304 = tpu.memref_slice %arg10[%dma_start3A_302, %dma_start3A_303] : memref<512x16xf32, #tpu.memory_space<vmem>> -> memref<128x16xf32, #tpu.memory_space<vmem>>
          %dma_start3A_305 = arith.constant 0 : i32
          %dma_start3A_306 = tpu.memref_slice %arg6[%dma_start3A_301, %dma_start3A_305] : memref<4x128xi32, #tpu.memory_space<vmem>> -> memref<1x128xi32, #tpu.memory_space<vmem>>
          %dma_start3A_307 = tpu.memref_squeeze %dma_start3A_306 : memref<1x128xi32, #tpu.memory_space<vmem>> -> memref<128xi32, #tpu.memory_space<vmem>>
          %dma_start3A_308 = arith.constant 0 : i32
          %dma_start3A_309 = arith.constant 0 : i32
          %dma_start3A_310 = tpu.memref_slice %arg2[%add3A, %dma_start3A_308, %dma_start3A_309] : memref<4x100352x16xf32, #tpu.memory_space<hbm>> -> memref<1x100352x16xf32, #tpu.memory_space<hbm>>
          %dma_start3A_311 = tpu.memref_squeeze %dma_start3A_310 : memref<1x100352x16xf32, #tpu.memory_space<hbm>> -> memref<100352x16xf32, #tpu.memory_space<hbm>>
          %dma_start3A_312 = arith.constant 0 : i32
          %dma_start3A_313 = arith.constant 0 : i32
          %dma_start3A_314 = tpu.memref_slice %dma_start3A_311[%dma_start3A_312, %dma_start3A_313] : memref<100352x16xf32, #tpu.memory_space<hbm>> -> memref<100352x16xf32, #tpu.memory_space<hbm>>
          tpu.enqueue_indirect_dma source(%dma_start3A_314 : memref<100352x16xf32, #tpu.memory_space<hbm>>) target(%dma_start3A_304 : memref<128x16xf32, #tpu.memory_space<vmem>>) offsets(%dma_start3A_307 : memref<128xi32, #tpu.memory_space<vmem>>) semaphore(%arg13 : memref<!tpu.dma_semaphore, #tpu.memory_space<semaphore_mem>>)
          %dma_start3A_315 = arith.constant 3 : i32
          %dma_start3A_316 = arith.constant 384 : i32
          %dma_start3A_317 = arith.constant 0 : i32
          %dma_start3A_318 = tpu.memref_slice %arg10[%dma_start3A_316, %dma_start3A_317] : memref<512x16xf32, #tpu.memory_space<vmem>> -> memref<128x16xf32, #tpu.memory_space<vmem>>
          %dma_start3A_319 = arith.constant 0 : i32
          %dma_start3A_320 = tpu.memref_slice %arg6[%dma_start3A_315, %dma_start3A_319] : memref<4x128xi32, #tpu.memory_space<vmem>> -> memref<1x128xi32, #tpu.memory_space<vmem>>
          %dma_start3A_321 = tpu.memref_squeeze %dma_start3A_320 : memref<1x128xi32, #tpu.memory_space<vmem>> -> memref<128xi32, #tpu.memory_space<vmem>>
          %dma_start3A_322 = arith.constant 0 : i32
          %dma_start3A_323 = arith.constant 0 : i32
          %dma_start3A_324 = tpu.memref_slice %arg2[%add3A, %dma_start3A_322, %dma_start3A_323] : memref<4x100352x16xf32, #tpu.memory_space<hbm>> -> memref<1x100352x16xf32, #tpu.memory_space<hbm>>
          %dma_start3A_325 = tpu.memref_squeeze %dma_start3A_324 : memref<1x100352x16xf32, #tpu.memory_space<hbm>> -> memref<100352x16xf32, #tpu.memory_space<hbm>>
          %dma_start3A_326 = arith.constant 0 : i32
          %dma_start3A_327 = arith.constant 0 : i32
          %dma_start3A_328 = tpu.memref_slice %dma_start3A_325[%dma_start3A_326, %dma_start3A_327] : memref<100352x16xf32, #tpu.memory_space<hbm>> -> memref<100352x16xf32, #tpu.memory_space<hbm>>
          tpu.enqueue_indirect_dma source(%dma_start3A_328 : memref<100352x16xf32, #tpu.memory_space<hbm>>) target(%dma_start3A_318 : memref<128x16xf32, #tpu.memory_space<vmem>>) offsets(%dma_start3A_321 : memref<128xi32, #tpu.memory_space<vmem>>) semaphore(%arg13 : memref<!tpu.dma_semaphore, #tpu.memory_space<semaphore_mem>>)
        } else {
        }
        %run_scoped3A_261 = arith.constant 0 : i32
        "tpu.region"() ({
          %run_scoped3A_266 = tpu.sem_alloc : memref<!tpu.dma_semaphore, #tpu.memory_space<semaphore_mem>>
          %dma_start3A_267 = arith.constant 0 : i32
          %dma_start3A_268 = arith.constant 0 : i32
          %dma_start3A_269 = tpu.memref_slice %arg11[%dma_start3A_267, %dma_start3A_268] : memref<512x16xf32, #tpu.memory_space<vmem>> -> memref<128x16xf32, #tpu.memory_space<vmem>>
          %dma_start3A_270 = arith.constant 0 : i32
          %dma_start3A_271 = tpu.memref_slice %arg9[%run_scoped3A_261, %dma_start3A_270] : memref<4x128xi32, #tpu.memory_space<vmem>> -> memref<1x128xi32, #tpu.memory_space<vmem>>
          %dma_start3A_272 = tpu.memref_squeeze %dma_start3A_271 : memref<1x128xi32, #tpu.memory_space<vmem>> -> memref<128xi32, #tpu.memory_space<vmem>>
          %dma_start3A_273 = arith.constant 0 : i32
          %dma_start3A_274 = arith.constant 0 : i32
          %dma_start3A_275 = tpu.memref_slice %arg12[%dma_start3A_273, %dma_start3A_274] : memref<100352x16xf32, #tpu.memory_space<vmem_shared>> -> memref<100352x16xf32, #tpu.memory_space<vmem_shared>>
          tpu.enqueue_indirect_dma source(%dma_start3A_269 : memref<128x16xf32, #tpu.memory_space<vmem>>) target(%dma_start3A_275 : memref<100352x16xf32, #tpu.memory_space<vmem_shared>>) offsets(%dma_start3A_272 : memref<128xi32, #tpu.memory_space<vmem>>) semaphore(%run_scoped3A_266 : memref<!tpu.dma_semaphore, #tpu.memory_space<semaphore_mem>>) {add = true}
          %dma_wait3A_276 = arith.constant 0 : i32
          %dma_wait3A_277 = arith.constant 0 : i32
          %dma_wait3A_278 = tpu.memref_slice %arg11[%dma_wait3A_276, %dma_wait3A_277] : memref<512x16xf32, #tpu.memory_space<vmem>> -> memref<128x16xf32, #tpu.memory_space<vmem>>
          %dma_wait3A_279 = arith.constant 0 : i32
          %dma_wait3A_280 = tpu.memref_slice %arg9[%run_scoped3A_261, %dma_wait3A_279] : memref<4x128xi32, #tpu.memory_space<vmem>> -> memref<1x128xi32, #tpu.memory_space<vmem>>
          %dma_wait3A_281 = tpu.memref_squeeze %dma_wait3A_280 : memref<1x128xi32, #tpu.memory_space<vmem>> -> memref<128xi32, #tpu.memory_space<vmem>>
          %dma_wait3A_282 = arith.constant 0 : i32
          %dma_wait3A_283 = arith.constant 0 : i32
          %dma_wait3A_284 = tpu.memref_slice %arg12[%dma_wait3A_282, %dma_wait3A_283] : memref<100352x16xf32, #tpu.memory_space<vmem_shared>> -> memref<100352x16xf32, #tpu.memory_space<vmem_shared>>
          tpu.wait_indirect_dma semaphore(%run_scoped3A_266 : memref<!tpu.dma_semaphore, #tpu.memory_space<semaphore_mem>>) src(%dma_wait3A_278 : memref<128x16xf32, #tpu.memory_space<vmem>>) dst(%dma_wait3A_284 : memref<100352x16xf32, #tpu.memory_space<vmem_shared>>)
          tpu.yield
        }) : () -> ()
        %run_scoped3A_262 = arith.constant 1 : i32
        "tpu.region"() ({
          %run_scoped3A_266 = tpu.sem_alloc : memref<!tpu.dma_semaphore, #tpu.memory_space<semaphore_mem>>
          %dma_start3A_267 = arith.constant 128 : i32
          %dma_start3A_268 = arith.constant 0 : i32
          %dma_start3A_269 = tpu.memref_slice %arg11[%dma_start3A_267, %dma_start3A_268] : memref<512x16xf32, #tpu.memory_space<vmem>> -> memref<128x16xf32, #tpu.memory_space<vmem>>
          %dma_start3A_270 = arith.constant 0 : i32
          %dma_start3A_271 = tpu.memref_slice %arg9[%run_scoped3A_262, %dma_start3A_270] : memref<4x128xi32, #tpu.memory_space<vmem>> -> memref<1x128xi32, #tpu.memory_space<vmem>>
          %dma_start3A_272 = tpu.memref_squeeze %dma_start3A_271 : memref<1x128xi32, #tpu.memory_space<vmem>> -> memref<128xi32, #tpu.memory_space<vmem>>
          %dma_start3A_273 = arith.constant 0 : i32
          %dma_start3A_274 = arith.constant 0 : i32
          %dma_start3A_275 = tpu.memref_slice %arg12[%dma_start3A_273, %dma_start3A_274] : memref<100352x16xf32, #tpu.memory_space<vmem_shared>> -> memref<100352x16xf32, #tpu.memory_space<vmem_shared>>
          tpu.enqueue_indirect_dma source(%dma_start3A_269 : memref<128x16xf32, #tpu.memory_space<vmem>>) target(%dma_start3A_275 : memref<100352x16xf32, #tpu.memory_space<vmem_shared>>) offsets(%dma_start3A_272 : memref<128xi32, #tpu.memory_space<vmem>>) semaphore(%run_scoped3A_266 : memref<!tpu.dma_semaphore, #tpu.memory_space<semaphore_mem>>) {add = true}
          %dma_wait3A_276 = arith.constant 128 : i32
          %dma_wait3A_277 = arith.constant 0 : i32
          %dma_wait3A_278 = tpu.memref_slice %arg11[%dma_wait3A_276, %dma_wait3A_277] : memref<512x16xf32, #tpu.memory_space<vmem>> -> memref<128x16xf32, #tpu.memory_space<vmem>>
          %dma_wait3A_279 = arith.constant 0 : i32
          %dma_wait3A_280 = tpu.memref_slice %arg9[%run_scoped3A_262, %dma_wait3A_279] : memref<4x128xi32, #tpu.memory_space<vmem>> -> memref<1x128xi32, #tpu.memory_space<vmem>>
          %dma_wait3A_281 = tpu.memref_squeeze %dma_wait3A_280 : memref<1x128xi32, #tpu.memory_space<vmem>> -> memref<128xi32, #tpu.memory_space<vmem>>
          %dma_wait3A_282 = arith.constant 0 : i32
          %dma_wait3A_283 = arith.constant 0 : i32
          %dma_wait3A_284 = tpu.memref_slice %arg12[%dma_wait3A_282, %dma_wait3A_283] : memref<100352x16xf32, #tpu.memory_space<vmem_shared>> -> memref<100352x16xf32, #tpu.memory_space<vmem_shared>>
          tpu.wait_indirect_dma semaphore(%run_scoped3A_266 : memref<!tpu.dma_semaphore, #tpu.memory_space<semaphore_mem>>) src(%dma_wait3A_278 : memref<128x16xf32, #tpu.memory_space<vmem>>) dst(%dma_wait3A_284 : memref<100352x16xf32, #tpu.memory_space<vmem_shared>>)
          tpu.yield
        }) : () -> ()
        %run_scoped3A_263 = arith.constant 2 : i32
        "tpu.region"() ({
          %run_scoped3A_266 = tpu.sem_alloc : memref<!tpu.dma_semaphore, #tpu.memory_space<semaphore_mem>>
          %dma_start3A_267 = arith.constant 256 : i32
          %dma_start3A_268 = arith.constant 0 : i32
          %dma_start3A_269 = tpu.memref_slice %arg11[%dma_start3A_267, %dma_start3A_268] : memref<512x16xf32, #tpu.memory_space<vmem>> -> memref<128x16xf32, #tpu.memory_space<vmem>>
          %dma_start3A_270 = arith.constant 0 : i32
          %dma_start3A_271 = tpu.memref_slice %arg9[%run_scoped3A_263, %dma_start3A_270] : memref<4x128xi32, #tpu.memory_space<vmem>> -> memref<1x128xi32, #tpu.memory_space<vmem>>
          %dma_start3A_272 = tpu.memref_squeeze %dma_start3A_271 : memref<1x128xi32, #tpu.memory_space<vmem>> -> memref<128xi32, #tpu.memory_space<vmem>>
          %dma_start3A_273 = arith.constant 0 : i32
          %dma_start3A_274 = arith.constant 0 : i32
          %dma_start3A_275 = tpu.memref_slice %arg12[%dma_start3A_273, %dma_start3A_274] : memref<100352x16xf32, #tpu.memory_space<vmem_shared>> -> memref<100352x16xf32, #tpu.memory_space<vmem_shared>>
          tpu.enqueue_indirect_dma source(%dma_start3A_269 : memref<128x16xf32, #tpu.memory_space<vmem>>) target(%dma_start3A_275 : memref<100352x16xf32, #tpu.memory_space<vmem_shared>>) offsets(%dma_start3A_272 : memref<128xi32, #tpu.memory_space<vmem>>) semaphore(%run_scoped3A_266 : memref<!tpu.dma_semaphore, #tpu.memory_space<semaphore_mem>>) {add = true}
          %dma_wait3A_276 = arith.constant 256 : i32
          %dma_wait3A_277 = arith.constant 0 : i32
          %dma_wait3A_278 = tpu.memref_slice %arg11[%dma_wait3A_276, %dma_wait3A_277] : memref<512x16xf32, #tpu.memory_space<vmem>> -> memref<128x16xf32, #tpu.memory_space<vmem>>
          %dma_wait3A_279 = arith.constant 0 : i32
          %dma_wait3A_280 = tpu.memref_slice %arg9[%run_scoped3A_263, %dma_wait3A_279] : memref<4x128xi32, #tpu.memory_space<vmem>> -> memref<1x128xi32, #tpu.memory_space<vmem>>
          %dma_wait3A_281 = tpu.memref_squeeze %dma_wait3A_280 : memref<1x128xi32, #tpu.memory_space<vmem>> -> memref<128xi32, #tpu.memory_space<vmem>>
          %dma_wait3A_282 = arith.constant 0 : i32
          %dma_wait3A_283 = arith.constant 0 : i32
          %dma_wait3A_284 = tpu.memref_slice %arg12[%dma_wait3A_282, %dma_wait3A_283] : memref<100352x16xf32, #tpu.memory_space<vmem_shared>> -> memref<100352x16xf32, #tpu.memory_space<vmem_shared>>
          tpu.wait_indirect_dma semaphore(%run_scoped3A_266 : memref<!tpu.dma_semaphore, #tpu.memory_space<semaphore_mem>>) src(%dma_wait3A_278 : memref<128x16xf32, #tpu.memory_space<vmem>>) dst(%dma_wait3A_284 : memref<100352x16xf32, #tpu.memory_space<vmem_shared>>)
          tpu.yield
        }) : () -> ()
        %run_scoped3A_264 = arith.constant 3 : i32
        "tpu.region"() ({
          %run_scoped3A_266 = tpu.sem_alloc : memref<!tpu.dma_semaphore, #tpu.memory_space<semaphore_mem>>
          %dma_start3A_267 = arith.constant 384 : i32
          %dma_start3A_268 = arith.constant 0 : i32
          %dma_start3A_269 = tpu.memref_slice %arg11[%dma_start3A_267, %dma_start3A_268] : memref<512x16xf32, #tpu.memory_space<vmem>> -> memref<128x16xf32, #tpu.memory_space<vmem>>
          %dma_start3A_270 = arith.constant 0 : i32
          %dma_start3A_271 = tpu.memref_slice %arg9[%run_scoped3A_264, %dma_start3A_270] : memref<4x128xi32, #tpu.memory_space<vmem>> -> memref<1x128xi32, #tpu.memory_space<vmem>>
          %dma_start3A_272 = tpu.memref_squeeze %dma_start3A_271 : memref<1x128xi32, #tpu.memory_space<vmem>> -> memref<128xi32, #tpu.memory_space<vmem>>
          %dma_start3A_273 = arith.constant 0 : i32
          %dma_start3A_274 = arith.constant 0 : i32
          %dma_start3A_275 = tpu.memref_slice %arg12[%dma_start3A_273, %dma_start3A_274] : memref<100352x16xf32, #tpu.memory_space<vmem_shared>> -> memref<100352x16xf32, #tpu.memory_space<vmem_shared>>
          tpu.enqueue_indirect_dma source(%dma_start3A_269 : memref<128x16xf32, #tpu.memory_space<vmem>>) target(%dma_start3A_275 : memref<100352x16xf32, #tpu.memory_space<vmem_shared>>) offsets(%dma_start3A_272 : memref<128xi32, #tpu.memory_space<vmem>>) semaphore(%run_scoped3A_266 : memref<!tpu.dma_semaphore, #tpu.memory_space<semaphore_mem>>) {add = true}
          %dma_wait3A_276 = arith.constant 384 : i32
          %dma_wait3A_277 = arith.constant 0 : i32
          %dma_wait3A_278 = tpu.memref_slice %arg11[%dma_wait3A_276, %dma_wait3A_277] : memref<512x16xf32, #tpu.memory_space<vmem>> -> memref<128x16xf32, #tpu.memory_space<vmem>>
          %dma_wait3A_279 = arith.constant 0 : i32
          %dma_wait3A_280 = tpu.memref_slice %arg9[%run_scoped3A_264, %dma_wait3A_279] : memref<4x128xi32, #tpu.memory_space<vmem>> -> memref<1x128xi32, #tpu.memory_space<vmem>>
          %dma_wait3A_281 = tpu.memref_squeeze %dma_wait3A_280 : memref<1x128xi32, #tpu.memory_space<vmem>> -> memref<128xi32, #tpu.memory_space<vmem>>
          %dma_wait3A_282 = arith.constant 0 : i32
          %dma_wait3A_283 = arith.constant 0 : i32
          %dma_wait3A_284 = tpu.memref_slice %arg12[%dma_wait3A_282, %dma_wait3A_283] : memref<100352x16xf32, #tpu.memory_space<vmem_shared>> -> memref<100352x16xf32, #tpu.memory_space<vmem_shared>>
          tpu.wait_indirect_dma semaphore(%run_scoped3A_266 : memref<!tpu.dma_semaphore, #tpu.memory_space<semaphore_mem>>) src(%dma_wait3A_278 : memref<128x16xf32, #tpu.memory_space<vmem>>) dst(%dma_wait3A_284 : memref<100352x16xf32, #tpu.memory_space<vmem_shared>>)
          tpu.yield
        }) : () -> ()
        %scan3A_265 = arith.constant 0 : i32
        scf.yield %scan3A_265 : i32
      }
      %scan3A_76 = arith.constant 98 : i32
      %barrier3A_77 = arith.constant 0 : index
      tpu.barrier barrier_id(%barrier3A_77)
      "tpu.region"() ({
        %run_scoped3A = tpu.sem_alloc : memref<!tpu.dma_semaphore, #tpu.memory_space<semaphore_mem>>
        %dma_start3A_80 = arith.constant 0 : i32
        %dma_start3A_81 = tpu.memref_slice %arg5[%add3A, %mul3A_0, %dma_start3A_80] : memref<4x100352x16xf32, #tpu.memory_space<hbm>> -> memref<1x6272x16xf32, #tpu.memory_space<hbm>>
        %dma_start3A_82 = tpu.memref_squeeze %dma_start3A_81 : memref<1x6272x16xf32, #tpu.memory_space<hbm>> -> memref<6272x16xf32, #tpu.memory_space<hbm>>
        %dma_start3A_83 = arith.constant 0 : i32
        %dma_start3A_84 = tpu.memref_slice %arg12[%mul3A_0, %dma_start3A_83] : memref<100352x16xf32, #tpu.memory_space<vmem_shared>> -> memref<6272x16xf32, #tpu.memory_space<vmem_shared>>
        tpu.enqueue_dma source(%dma_start3A_84 : memref<6272x16xf32, #tpu.memory_space<vmem_shared>>) target(%dma_start3A_82 : memref<6272x16xf32, #tpu.memory_space<hbm>>) target_semaphore(%run_scoped3A : memref<!tpu.dma_semaphore, #tpu.memory_space<semaphore_mem>>)
        %dma_wait3A = arith.constant 0 : i32
        %dma_wait3A_85 = tpu.memref_slice %arg5[%add3A, %mul3A_0, %dma_wait3A] : memref<4x100352x16xf32, #tpu.memory_space<hbm>> -> memref<1x6272x16xf32, #tpu.memory_space<hbm>>
        %dma_wait3A_86 = tpu.memref_squeeze %dma_wait3A_85 : memref<1x6272x16xf32, #tpu.memory_space<hbm>> -> memref<6272x16xf32, #tpu.memory_space<hbm>>
        %dma_wait3A_87 = arith.constant 0 : i32
        %dma_wait3A_88 = tpu.memref_slice %arg12[%mul3A_0, %dma_wait3A_87] : memref<100352x16xf32, #tpu.memory_space<vmem_shared>> -> memref<6272x16xf32, #tpu.memory_space<vmem_shared>>
        tpu.wait_dma2 semaphore(%run_scoped3A : memref<!tpu.dma_semaphore, #tpu.memory_space<semaphore_mem>>) src(%dma_wait3A_88 : memref<6272x16xf32, #tpu.memory_space<vmem_shared>>) dst(%dma_wait3A_86 : memref<6272x16xf32, #tpu.memory_space<hbm>>)
        tpu.yield
      }) : () -> ()
      %barrier3A_78 = arith.constant 0 : index
      tpu.barrier barrier_id(%barrier3A_78)
      %scan3A_79 = arith.constant 0 : i32
      scf.yield %scan3A_79 : i32
    }
    %scan3A_8 = arith.constant 2 : i32
    return
  }
}

module attributes {stable_mosaic.version = 14 : i64} {
  func.func @_prep_body(%arg0: i32, %arg1: memref<2x1024xf32, #tpu.memory_space<vmem>>, %arg2: memref<1024x5xf32, #tpu.memory_space<vmem>>, %arg3: memref<1024xi32, #tpu.memory_space<vmem>>, %arg4: memref<1000x16xf32, #tpu.memory_space<vmem>>, %arg5: memref<5x64xf32, #tpu.memory_space<vmem>>, %arg6: memref<16x64xf32, #tpu.memory_space<vmem>>, %arg7: memref<4x1024x16xf32, #tpu.memory_space<vmem>>) attributes {dimension_semantics = [#tpu.dimension_semantics<arbitrary>], iteration_bounds = array<i64: 98>, scalar_prefetch = 0 : i64, scratch_operands = 0 : i64, tpu.core_type = #tpu.core_type<tc>, window_params = [{transform_indices = @transform_0, window_bounds = array<i64: 2, 1024>}, {transform_indices = @transform_1, window_bounds = array<i64: 1024, 5>}, {transform_indices = @transform_2, window_bounds = array<i64: 1024>}, {pipeline_mode = #tpu.pipeline_mode<synchronous>, transform_indices = @transform_3, window_bounds = array<i64: 1000, 16>}, {pipeline_mode = #tpu.pipeline_mode<synchronous>, transform_indices = @transform_4, window_bounds = array<i64: 5, 64>}, {pipeline_mode = #tpu.pipeline_mode<synchronous>, transform_indices = @transform_5, window_bounds = array<i64: 16, 64>}, {transform_indices = @transform_6, window_bounds = array<i64: 4, 1024, 16>}]} {
    %get3A = arith.constant 0 : index
    %get3A_0 = arith.constant 0 : index
    %get3A_1 = vector.load %arg1[%get3A, %get3A_0] : memref<2x1024xf32, #tpu.memory_space<vmem>>, vector<1x1024xf32>
    %get3A_2 = vector.shape_cast %get3A_1 : vector<1x1024xf32> to vector<1024xf32>
    %get3A_3 = arith.constant 1 : index
    %get3A_4 = arith.constant 0 : index
    %get3A_5 = vector.load %arg1[%get3A_3, %get3A_4] : memref<2x1024xf32, #tpu.memory_space<vmem>>, vector<1x1024xf32>
    %get3A_6 = vector.shape_cast %get3A_5 : vector<1x1024xf32> to vector<1024xf32>
    %add3A = arith.addf %get3A_2, %get3A_6 : vector<1024xf32>
    %add3A_7 = arith.constant 1.000000e+00 : f32
    %add3A_8 = vector.broadcast %add3A_7 : f32 to vector<1024xf32>
    %add3A_9 = arith.addf %add3A, %add3A_8 : vector<1024xf32>
    %rsqrt3A = math.rsqrt %add3A_9 : vector<1024xf32>
    %get3A_10 = arith.constant 0 : index
    %get3A_11 = arith.constant 0 : index
    %get3A_12 = vector.load %arg2[%get3A_10, %get3A_11] : memref<1024x5xf32, #tpu.memory_space<vmem>>, vector<1024x5xf32>
    %get3A_13 = arith.constant 0 : index
    %get3A_14 = arith.constant 0 : index
    %get3A_15 = vector.load %arg5[%get3A_13, %get3A_14] : memref<5x64xf32, #tpu.memory_space<vmem>>, vector<5x64xf32>
    %dot_general3A = arith.constant dense<0.000000e+00> : vector<1024x64xf32>
    %dot_general3A_16 = tpu.matmul %get3A_12, %get3A_15, %dot_general3A {dimension_numbers = #tpu.dot_dimension_numbers<[1], [0], [0], [1], [0, 0, 1, 1], [], []>, transpose_lhs_hint = false} : vector<1024x5xf32>, vector<5x64xf32>, vector<1024x64xf32> -> vector<1024x64xf32>
    %get3A_17 = arith.constant 0 : index
    %get3A_18 = arith.constant 0 : index
    %get3A_19 = vector.load %arg4[%get3A_17, %get3A_18] : memref<1000x16xf32, #tpu.memory_space<vmem>>, vector<1000x16xf32>
    %get3A_20 = arith.constant 0 : index
    %get3A_21 = arith.constant 0 : index
    %get3A_22 = vector.load %arg6[%get3A_20, %get3A_21] : memref<16x64xf32, #tpu.memory_space<vmem>>, vector<16x64xf32>
    %dot_general3A_23 = arith.constant dense<0.000000e+00> : vector<1000x64xf32>
    %dot_general3A_24 = tpu.matmul %get3A_19, %get3A_22, %dot_general3A_23 {dimension_numbers = #tpu.dot_dimension_numbers<[1], [0], [0], [1], [0, 0, 1, 1], [], []>, transpose_lhs_hint = false} : vector<1000x16xf32>, vector<16x64xf32>, vector<1000x64xf32> -> vector<1000x64xf32>
    %get3A_25 = arith.constant 0 : index
    %get3A_26 = vector.load %arg3[%get3A_25] : memref<1024xi32, #tpu.memory_space<vmem>>, vector<1024xi32>
    %broadcast_in_dim3A = vector.shape_cast %get3A_26 : vector<1024xi32> to vector<1024x1xi32>
    %iota3A = tpu.iota {dimensions = array<i32: 1>} : vector<1024x1000xi32>
    %eq3A = vector.broadcast %broadcast_in_dim3A : vector<1024x1xi32> to vector<1024x1000xi32>
    %eq3A_27 = arith.cmpi eq, %eq3A, %iota3A : vector<1024x1000xi32>
    %convert_element_type3A = arith.extui %eq3A_27 : vector<1024x1000xi1> to vector<1024x1000xi32>
    %convert_element_type3A_28 = arith.sitofp %convert_element_type3A : vector<1024x1000xi32> to vector<1024x1000xf32>
    %dot_general3A_29 = arith.constant dense<0.000000e+00> : vector<1024x64xf32>
    %dot_general3A_30 = tpu.matmul %convert_element_type3A_28, %dot_general3A_24, %dot_general3A_29 {dimension_numbers = #tpu.dot_dimension_numbers<[1], [0], [0], [1], [0, 0, 1, 1], [], []>, transpose_lhs_hint = false} : vector<1024x1000xf32>, vector<1000x64xf32>, vector<1024x64xf32> -> vector<1024x64xf32>
    %add3A_31 = arith.addf %dot_general3A_16, %dot_general3A_30 : vector<1024x64xf32>
    %broadcast_in_dim3A_32 = vector.shape_cast %rsqrt3A : vector<1024xf32> to vector<1024x1xf32>
    %mul3A = vector.broadcast %broadcast_in_dim3A_32 : vector<1024x1xf32> to vector<1024x64xf32>
    %mul3A_33 = arith.mulf %add3A_31, %mul3A : vector<1024x64xf32>
    %slice3A = vector.extract_strided_slice %mul3A_33 {offsets = [0, 0], sizes = [1024, 16], strides = [1, 1]} : vector<1024x64xf32> to vector<1024x16xf32>
    %swap3A = arith.constant 0 : index
    %swap3A_34 = arith.constant 0 : index
    %swap3A_35 = arith.constant 0 : index
    %swap3A_36 = vector.load %arg7[%swap3A, %swap3A_34, %swap3A_35] : memref<4x1024x16xf32, #tpu.memory_space<vmem>>, vector<1x1024x16xf32>
    %swap3A_37 = vector.shape_cast %swap3A_36 : vector<1x1024x16xf32> to vector<1024x16xf32>
    %swap3A_38 = vector.shape_cast %slice3A : vector<1024x16xf32> to vector<1x1024x16xf32>
    tpu.vector_store %arg7[%swap3A, %swap3A_34, %swap3A_35], %swap3A_38 {strides = array<i32>} : memref<4x1024x16xf32, #tpu.memory_space<vmem>>, vector<1x1024x16xf32>,
    %slice3A_39 = vector.extract_strided_slice %mul3A_33 {offsets = [0, 16], sizes = [1024, 16], strides = [1, 1]} : vector<1024x64xf32> to vector<1024x16xf32>
    %swap3A_40 = arith.constant 1 : index
    %swap3A_41 = arith.constant 0 : index
    %swap3A_42 = arith.constant 0 : index
    %swap3A_43 = vector.load %arg7[%swap3A_40, %swap3A_41, %swap3A_42] : memref<4x1024x16xf32, #tpu.memory_space<vmem>>, vector<1x1024x16xf32>
    %swap3A_44 = vector.shape_cast %swap3A_43 : vector<1x1024x16xf32> to vector<1024x16xf32>
    %swap3A_45 = vector.shape_cast %slice3A_39 : vector<1024x16xf32> to vector<1x1024x16xf32>
    tpu.vector_store %arg7[%swap3A_40, %swap3A_41, %swap3A_42], %swap3A_45 {strides = array<i32>} : memref<4x1024x16xf32, #tpu.memory_space<vmem>>, vector<1x1024x16xf32>,
    %slice3A_46 = vector.extract_strided_slice %mul3A_33 {offsets = [0, 32], sizes = [1024, 16], strides = [1, 1]} : vector<1024x64xf32> to vector<1024x16xf32>
    %swap3A_47 = arith.constant 2 : index
    %swap3A_48 = arith.constant 0 : index
    %swap3A_49 = arith.constant 0 : index
    %swap3A_50 = vector.load %arg7[%swap3A_47, %swap3A_48, %swap3A_49] : memref<4x1024x16xf32, #tpu.memory_space<vmem>>, vector<1x1024x16xf32>
    %swap3A_51 = vector.shape_cast %swap3A_50 : vector<1x1024x16xf32> to vector<1024x16xf32>
    %swap3A_52 = vector.shape_cast %slice3A_46 : vector<1024x16xf32> to vector<1x1024x16xf32>
    tpu.vector_store %arg7[%swap3A_47, %swap3A_48, %swap3A_49], %swap3A_52 {strides = array<i32>} : memref<4x1024x16xf32, #tpu.memory_space<vmem>>, vector<1x1024x16xf32>,
    %slice3A_53 = vector.extract_strided_slice %mul3A_33 {offsets = [0, 48], sizes = [1024, 16], strides = [1, 1]} : vector<1024x64xf32> to vector<1024x16xf32>
    %swap3A_54 = arith.constant 3 : index
    %swap3A_55 = arith.constant 0 : index
    %swap3A_56 = arith.constant 0 : index
    %swap3A_57 = vector.load %arg7[%swap3A_54, %swap3A_55, %swap3A_56] : memref<4x1024x16xf32, #tpu.memory_space<vmem>>, vector<1x1024x16xf32>
    %swap3A_58 = vector.shape_cast %swap3A_57 : vector<1x1024x16xf32> to vector<1024x16xf32>
    %swap3A_59 = vector.shape_cast %slice3A_53 : vector<1024x16xf32> to vector<1x1024x16xf32>
    tpu.vector_store %arg7[%swap3A_54, %swap3A_55, %swap3A_56], %swap3A_59 {strides = array<i32>} : memref<4x1024x16xf32, #tpu.memory_space<vmem>>, vector<1x1024x16xf32>,
    return
  }
  func.func @transform_0(%arg0: i32) -> (i32, i32) {
    %c0_i32 = arith.constant 0 : i32
    %c0_i32_0 = arith.constant 0 : i32
    return %c0_i32, %arg0 : i32, i32
  }
  func.func @transform_1(%arg0: i32) -> (i32, i32) {
    %c0_i32 = arith.constant 0 : i32
    %c0_i32_0 = arith.constant 0 : i32
    return %arg0, %c0_i32 : i32, i32
  }
  func.func @transform_2(%arg0: i32) -> i32 {
    %c0_i32 = arith.constant 0 : i32
    return %arg0 : i32
  }
  func.func @transform_3(%arg0: i32) -> (i32, i32) {
    %c0_i32 = arith.constant 0 : i32
    %c0_i32_0 = arith.constant 0 : i32
    %c0_i32_1 = arith.constant 0 : i32
    return %c0_i32, %c0_i32_0 : i32, i32
  }
  func.func @transform_4(%arg0: i32) -> (i32, i32) {
    %c0_i32 = arith.constant 0 : i32
    %c0_i32_0 = arith.constant 0 : i32
    %c0_i32_1 = arith.constant 0 : i32
    return %c0_i32, %c0_i32_0 : i32, i32
  }
  func.func @transform_5(%arg0: i32) -> (i32, i32) {
    %c0_i32 = arith.constant 0 : i32
    %c0_i32_0 = arith.constant 0 : i32
    %c0_i32_1 = arith.constant 0 : i32
    return %c0_i32, %c0_i32_0 : i32, i32
  }
  func.func @transform_6(%arg0: i32) -> (i32, i32, i32) {
    %c0_i32 = arith.constant 0 : i32
    %c0_i32_0 = arith.constant 0 : i32
    %c0_i32_1 = arith.constant 0 : i32
    return %c0_i32, %arg0, %c0_i32_0 : i32, i32, i32
  }
}

module attributes {stable_mosaic.version = 14 : i64} {
  func.func @_mid_body(%arg0: i32, %arg1: memref<2x1024xf32, #tpu.memory_space<vmem>>, %arg2: memref<4x1024x16xf32, #tpu.memory_space<vmem>>, %arg3: memref<1x64xf32, #tpu.memory_space<vmem>>, %arg4: memref<64x64xf32, #tpu.memory_space<vmem>>, %arg5: memref<4x1024x16xf32, #tpu.memory_space<vmem>>) attributes {dimension_semantics = [#tpu.dimension_semantics<arbitrary>], iteration_bounds = array<i64: 98>, scalar_prefetch = 0 : i64, scratch_operands = 0 : i64, tpu.core_type = #tpu.core_type<tc>, window_params = [{transform_indices = @transform_0, window_bounds = array<i64: 2, 1024>}, {transform_indices = @transform_1, window_bounds = array<i64: 4, 1024, 16>}, {pipeline_mode = #tpu.pipeline_mode<synchronous>, transform_indices = @transform_2, window_bounds = array<i64: 1, 64>}, {pipeline_mode = #tpu.pipeline_mode<synchronous>, transform_indices = @transform_3, window_bounds = array<i64: 64, 64>}, {transform_indices = @transform_4, window_bounds = array<i64: 4, 1024, 16>}]} {
    %get3A = arith.constant 0 : index
    %get3A_0 = arith.constant 0 : index
    %get3A_1 = vector.load %arg1[%get3A, %get3A_0] : memref<2x1024xf32, #tpu.memory_space<vmem>>, vector<1x1024xf32>
    %get3A_2 = vector.shape_cast %get3A_1 : vector<1x1024xf32> to vector<1024xf32>
    %get3A_3 = arith.constant 1 : index
    %get3A_4 = arith.constant 0 : index
    %get3A_5 = vector.load %arg1[%get3A_3, %get3A_4] : memref<2x1024xf32, #tpu.memory_space<vmem>>, vector<1x1024xf32>
    %get3A_6 = vector.shape_cast %get3A_5 : vector<1x1024xf32> to vector<1024xf32>
    %add3A = arith.addf %get3A_2, %get3A_6 : vector<1024xf32>
    %add3A_7 = arith.constant 1.000000e+00 : f32
    %add3A_8 = vector.broadcast %add3A_7 : f32 to vector<1024xf32>
    %add3A_9 = arith.addf %add3A, %add3A_8 : vector<1024xf32>
    %rsqrt3A = math.rsqrt %add3A_9 : vector<1024xf32>
    %get3A_10 = arith.constant 0 : index
    %get3A_11 = arith.constant 0 : index
    %get3A_12 = arith.constant 0 : index
    %get3A_13 = vector.load %arg2[%get3A_10, %get3A_11, %get3A_12] : memref<4x1024x16xf32, #tpu.memory_space<vmem>>, vector<1x1024x16xf32>
    %get3A_14 = vector.shape_cast %get3A_13 : vector<1x1024x16xf32> to vector<1024x16xf32>
    %get3A_15 = arith.constant 1 : index
    %get3A_16 = arith.constant 0 : index
    %get3A_17 = arith.constant 0 : index
    %get3A_18 = vector.load %arg2[%get3A_15, %get3A_16, %get3A_17] : memref<4x1024x16xf32, #tpu.memory_space<vmem>>, vector<1x1024x16xf32>
    %get3A_19 = vector.shape_cast %get3A_18 : vector<1x1024x16xf32> to vector<1024x16xf32>
    %get3A_20 = arith.constant 2 : index
    %get3A_21 = arith.constant 0 : index
    %get3A_22 = arith.constant 0 : index
    %get3A_23 = vector.load %arg2[%get3A_20, %get3A_21, %get3A_22] : memref<4x1024x16xf32, #tpu.memory_space<vmem>>, vector<1x1024x16xf32>
    %get3A_24 = vector.shape_cast %get3A_23 : vector<1x1024x16xf32> to vector<1024x16xf32>
    %get3A_25 = arith.constant 3 : index
    %get3A_26 = arith.constant 0 : index
    %get3A_27 = arith.constant 0 : index
    %get3A_28 = vector.load %arg2[%get3A_25, %get3A_26, %get3A_27] : memref<4x1024x16xf32, #tpu.memory_space<vmem>>, vector<1x1024x16xf32>
    %get3A_29 = vector.shape_cast %get3A_28 : vector<1x1024x16xf32> to vector<1024x16xf32>
    %concatenate3A = tpu.concatenate %get3A_14, %get3A_19, %get3A_24, %get3A_29 in 1 : vector<1024x16xf32>, vector<1024x16xf32>, vector<1024x16xf32>, vector<1024x16xf32> -> vector<1024x64xf32>
    %broadcast_in_dim3A = vector.shape_cast %rsqrt3A : vector<1024xf32> to vector<1024x1xf32>
    %mul3A = vector.broadcast %broadcast_in_dim3A : vector<1024x1xf32> to vector<1024x64xf32>
    %mul3A_30 = arith.mulf %concatenate3A, %mul3A : vector<1024x64xf32>
    %get3A_31 = arith.constant 0 : index
    %get3A_32 = arith.constant 0 : index
    %get3A_33 = vector.load %arg3[%get3A_31, %get3A_32] : memref<1x64xf32, #tpu.memory_space<vmem>>, vector<1x64xf32>
    %get3A_34 = vector.shape_cast %get3A_33 : vector<1x64xf32> to vector<64xf32>
    %broadcast_in_dim3A_35 = vector.shape_cast %get3A_34 : vector<64xf32> to vector<1x64xf32>
    %add3A_36 = vector.broadcast %broadcast_in_dim3A_35 : vector<1x64xf32> to vector<1024x64xf32>
    %add3A_37 = arith.addf %mul3A_30, %add3A_36 : vector<1024x64xf32>
    %max3A = arith.constant 0.000000e+00 : f32
    %max3A_38 = vector.broadcast %max3A : f32 to vector<1024x64xf32>
    %max3A_39 = arith.maximumf %add3A_37, %max3A_38 : vector<1024x64xf32>
    %get3A_40 = arith.constant 0 : index
    %get3A_41 = arith.constant 0 : index
    %get3A_42 = vector.load %arg4[%get3A_40, %get3A_41] : memref<64x64xf32, #tpu.memory_space<vmem>>, vector<64x64xf32>
    %dot_general3A = arith.constant dense<0.000000e+00> : vector<1024x64xf32>
    %dot_general3A_43 = tpu.matmul %max3A_39, %get3A_42, %dot_general3A {dimension_numbers = #tpu.dot_dimension_numbers<[1], [0], [0], [1], [0, 0, 1, 1], [], []>, transpose_lhs_hint = false} : vector<1024x64xf32>, vector<64x64xf32>, vector<1024x64xf32> -> vector<1024x64xf32>
    %broadcast_in_dim3A_44 = vector.shape_cast %rsqrt3A : vector<1024xf32> to vector<1024x1xf32>
    %mul3A_45 = vector.broadcast %broadcast_in_dim3A_44 : vector<1024x1xf32> to vector<1024x64xf32>
    %mul3A_46 = arith.mulf %dot_general3A_43, %mul3A_45 : vector<1024x64xf32>
    %slice3A = vector.extract_strided_slice %mul3A_46 {offsets = [0, 0], sizes = [1024, 16], strides = [1, 1]} : vector<1024x64xf32> to vector<1024x16xf32>
    %swap3A = arith.constant 0 : index
    %swap3A_47 = arith.constant 0 : index
    %swap3A_48 = arith.constant 0 : index
    %swap3A_49 = vector.load %arg5[%swap3A, %swap3A_47, %swap3A_48] : memref<4x1024x16xf32, #tpu.memory_space<vmem>>, vector<1x1024x16xf32>
    %swap3A_50 = vector.shape_cast %swap3A_49 : vector<1x1024x16xf32> to vector<1024x16xf32>
    %swap3A_51 = vector.shape_cast %slice3A : vector<1024x16xf32> to vector<1x1024x16xf32>
    tpu.vector_store %arg5[%swap3A, %swap3A_47, %swap3A_48], %swap3A_51 {strides = array<i32>} : memref<4x1024x16xf32, #tpu.memory_space<vmem>>, vector<1x1024x16xf32>,
    %slice3A_52 = vector.extract_strided_slice %mul3A_46 {offsets = [0, 16], sizes = [1024, 16], strides = [1, 1]} : vector<1024x64xf32> to vector<1024x16xf32>
    %swap3A_53 = arith.constant 1 : index
    %swap3A_54 = arith.constant 0 : index
    %swap3A_55 = arith.constant 0 : index
    %swap3A_56 = vector.load %arg5[%swap3A_53, %swap3A_54, %swap3A_55] : memref<4x1024x16xf32, #tpu.memory_space<vmem>>, vector<1x1024x16xf32>
    %swap3A_57 = vector.shape_cast %swap3A_56 : vector<1x1024x16xf32> to vector<1024x16xf32>
    %swap3A_58 = vector.shape_cast %slice3A_52 : vector<1024x16xf32> to vector<1x1024x16xf32>
    tpu.vector_store %arg5[%swap3A_53, %swap3A_54, %swap3A_55], %swap3A_58 {strides = array<i32>} : memref<4x1024x16xf32, #tpu.memory_space<vmem>>, vector<1x1024x16xf32>,
    %slice3A_59 = vector.extract_strided_slice %mul3A_46 {offsets = [0, 32], sizes = [1024, 16], strides = [1, 1]} : vector<1024x64xf32> to vector<1024x16xf32>
    %swap3A_60 = arith.constant 2 : index
    %swap3A_61 = arith.constant 0 : index
    %swap3A_62 = arith.constant 0 : index
    %swap3A_63 = vector.load %arg5[%swap3A_60, %swap3A_61, %swap3A_62] : memref<4x1024x16xf32, #tpu.memory_space<vmem>>, vector<1x1024x16xf32>
    %swap3A_64 = vector.shape_cast %swap3A_63 : vector<1x1024x16xf32> to vector<1024x16xf32>
    %swap3A_65 = vector.shape_cast %slice3A_59 : vector<1024x16xf32> to vector<1x1024x16xf32>
    tpu.vector_store %arg5[%swap3A_60, %swap3A_61, %swap3A_62], %swap3A_65 {strides = array<i32>} : memref<4x1024x16xf32, #tpu.memory_space<vmem>>, vector<1x1024x16xf32>,
    %slice3A_66 = vector.extract_strided_slice %mul3A_46 {offsets = [0, 48], sizes = [1024, 16], strides = [1, 1]} : vector<1024x64xf32> to vector<1024x16xf32>
    %swap3A_67 = arith.constant 3 : index
    %swap3A_68 = arith.constant 0 : index
    %swap3A_69 = arith.constant 0 : index
    %swap3A_70 = vector.load %arg5[%swap3A_67, %swap3A_68, %swap3A_69] : memref<4x1024x16xf32, #tpu.memory_space<vmem>>, vector<1x1024x16xf32>
    %swap3A_71 = vector.shape_cast %swap3A_70 : vector<1x1024x16xf32> to vector<1024x16xf32>
    %swap3A_72 = vector.shape_cast %slice3A_66 : vector<1024x16xf32> to vector<1x1024x16xf32>
    tpu.vector_store %arg5[%swap3A_67, %swap3A_68, %swap3A_69], %swap3A_72 {strides = array<i32>} : memref<4x1024x16xf32, #tpu.memory_space<vmem>>, vector<1x1024x16xf32>,
    return
  }
  func.func @transform_0(%arg0: i32) -> (i32, i32) {
    %c0_i32 = arith.constant 0 : i32
    %c0_i32_0 = arith.constant 0 : i32
    return %c0_i32, %arg0 : i32, i32
  }
  func.func @transform_1(%arg0: i32) -> (i32, i32, i32) {
    %c0_i32 = arith.constant 0 : i32
    %c0_i32_0 = arith.constant 0 : i32
    %c0_i32_1 = arith.constant 0 : i32
    return %c0_i32, %arg0, %c0_i32_0 : i32, i32, i32
  }
  func.func @transform_2(%arg0: i32) -> (i32, i32) {
    %c0_i32 = arith.constant 0 : i32
    %c0_i32_0 = arith.constant 0 : i32
    %c0_i32_1 = arith.constant 0 : i32
    return %c0_i32, %c0_i32_0 : i32, i32
  }
  func.func @transform_3(%arg0: i32) -> (i32, i32) {
    %c0_i32 = arith.constant 0 : i32
    %c0_i32_0 = arith.constant 0 : i32
    %c0_i32_1 = arith.constant 0 : i32
    return %c0_i32, %c0_i32_0 : i32, i32
  }
  func.func @transform_4(%arg0: i32) -> (i32, i32, i32) {
    %c0_i32 = arith.constant 0 : i32
    %c0_i32_0 = arith.constant 0 : i32
    %c0_i32_1 = arith.constant 0 : i32
    return %c0_i32, %arg0, %c0_i32_0 : i32, i32, i32
  }
}

module attributes {stable_mosaic.version = 14 : i64} {
  func.func @_pool_body(%arg0: i32, %arg1: memref<2x1024xf32, #tpu.memory_space<vmem>>, %arg2: memref<4x1024x16xf32, #tpu.memory_space<vmem>>, %arg3: memref<1x64xf32, #tpu.memory_space<vmem>>, %arg4: memref<1024xi32, #tpu.memory_space<vmem>>, %arg5: memref<64x2xf32, #tpu.memory_space<vmem>>, %arg6: memref<1x2xf32, #tpu.memory_space<vmem>>, %arg7: memref<256x2xf32, #tpu.memory_space<vmem>>, %arg8: memref<256x64xf32, #tpu.memory_space<vmem>>, %arg9: memref<1x256xf32, #tpu.memory_space<vmem>>) attributes {dimension_semantics = [#tpu.dimension_semantics<arbitrary>], iteration_bounds = array<i64: 98>, scalar_prefetch = 0 : i64, scratch_operands = 2 : i64, tpu.core_type = #tpu.core_type<tc>, window_params = [{transform_indices = @transform_0, window_bounds = array<i64: 2, 1024>}, {transform_indices = @transform_1, window_bounds = array<i64: 4, 1024, 16>}, {pipeline_mode = #tpu.pipeline_mode<synchronous>, transform_indices = @transform_2, window_bounds = array<i64: 1, 64>}, {transform_indices = @transform_3, window_bounds = array<i64: 1024>}, {pipeline_mode = #tpu.pipeline_mode<synchronous>, transform_indices = @transform_4, window_bounds = array<i64: 64, 2>}, {pipeline_mode = #tpu.pipeline_mode<synchronous>, transform_indices = @transform_5, window_bounds = array<i64: 1, 2>}, {pipeline_mode = #tpu.pipeline_mode<synchronous>, transform_indices = @transform_6, window_bounds = array<i64: 256, 2>}]} {
    %eq3A = arith.constant 0 : i32
    %eq3A_0 = arith.cmpi eq, %arg0, %eq3A : i32
    %convert_element_type3A = arith.extui %eq3A_0 : i1 to i32
    %cond3A = arith.constant 0 : i32
    %cond3A_1 = arith.cmpi ne, %convert_element_type3A, %cond3A : i32
    scf.if %cond3A_1 {
      %broadcast_in_dim3A_72 = arith.constant 0.000000e+00 : f32
      %broadcast_in_dim3A_73 = vector.broadcast %broadcast_in_dim3A_72 : f32 to vector<256x64xf32>
      %swap3A_74 = arith.constant 0 : index
      %swap3A_75 = arith.constant 0 : index
      %swap3A_76 = vector.load %arg8[%swap3A_74, %swap3A_75] : memref<256x64xf32, #tpu.memory_space<vmem>>, vector<256x64xf32>
      tpu.vector_store %arg8[%swap3A_74, %swap3A_75], %broadcast_in_dim3A_73 {strides = array<i32>} : memref<256x64xf32, #tpu.memory_space<vmem>>, vector<256x64xf32>,
      %broadcast_in_dim3A_77 = arith.constant 0.000000e+00 : f32
      %broadcast_in_dim3A_78 = vector.broadcast %broadcast_in_dim3A_77 : f32 to vector<1x256xf32>
      %swap3A_79 = arith.constant 0 : index
      %swap3A_80 = arith.constant 0 : index
      %swap3A_81 = vector.load %arg9[%swap3A_79, %swap3A_80] : memref<1x256xf32, #tpu.memory_space<vmem>>, vector<1x256xf32>
      tpu.vector_store %arg9[%swap3A_79, %swap3A_80], %broadcast_in_dim3A_78 {strides = array<i32>} : memref<1x256xf32, #tpu.memory_space<vmem>>, vector<1x256xf32>,
    } else {
    }
    %get3A = arith.constant 0 : index
    %get3A_2 = arith.constant 0 : index
    %get3A_3 = vector.load %arg1[%get3A, %get3A_2] : memref<2x1024xf32, #tpu.memory_space<vmem>>, vector<1x1024xf32>
    %get3A_4 = vector.shape_cast %get3A_3 : vector<1x1024xf32> to vector<1024xf32>
    %get3A_5 = arith.constant 1 : index
    %get3A_6 = arith.constant 0 : index
    %get3A_7 = vector.load %arg1[%get3A_5, %get3A_6] : memref<2x1024xf32, #tpu.memory_space<vmem>>, vector<1x1024xf32>
    %get3A_8 = vector.shape_cast %get3A_7 : vector<1x1024xf32> to vector<1024xf32>
    %add3A = arith.addf %get3A_4, %get3A_8 : vector<1024xf32>
    %add3A_9 = arith.constant 1.000000e+00 : f32
    %add3A_10 = vector.broadcast %add3A_9 : f32 to vector<1024xf32>
    %add3A_11 = arith.addf %add3A, %add3A_10 : vector<1024xf32>
    %rsqrt3A = math.rsqrt %add3A_11 : vector<1024xf32>
    %iota3A = tpu.iota {dimensions = array<i32: 0>} : vector<256x1024xi32>
    %get3A_12 = arith.constant 0 : index
    %get3A_13 = vector.load %arg4[%get3A_12] : memref<1024xi32, #tpu.memory_space<vmem>>, vector<1024xi32>
    %broadcast_in_dim3A = vector.shape_cast %get3A_13 : vector<1024xi32> to vector<1x1024xi32>
    %eq3A_14 = vector.broadcast %broadcast_in_dim3A : vector<1x1024xi32> to vector<256x1024xi32>
    %eq3A_15 = arith.cmpi eq, %iota3A, %eq3A_14 : vector<256x1024xi32>
    %convert_element_type3A_16 = arith.extui %eq3A_15 : vector<256x1024xi1> to vector<256x1024xi32>
    %convert_element_type3A_17 = arith.sitofp %convert_element_type3A_16 : vector<256x1024xi32> to vector<256x1024xf32>
    %get3A_18 = arith.constant 0 : index
    %get3A_19 = arith.constant 0 : index
    %get3A_20 = vector.load %arg9[%get3A_18, %get3A_19] : memref<1x256xf32, #tpu.memory_space<vmem>>, vector<1x256xf32>
    %get3A_21 = vector.shape_cast %get3A_20 : vector<1x256xf32> to vector<256xf32>
    %reduce_sum3A = arith.constant dense<0.000000e+00> : vector<256xf32>
    %reduce_sum3A_22 = vector.multi_reduction <add>, %convert_element_type3A_17, %reduce_sum3A [1] : vector<256x1024xf32> to vector<256xf32>
    %add3A_23 = arith.addf %get3A_21, %reduce_sum3A_22 : vector<256xf32>
    %swap3A = arith.constant 0 : index
    %swap3A_24 = arith.constant 0 : index
    %swap3A_25 = vector.load %arg9[%swap3A, %swap3A_24] : memref<1x256xf32, #tpu.memory_space<vmem>>, vector<1x256xf32>
    %swap3A_26 = vector.shape_cast %swap3A_25 : vector<1x256xf32> to vector<256xf32>
    %swap3A_27 = vector.shape_cast %add3A_23 : vector<256xf32> to vector<1x256xf32>
    tpu.vector_store %arg9[%swap3A, %swap3A_24], %swap3A_27 {strides = array<i32>} : memref<1x256xf32, #tpu.memory_space<vmem>>, vector<1x256xf32>,
    %get3A_28 = arith.constant 0 : index
    %get3A_29 = arith.constant 0 : index
    %get3A_30 = arith.constant 0 : index
    %get3A_31 = vector.load %arg2[%get3A_28, %get3A_29, %get3A_30] : memref<4x1024x16xf32, #tpu.memory_space<vmem>>, vector<1x1024x16xf32>
    %get3A_32 = vector.shape_cast %get3A_31 : vector<1x1024x16xf32> to vector<1024x16xf32>
    %get3A_33 = arith.constant 1 : index
    %get3A_34 = arith.constant 0 : index
    %get3A_35 = arith.constant 0 : index
    %get3A_36 = vector.load %arg2[%get3A_33, %get3A_34, %get3A_35] : memref<4x1024x16xf32, #tpu.memory_space<vmem>>, vector<1x1024x16xf32>
    %get3A_37 = vector.shape_cast %get3A_36 : vector<1x1024x16xf32> to vector<1024x16xf32>
    %get3A_38 = arith.constant 2 : index
    %get3A_39 = arith.constant 0 : index
    %get3A_40 = arith.constant 0 : index
    %get3A_41 = vector.load %arg2[%get3A_38, %get3A_39, %get3A_40] : memref<4x1024x16xf32, #tpu.memory_space<vmem>>, vector<1x1024x16xf32>
    %get3A_42 = vector.shape_cast %get3A_41 : vector<1x1024x16xf32> to vector<1024x16xf32>
    %get3A_43 = arith.constant 3 : index
    %get3A_44 = arith.constant 0 : index
    %get3A_45 = arith.constant 0 : index
    %get3A_46 = vector.load %arg2[%get3A_43, %get3A_44, %get3A_45] : memref<4x1024x16xf32, #tpu.memory_space<vmem>>, vector<1x1024x16xf32>
    %get3A_47 = vector.shape_cast %get3A_46 : vector<1x1024x16xf32> to vector<1024x16xf32>
    %concatenate3A = tpu.concatenate %get3A_32, %get3A_37, %get3A_42, %get3A_47 in 1 : vector<1024x16xf32>, vector<1024x16xf32>, vector<1024x16xf32>, vector<1024x16xf32> -> vector<1024x64xf32>
    %broadcast_in_dim3A_48 = vector.shape_cast %rsqrt3A : vector<1024xf32> to vector<1024x1xf32>
    %mul3A = vector.broadcast %broadcast_in_dim3A_48 : vector<1024x1xf32> to vector<1024x64xf32>
    %mul3A_49 = arith.mulf %concatenate3A, %mul3A : vector<1024x64xf32>
    %get3A_50 = arith.constant 0 : index
    %get3A_51 = arith.constant 0 : index
    %get3A_52 = vector.load %arg3[%get3A_50, %get3A_51] : memref<1x64xf32, #tpu.memory_space<vmem>>, vector<1x64xf32>
    %get3A_53 = vector.shape_cast %get3A_52 : vector<1x64xf32> to vector<64xf32>
    %broadcast_in_dim3A_54 = vector.shape_cast %get3A_53 : vector<64xf32> to vector<1x64xf32>
    %add3A_55 = vector.broadcast %broadcast_in_dim3A_54 : vector<1x64xf32> to vector<1024x64xf32>
    %add3A_56 = arith.addf %mul3A_49, %add3A_55 : vector<1024x64xf32>
    %max3A = arith.constant 0.000000e+00 : f32
    %max3A_57 = vector.broadcast %max3A : f32 to vector<1024x64xf32>
    %max3A_58 = arith.maximumf %add3A_56, %max3A_57 : vector<1024x64xf32>
    %get3A_59 = arith.constant 0 : index
    %get3A_60 = arith.constant 0 : index
    %get3A_61 = vector.load %arg8[%get3A_59, %get3A_60] : memref<256x64xf32, #tpu.memory_space<vmem>>, vector<256x64xf32>
    %dot_general3A = arith.constant dense<0.000000e+00> : vector<256x64xf32>
    %dot_general3A_62 = tpu.matmul %convert_element_type3A_17, %max3A_58, %dot_general3A {dimension_numbers = #tpu.dot_dimension_numbers<[1], [0], [0], [1], [0, 0, 1, 1], [], []>, transpose_lhs_hint = false} : vector<256x1024xf32>, vector<1024x64xf32>, vector<256x64xf32> -> vector<256x64xf32>
    %add3A_63 = arith.addf %get3A_61, %dot_general3A_62 : vector<256x64xf32>
    %swap3A_64 = arith.constant 0 : index
    %swap3A_65 = arith.constant 0 : index
    %swap3A_66 = vector.load %arg8[%swap3A_64, %swap3A_65] : memref<256x64xf32, #tpu.memory_space<vmem>>, vector<256x64xf32>
    tpu.vector_store %arg8[%swap3A_64, %swap3A_65], %add3A_63 {strides = array<i32>} : memref<256x64xf32, #tpu.memory_space<vmem>>, vector<256x64xf32>,
    %eq3A_67 = arith.constant 97 : i32
    %eq3A_68 = arith.cmpi eq, %arg0, %eq3A_67 : i32
    %convert_element_type3A_69 = arith.extui %eq3A_68 : i1 to i32
    %cond3A_70 = arith.constant 0 : i32
    %cond3A_71 = arith.cmpi ne, %convert_element_type3A_69, %cond3A_70 : i32
    scf.if %cond3A_71 {
      %get3A_72 = arith.constant 0 : index
      %get3A_73 = arith.constant 0 : index
      %get3A_74 = vector.load %arg9[%get3A_72, %get3A_73] : memref<1x256xf32, #tpu.memory_space<vmem>>, vector<1x256xf32>
      %get3A_75 = vector.shape_cast %get3A_74 : vector<1x256xf32> to vector<256xf32>
      %max3A_76 = arith.constant 1.000000e+00 : f32
      %max3A_77 = vector.broadcast %max3A_76 : f32 to vector<256xf32>
      %max3A_78 = arith.maximumf %get3A_75, %max3A_77 : vector<256xf32>
      %get3A_79 = arith.constant 0 : index
      %get3A_80 = arith.constant 0 : index
      %get3A_81 = vector.load %arg8[%get3A_79, %get3A_80] : memref<256x64xf32, #tpu.memory_space<vmem>>, vector<256x64xf32>
      %broadcast_in_dim3A_82 = vector.shape_cast %max3A_78 : vector<256xf32> to vector<256x1xf32>
      %div3A = vector.broadcast %broadcast_in_dim3A_82 : vector<256x1xf32> to vector<256x64xf32>
      %div3A_83 = arith.divf %get3A_81, %div3A : vector<256x64xf32>
      %get3A_84 = arith.constant 0 : index
      %get3A_85 = arith.constant 0 : index
      %get3A_86 = vector.load %arg5[%get3A_84, %get3A_85] : memref<64x2xf32, #tpu.memory_space<vmem>>, vector<64x2xf32>
      %dot_general3A_87 = arith.constant dense<0.000000e+00> : vector<256x2xf32>
      %dot_general3A_88 = tpu.matmul %div3A_83, %get3A_86, %dot_general3A_87 {dimension_numbers = #tpu.dot_dimension_numbers<[1], [0], [0], [1], [0, 0, 1, 1], [], []>, transpose_lhs_hint = false} : vector<256x64xf32>, vector<64x2xf32>, vector<256x2xf32> -> vector<256x2xf32>
      %get3A_89 = arith.constant 0 : index
      %get3A_90 = arith.constant 0 : index
      %get3A_91 = vector.load %arg6[%get3A_89, %get3A_90] : memref<1x2xf32, #tpu.memory_space<vmem>>, vector<1x2xf32>
      %get3A_92 = vector.shape_cast %get3A_91 : vector<1x2xf32> to vector<2xf32>
      %broadcast_in_dim3A_93 = vector.shape_cast %get3A_92 : vector<2xf32> to vector<1x2xf32>
      %add3A_94 = vector.broadcast %broadcast_in_dim3A_93 : vector<1x2xf32> to vector<256x2xf32>
      %add3A_95 = arith.addf %dot_general3A_88, %add3A_94 : vector<256x2xf32>
      %swap3A_96 = arith.constant 0 : index
      %swap3A_97 = arith.constant 0 : index
      %swap3A_98 = vector.load %arg7[%swap3A_96, %swap3A_97] : memref<256x2xf32, #tpu.memory_space<vmem>>, vector<256x2xf32>
      tpu.vector_store %arg7[%swap3A_96, %swap3A_97], %add3A_95 {strides = array<i32>} : memref<256x2xf32, #tpu.memory_space<vmem>>, vector<256x2xf32>,
    } else {
    }
    return
  }
  func.func @transform_0(%arg0: i32) -> (i32, i32) {
    %c0_i32 = arith.constant 0 : i32
    %c0_i32_0 = arith.constant 0 : i32
    return %c0_i32, %arg0 : i32, i32
  }
  func.func @transform_1(%arg0: i32) -> (i32, i32, i32) {
    %c0_i32 = arith.constant 0 : i32
    %c0_i32_0 = arith.constant 0 : i32
    %c0_i32_1 = arith.constant 0 : i32
    return %c0_i32, %arg0, %c0_i32_0 : i32, i32, i32
  }
  func.func @transform_2(%arg0: i32) -> (i32, i32) {
    %c0_i32 = arith.constant 0 : i32
    %c0_i32_0 = arith.constant 0 : i32
    %c0_i32_1 = arith.constant 0 : i32
    return %c0_i32, %c0_i32_0 : i32, i32
  }
  func.func @transform_3(%arg0: i32) -> i32 {
    %c0_i32 = arith.constant 0 : i32
    return %arg0 : i32
  }
  func.func @transform_4(%arg0: i32) -> (i32, i32) {
    %c0_i32 = arith.constant 0 : i32
    %c0_i32_0 = arith.constant 0 : i32
    %c0_i32_1 = arith.constant 0 : i32
    return %c0_i32, %c0_i32_0 : i32, i32
  }
  func.func @transform_5(%arg0: i32) -> (i32, i32) {
    %c0_i32 = arith.constant 0 : i32
    %c0_i32_0 = arith.constant 0 : i32
    %c0_i32_1 = arith.constant 0 : i32
    return %c0_i32, %c0_i32_0 : i32, i32
  }
  func.func @transform_6(%arg0: i32) -> (i32, i32) {
    %c0_i32 = arith.constant 0 : i32
    %c0_i32_0 = arith.constant 0 : i32
    %c0_i32_1 = arith.constant 0 : i32
    return %c0_i32, %c0_i32_0 : i32, i32
  }
}

</mosaic_0001>

<sc_bundles>
// kernel: kernel.11.cloned.1.call-start
scs
__scs_entry_jumppad:
0x0: {  	(pc) =	sbr.rel $0x88, $3  }
0x1: {  	(tag) =	ssettag $0x0;
	lr =	simm.s32 $0x1  }
0x2: {  	[smem:$0x3F96] =	sst lr;
	_ =	strace $0xD0000000  }
0x3: {  	_ = 	snop  }
0x4: {  	_ = 	snop  }
0x5: {  	_ = 	snop  }
0x6: {  	_ = 	snop  }
0x7: {  	_ = 	snop  }
__scs_overlays_trampoline_lowered:
0x8: {  	[smem:$0x3FA5] =	sst s0  }
0x9: {  	[smem:$0x3FA6] =	sst s1  }
0xa: {  	[smem:$0x3FA7] =	sst s2  }
0xb: {  	[smem:$0x3FA8] =	sst s3  }
0xc: {  	[smem:$0x3FA9] =	sst s4  }
0xd: {  	[smem:$0x3FAA] =	sst s5  }
0xe: {  	[smem:$0x3FAB] =	sst s6  }
0xf: {  	[smem:$0x3FAC] =	sst s7  }
0x10: {  	[smem:$0x3FAD] =	sst s8  }
0x11: {  	[smem:$0x3FAE] =	sst s9;
	s0 =	simm.s32 @!p0 $0x0  }
0x12: {  	s1 =	sld [smem:$0x3F94];
	s0 =	simm.s32 @p0 $0x1  }
0x13: {  	[smem:$0x3FAF] =	sst s0;
	s0 =	simm.s32 @!p1 $0x0  }
0x14: {  	s2 =	sld [smem:$0x3F93];
	s0 =	simm.s32 @p1 $0x1  }
0x15: {  	[smem:$0x3FB0] =	sst s0;
	s0 =	simm.s32 @!p2 $0x0  }
0x16: {  	s3 =	sld [smem:$0x3FDB];
	s0 =	simm.s32 @p2 $0x1  }
0x17: {  	s4 =	simm.s32 $0x1BF5;
	[smem:$0x3FB2] =	sst s0  }
0x18: {  	s0 =	sld [smem:$0x3F95];
	_ =	swait.ge [sflag:s4], $0x0  }
0x19: {  	s7 =	sld [smem:$0x3F96]  }
0x1a: {  	s8 =	sadd.s32 $0xFFFFE003, lr  }
0x1b: {  	s9 =	sadd.s32 $0xFFFFFEF7, lr;
	s5 =	simm.s32 $0xFFFFFFFF;
	p2 =	slt.u32 s8, $0xFFFFF086  }
0x1c: {  	p1 =	slt.u32 s9, $0xF7A;
	s5 =	simm.s32 @!p2 $0x0  }
0x1d: {  	s5 =	simm.s32 @p1 $0x1;
	p0 =	seq.s32 s7, s2  }
0x1e: {  	s7 =	smul.u32 @!p0 $0xF7A, s2;
	p2 =	seq.s32 @!p0 s5, $0x0  }
0x1f: {  	s9 =	smul.u32 $0xF7A, s1;
	s8 =	simm.s32 @!p0 $0x1BF5;
	p2 =	por !p2, p0  }
0x20: {  	[sflag:s8] =	ssyncset.s32 @!p0 $0xFFFFF086;
	s6 =	sadd.s32 @!p0 s3, s7;
	s7 =	simm.s32 @!p0 $0x108  }
0x21: {  	s3 =	sadd.s32 s3, s9;
	s6 =	sadd.s32 @!p0 $0x88, s6;
	s7 =	simm.s32 @p2 $0x1082  }
0x22: {  	[simem:s7], [sflag:s8] =	dma.local @!p0 [hbm:s6], $0xF7A  }
0x23: {  	s9 =	sor.u32 $0xD0000000, s2;
	s6 =	simm.s32 $0x108;
	_ =	swait.ge @!p0 [sflag:s8], $0x0  }
0x24: {  	s3 =	sadd.s32 $0x88, s3;
	s6 =	simm.s32 @!p1 $0x1082;
	[sflag:s4] =	ssyncset.s32 $0xFFFFF086  }
0x25: {  	[simem:s6], [sflag:s4] =	dma.local [hbm:s3], $0xF7A  }
0x26: {  	[smem:$0x3F96] =	sst s1;
	(tag) =	ssettag s2;
	_ =	strace s9  }
0x27: {  	s1 =	sld [smem:$0x3FA6]  }
0x28: {  	s2 =	sld [smem:$0x3FA7]  }
0x29: {  	s4 =	sld [smem:$0x3FA9]  }
0x2a: {  	p0 =	seq.s32 s5, $0x0;
	s5 =	sld [smem:$0x3FAA]  }
0x2b: {  	s6 =	sld [smem:$0x3FAB]  }
0x2c: {  	s7 =	sld [smem:$0x3FAC]  }
0x2d: {  	s3 =	simm.s32 $0x108;
	s8 =	sld [smem:$0x3FAD]  }
0x2e: {  	s3 =	simm.s32 @!p0 $0x1082;
	s9 =	sld [smem:$0x3FAE]  }
0x2f: {  	lr =	sadd.s32 s0, s3;
	s0 =	sld [smem:$0x3FA5]  }
0x30: {  	s3 =	sld [smem:$0x3FA8]  }
0x31: {  	[smem:$0x3FB1] =	sst s10  }
0x32: {  	s10 =	sld [smem:$0x3FAF];
	_ =	sdelay $0x3  }
0x33: {  	p0 =	seq.s32 s10, $0x1;
	s10 =	sld [smem:$0x3FB1];
	_ =	sdelay $0x3  }
0x34: {  	[smem:$0x3FB1] =	sst s10  }
0x35: {  	s10 =	sld [smem:$0x3FB0];
	_ =	sdelay $0x3  }
0x36: {  	p1 =	seq.s32 s10, $0x1;
	s10 =	sld [smem:$0x3FB1];
	_ =	sdelay $0x3  }
0x37: {  	[smem:$0x3FB1] =	sst s10  }
0x38: {  	s10 =	sld [smem:$0x3FB2]  }
0x39: {  	_ = 	snop;
	(pc) =	sbr.ind lr, $3  }
0x3a: {  	_ = 	snop  }
0x3b: {  	_ = 	snop  }
0x3c: {  	p2 =	seq.s32 s10, $0x1;
	s10 =	sld [smem:$0x3FB1]  }
0x3d: {  	_ =	shalt  }
0x3e: {  	_ =	shalt  }
0x3f: {  	_ =	shalt  }
0x40: {  	_ =	shalt  }
0x41: {  	_ =	shalt  }
0x42: {  	_ =	shalt  }
0x43: {  	_ =	shalt  }
0x44: {  	_ =	shalt  }
0x45: {  	_ =	shalt  }
0x46: {  	_ =	shalt  }
0x47: {  	_ =	shalt  }
0x48: {  	_ =	shalt  }
0x49: {  	_ =	shalt  }
0x4a: {  	_ =	shalt  }
0x4b: {  	_ =	shalt  }
0x4c: {  	_ =	shalt  }
0x4d: {  	_ =	shalt  }
0x4e: {  	_ =	shalt  }
0x4f: {  	_ =	shalt  }
0x50: {  	_ =	shalt  }
0x51: {  	_ =	shalt  }
0x52: {  	_ =	shalt  }
0x53: {  	_ =	shalt  }
0x54: {  	_ =	shalt  }
0x55: {  	_ =	shalt  }
0x56: {  	_ =	shalt  }
0x57: {  	_ =	shalt  }
0x58: {  	_ =	shalt  }
0x59: {  	_ =	shalt  }
0x5a: {  	_ =	shalt  }
0x5b: {  	_ =	shalt  }
0x5c: {  	_ =	shalt  }
0x5d: {  	_ =	shalt  }
0x5e: {  	_ =	shalt  }
0x5f: {  	_ =	shalt  }
0x60: {  	_ =	shalt  }
0x61: {  	_ =	shalt  }
0x62: {  	_ =	shalt  }
0x63: {  	_ =	shalt  }
0x64: {  	_ =	shalt  }
0x65: {  	_ =	shalt  }
0x66: {  	_ =	shalt  }
0x67: {  	_ =	shalt  }
0x68: {  	_ =	shalt  }
0x69: {  	_ =	shalt  }
0x6a: {  	_ =	shalt  }
0x6b: {  	_ =	shalt  }
0x6c: {  	_ =	shalt  }
0x6d: {  	_ =	shalt  }
0x6e: {  	_ =	shalt  }
0x6f: {  	_ =	shalt  }
0x70: {  	_ =	shalt  }
0x71: {  	_ =	shalt  }
0x72: {  	_ =	shalt  }
0x73: {  	_ =	shalt  }
0x74: {  	_ =	shalt  }
0x75: {  	_ =	shalt  }
0x76: {  	_ =	shalt  }
0x77: {  	_ =	shalt  }
0x78: {  	_ =	shalt  }
0x79: {  	_ =	shalt  }
0x7a: {  	_ =	shalt  }
0x7b: {  	_ =	shalt  }
0x7c: {  	_ =	shalt  }
0x7d: {  	_ =	shalt  }
0x7e: {  	_ =	shalt  }
0x7f: {  	_ =	shalt  }
0x80: {  	_ =	shalt  }
0x81: {  	_ =	shalt  }
0x82: {  	_ =	shalt  }
0x83: {  	_ =	shalt  }
0x84: {  	_ =	shalt  }
0x85: {  	_ =	shalt  }
0x86: {  	_ =	shalt  }
0x87: {  	_ =	shalt  }
.Lfunc_end0:
.L_simem_size_0:
called_computation.1_lowered:
.L_overlay_start_0:
0x88: {  	s2 =	sld [smem:$0x3FD9]  }
0x89: {  	s3 =	sld [smem:$0x3FFE];
	_ =	sdelay $0x1  }
0x8a: {  	s1 =	srdreg.scid  }
0x8b: {  	s0 =	sand.u32 $0x1, s1  }
0x8c: {  	s16 =	sshll.u32 s0, $0xA;
	s2 =	sadd.s32 s3, s2  }
0x8d: {  	s2 =	sadd.s32 s2, s16  }
0x8e: {  	[smem:$0x3FBD] =	sst s2  }
0x8f: {  	_ = 	snop  }
0x90: {  	(tm) =	ssettm $0x1  }
0x91: {  	s17 =	sld [smem:$0x3FFB];
	_ =	sdelay $0x3  }
0x92: {  	_ =	strace s17  }
0x93: {  	s2 =	sld [smem:$0x3FFC];
	_ =	sdelay $0x3  }
0x94: {  	_ =	strace s2  }
0x95: {  	s2 =	sld [smem:$0x3FFD];
	_ =	sdelay $0x3  }
0x96: {  	_ =	strace s2  }
0x97: {  	_ =	strace $0x8FFFFFFF  }
0x98: {  	s18 =	sld [smem:$0x3FDB];
	_ =	sdelay $0x1  }
0x99: {  	s19 =	simm.s32 $_scs_section_size  }
0x9a: {  	s4 =	simm.s32 $_size__tile_overlayer_lowered;
	s5 =	simm.s32 $_tile_overlayer_lowered  }
0x9b: {  	s22 =	simm.s32 $0x1BFF;
	s21 =	sshll.u32 s5, $0x1;
	s2 =	sadd.s32 s19, s18  }
0x9c: {  	s6 =	simm.s32 $0x0;
	s20 =	sshll.u32 s4, $0x1;
	s4 =	sadd.s32 s21, s2  }
0x9d: {  	[timem:s6], [sflag:s22] =	dma.local [hbm:s4], s20  }
0x9e: {  	_ =	swait.ge [sflag:s22], s20  }
0x9f: {  	s3 =	ssub.s32 $0x0, s20;
	[sflag:s22] =	ssyncset.done $0x0  }
0xa0: {  	[sflag:s22] =	ssyncadd.s32 s3;
	_ =	sdelay $0x1  }
0xa1: {  	s23 =	simm.s32 $0x1B8B  }
0xa2: {  	_ =	swait.ge [sflag:s23], $0x1  }
0xa3: {  	[sflag:s23] =	ssyncset.done $0x0  }
0xa4: {  	s25 =	simm.s32 $0x1B8E;
	s24 =	sld [smem:$0x3FFE];
	[sflag:s23] =	ssyncadd.s32 $0xFFFFFFFF  }
0xa5: {  	s26 =	simm.s32 $execute0_lowered;
	[smem:$0x3FD2] =	sst s25  }
0xa6: {  	s4 =	sshll.u32 s26, $0x1;
	_ =	strace $0x80000049;
	[dreg:$0x1] =	wrdreg $0xFFFFFFFF  }
0xa7: {  	s28 =	simm.s32 $_size_execute0_lowered;
	s2 =	sadd.s32 s2, s4;
	[dreg:$0x0] =	wrdreg $0x0  }
0xa8: {  	s4 =	sshll.u32 s28, $0x1;
	[dreg:$0x2] =	wrdreg s2  }
0xa9: {  	[dreg:$0x3] =	wrdreg s4  }
0xaa: {  	[dreg:$0x4] =	wrdreg $0xC0  }
0xab: {  	_ =	task [dreg:s6], $0x5FFFF  }
0xac: {  	[dreg:$0x1] =	wrdreg $0xFFFFFFFF  }
0xad: {  	[dreg:$0x0] =	wrdreg $0x60  }
0xae: {  	[dreg:$0x2] =	wrdreg s24  }
0xaf: {  	[dreg:$0x3] =	wrdreg $0x48000  }
0xb0: {  	[dreg:$0x4] =	wrdreg $0x9  }
0xb1: {  	_ =	task.clear_ibuf [dreg:s6], $0x5FFFF;
	_ =	strace $0x90000049  }
0xb2: {  	s29 =	simm.s32 $0x9;
	_ =	strace $0x8000004B  }
0xb3: {  	_ =	swait.ge [sflag:s29], $0x1  }
0xb4: {  	[sflag:s29] =	ssyncadd.s32 $0xFFFFFFFF  }
0xb5: {  	_ =	strace $0x9000004B  }
0xb6: {  	_ =	sfence  }
0xb7: {  	s30 =	sld [smem:$0x0];
	_ =	sdelay $0x2  }
0xb8: {  	s31 =	sshll.u32 s1, $0xD;
	s1 =	sshrl.u32 s1, $0x2  }
0xb9: {  	s3 =	sand.u32 $0x4000, s31;
	s1 =	sadd.s32 s1, s30  }
0xba: {  	s0 =	sor.u32 s3, s0;
	s1 =	sshll.u32 s1, $0x11  }
0xbb: {  	s0 =	sor.u32 s1, s0  }
0xbc: {  	s0 =	sadd.s32 $0x8F2B, s0  }
0xbd: {  	[sflag:s0] =	ssyncadd.remote.s32 $0x1  }
0xbe: {  	_ =	sfence.sel $0xFFFF  }
0xbf: {  	[dreg:$0x0] =	wrdreg $0xFFFFFFFF;
	(pc) =	sbr.abs _section_cstart, $3  }
0xc0: {  	[dreg:$0x1] =	wrdreg $0xFFFFFFFF  }
0xc1: {  	_ =	task.clear_ibuf [dreg:s6], $0x2FFFF;
	_ =	strace $0x9FFFFFFF  }
0xc2: {  	(tm) =	ssettm $0x7FFFFFFF  }
0xc3: {  	_ =	shalt  }
tec
execute0_lowered:
.L_overlay_start_1:
0x0: {  	(tag) =	ssettag $0x1  }
0x1: {  	s0 =	rddreg [dreg:$0x0]  }
0x2: {  	s2 =	rddreg [dreg:$0x1];
	s3 =	simm.s32 $0x0  }
0x3: {  	s4 =	stileid.u32;
	s1 =	srdreg.scid;
	s13 =	simm.s32 $0x3  }
0x4: {  	s14 =	simm.s32 $0x200;
	s19 =	simm.s32 $0x480;
	s15 =	simm.s32 $0x80  }
0x5: {  	s20 =	simm.s32 $0x500;
	s21 =	simm.s32 $0x580;
	s22 =	simm.s32 $0x280  }
0x6: {  	s23 =	simm.s32 $0x300;
	[smem:$0x7FF] =	sst s3;
	s1 =	sand.u32 $0x1, s1  }
0x7: {  	s24 =	simm.s32 $0x380;
	_ =	strace $0x8000004A;
	[dreg:$0xc] =	wrdreg s1  }
0x8: {  	s25 =	simm.s32 $0x680;
	s26 =	simm.s32 $0x700;
	[dreg:$0x3] =	wrdreg s19  }
0x9: {  	s31 =	simm.s32 $0x780;
	s28 =	simm.s32 $0x3800;
	[dreg:$0x4] =	wrdreg s20  }
0xa: {  	s29 =	simm.s32 $0x4000;
	s7 =	smul.u32 $0x3100, s4;
	[dreg:$0x5] =	wrdreg s21  }
0xb: {  	s30 =	simm.s32 $0x2;
	s10 =	smul.u32 $0x18800, s4;
	[dreg:$0x6] =	wrdreg s22  }
0xc: {  	s6 =	sadd.s32 $0x6A200, s0;
	s18 =	sshll.u32 s4, $0x6;
	[dreg:$0x7] =	wrdreg s23  }
0xd: {  	s1 =	ssub.s32 $0x2, s1;
	s11 =	sor.u32 $0x1C03, s18;
	[dreg:$0x8] =	wrdreg s24  }
0xe: {  	s19 =	simm.s32 $0x1800;
	s21 =	simm.s32 $0x2000;
	[dreg:$0x9] =	wrdreg s25  }
0xf: {  	s22 =	simm.s32 $0x1;
	[dreg:$0xa] =	wrdreg s26;
	s23 =	simm.s32 $0x400  }
0x10: {  	s24 =	simm.s32 $0x600;
	[dreg:$0xb] =	wrdreg s31;
	s25 =	simm.s32 $0x2800  }
0x11: {  	s26 =	simm.s32 $0x3000;
	s9 =	sadd.s32 s7, s0;
	s8 =	sshrl.u32 s1, $0x1  }
0x12: {  	s7 =	sadd.s32 $0x12E200, s0;
	s5 =	smov.u32 s10;
	s17 =	sadd.s32 s10, s2  }
0x13: {  	s16 =	ssub.s32 s1, s8;
	s8 =	sadd.s32 $0x2000, s9;
	s9 =	sadd.s32 $0x33000, s9  }
0x14: {  	s12 =	sshrl.u32 s17, $0x3;
	s17 =	simm.s32 $0x1000;
	s0 =	smax.u32 s16, $0x1  }
0x15: {  	s1 =	simm.s32 $0x0;
	s16 =	simm.s32 $0x800;
	[dreg:$0xd] =	wrdreg s0  }
.LBB2_1:
0x16: {  	[dreg:$0xe] =	wrdreg s1;
	p1 =	por $0x1, $0x1;
	s0 =	simm.s32 $0x0  }
.LBB2_2:
0x17: {  	s1 =	rddreg [dreg:$0xc]  }
0x18: {  	s0 =	sor.u32 s1, s0  }
0x19: {  	s1 =	smul.u32 $0x188000, s0;
	_ =	sdelay $0x1  }
0x1a: {  	s0 =	sadd.s32 s5, s1  }
0x1b: {  	s0 =	sshrl.u32 s0, $0x3  }
0x1c: {  	s10 =	sadd.s32 s6, s0  }
0x1d: {  	[spmem:s12], [sflag:s11] =	dma.local [hbm:s10], $0x3100  }
0x1e: {  	_ =	swait.ge [sflag:s13], $0x3100  }
0x1f: {  	[sflag:s13] =	ssyncset.done $0x0  }
0x20: {  	[sflag:s13] =	ssyncadd.s32 $0xFFFFCF00  }
0x21: {  	s4 =	simm.s32 $0x0;
	[bflag:$0x0] =	sbarrier.arrive $0xFFFF  }
0x22: {  	[tilespmem:s4], [sflag:$0x3] =	stream.linear.gather [hbm4b:s8+s4], $0x200, $0x38;
	[tilespmem:$0x1D000] =	vst v63  }
0x23: {  	_ =	swait.ge [sflag:s13], $0x200  }
0x24: {  	[sflag:s13] =	ssyncset.done $0x0  }
0x25: {  	[sflag:s13] =	ssyncadd.s32 $0xFFFFFE00  }
0x26: {  	[tilespmem:s14], [sflag:$0x3] =	stream.linear.gather [hbm4b:s9+s4], $0x200, $0x38;
	[tilespmem:$0x1D000] =	vst v63  }
0x27: {  	_ =	swait.ge [sflag:s13], $0x200  }
0x28: {  	s1 =	sshrl.u32 s1, $0x3;
	[sflag:s13] =	ssyncset.done $0x0  }
0x29: {  	s1 =	sadd.s32 s6, s1;
	[sflag:s13] =	ssyncadd.s32 $0xFFFFFE00  }
0x2a: {  	[tilespmem:s16], [sflag:$0x1] =	stream.indirect.gather [hbm4b:s1+s15], $0x10, s4, s15, $0xb8;
	[tilespmem:$0x1D000] =	vst v63  }
0x2b: {  	_ = 	snop  }
0x2c: {  	[tilespmem:s17], [sflag:$0x1] =	stream.indirect.gather [hbm4b:s1+s15], $0x10, s15, s15, $0xb8;
	[tilespmem:$0x1D000] =	vst v63  }
0x2d: {  	s4 =	simm.s32 $0x100  }
0x2e: {  	[tilespmem:s19], [sflag:$0x1] =	stream.indirect.gather [hbm4b:s1+s15], $0x10, s4, s15, $0xb8;
	[tilespmem:$0x1D000] =	vst v63  }
0x2f: {  	s18 =	simm.s32 $0x180  }
0x30: {  	[tilespmem:s21], [sflag:$0x1] =	stream.indirect.gather [hbm4b:s1+s15], $0x10, s18, s15, $0xb8;
	[tilespmem:$0x1D000] =	vst v63  }
0x31: {  	_ =	swait.ge [sflag:s22], $0x800  }
0x32: {  	[sflag:s22] =	ssyncset.done $0x0  }
0x33: {  	[sflag:s22] =	ssyncadd.s32 $0xFFFFF800  }
0x34: {  	_ =	swait.ge [sflag:s22], $0x800  }
0x35: {  	[sflag:s22] =	ssyncset.done $0x0  }
0x36: {  	[sflag:s22] =	ssyncadd.s32 $0xFFFFF800  }
0x37: {  	_ =	swait.ge [sflag:s22], $0x800  }
0x38: {  	[sflag:s22] =	ssyncset.done $0x0  }
0x39: {  	[sflag:s22] =	ssyncadd.s32 $0xFFFFF800  }
0x3a: {  	_ =	swait.ge [sflag:s22], $0x800  }
0x3b: {  	s20 =	sadd.s32 $0x0, s8;
	[sflag:s22] =	ssyncset.done $0x0  }
0x3c: {  	s10 =	sadd.s32 $0x40, s20;
	[sflag:s22] =	ssyncadd.s32 $0xFFFFF800  }
0x3d: {  	[tilespmem:s23], [sflag:$0x3] =	stream.linear.gather [hbm4b:s10+s3], $0x200, $0x38;
	[tilespmem:$0x1D000] =	vst v63  }
0x3e: {  	_ =	swait.ge [sflag:s13], $0x200  }
0x3f: {  	s31 =	sadd.s32 $0x0, s9;
	[sflag:s13] =	ssyncset.done $0x0  }
0x40: {  	s10 =	sadd.s32 $0x40, s31;
	[sflag:s13] =	ssyncadd.s32 $0xFFFFFE00  }
0x41: {  	[tilespmem:s24], [sflag:$0x3] =	stream.linear.gather [hbm4b:s10+s3], $0x200, $0x38;
	[tilespmem:$0x1D000] =	vst v63  }
0x42: {  	_ =	swait.ge [sflag:s13], $0x200  }
0x43: {  	[sflag:s13] =	ssyncset.done $0x0  }
0x44: {  	[sflag:s13] =	ssyncadd.s32 $0xFFFFFE00  }
0x45: {  	[tilespmem:s25], [sflag:$0x2] =	stream.indirect.gather [hbm4b:s1+s15], $0x10, s23, s15, $0xb8;
	[tilespmem:$0x1D000] =	vst v63  }
0x46: {  	s4 =	rddreg [dreg:$0x3]  }
0x47: {  	[tilespmem:s26], [sflag:$0x2] =	stream.indirect.gather [hbm4b:s1+s15], $0x10, s4, s15, $0xb8;
	[tilespmem:$0x1D000] =	vst v63  }
0x48: {  	s31 =	rddreg [dreg:$0x4]  }
0x49: {  	[tilespmem:s28], [sflag:$0x2] =	stream.indirect.gather [hbm4b:s1+s15], $0x10, s31, s15, $0xb8;
	[tilespmem:$0x1D000] =	vst v63  }
0x4a: {  	s18 =	rddreg [dreg:$0x5]  }
0x4b: {  	[tilespmem:s29], [sflag:$0x2] =	stream.indirect.gather [hbm4b:s1+s15], $0x10, s18, s15, $0xb8;
	[tilespmem:$0x1D000] =	vst v63  }
0x4c: {  	_ = 	snop  }
0x4d: {  	[spmem:s2] =	stream.indirect.scatter.add.f32 [tilespmem:s16], [sflag:$0x3], $0x10, s14, s15, $0xb8;
	[tilespmem:$0x1D000] =	vst v63  }
0x4e: {  	_ =	swait.ge [sflag:s13], $0x800  }
0x4f: {  	[sflag:s13] =	ssyncset.done $0x0  }
0x50: {  	s20 =	rddreg [dreg:$0x6];
	[sflag:s13] =	ssyncadd.s32 $0xFFFFF800  }
0x51: {  	[spmem:s2] =	stream.indirect.scatter.add.f32 [tilespmem:s17], [sflag:$0x3], $0x10, s20, s15, $0xb8;
	[tilespmem:$0x1D000] =	vst v63  }
0x52: {  	_ =	swait.ge [sflag:s13], $0x800  }
0x53: {  	[sflag:s13] =	ssyncset.done $0x0  }
0x54: {  	s31 =	rddreg [dreg:$0x7];
	[sflag:s13] =	ssyncadd.s32 $0xFFFFF800  }
0x55: {  	[spmem:s2] =	stream.indirect.scatter.add.f32 [tilespmem:s19], [sflag:$0x3], $0x10, s31, s15, $0xb8;
	[tilespmem:$0x1D000] =	vst v63  }
0x56: {  	_ =	swait.ge [sflag:s13], $0x800  }
0x57: {  	[sflag:s13] =	ssyncset.done $0x0  }
0x58: {  	s4 =	rddreg [dreg:$0x8];
	[sflag:s13] =	ssyncadd.s32 $0xFFFFF800  }
0x59: {  	[spmem:s2] =	stream.indirect.scatter.add.f32 [tilespmem:s21], [sflag:$0x3], $0x10, s4, s15, $0xb8;
	[tilespmem:$0x1D000] =	vst v63  }
0x5a: {  	_ =	swait.ge [sflag:s13], $0x800  }
0x5b: {  	[sflag:s13] =	ssyncset.done $0x0  }
0x5c: {  	[sflag:s13] =	ssyncadd.s32 $0xFFFFF800  }
0x5d: {  	_ =	swait.ge [sflag:s30], $0x800  }
0x5e: {  	[sflag:s30] =	ssyncset.done $0x0  }
0x5f: {  	[sflag:s30] =	ssyncadd.s32 $0xFFFFF800  }
0x60: {  	_ =	swait.ge [sflag:s30], $0x800  }
0x61: {  	[sflag:s30] =	ssyncset.done $0x0  }
0x62: {  	[sflag:s30] =	ssyncadd.s32 $0xFFFFF800  }
0x63: {  	_ =	swait.ge [sflag:s30], $0x800  }
0x64: {  	[sflag:s30] =	ssyncset.done $0x0  }
0x65: {  	p0 =	por $0x0, $0x0;
	[sflag:s30] =	ssyncadd.s32 $0xFFFFF800  }
0x66: {  	s10 =	sadd.s32 @!p0 $0x0, s8;
	_ =	swait.ge [sflag:s30], $0x800  }
0x67: {  	s10 =	sadd.s32 @!p0 $0x80, s10;
	[sflag:s30] =	ssyncset.done $0x0  }
0x68: {  	s18 =	simm.s32 @!p0 $0x0;
	s31 =	simm.s32 @!p0 $0x3;
	[sflag:s30] =	ssyncadd.s32 $0xFFFFF800  }
0x69: {  	[tilespmem:s18], [sflag:$0x3] =	stream.linear.gather @!p0 [hbm4b:s10+s18], $0x200, $0x38;
	[tilespmem:$0x1D000] =	vst v63  }
0x6a: {  	_ =	swait.ge @!p0 [sflag:s31], $0x200  }
0x6b: {  	s10 =	sadd.s32 @!p0 $0x0, s9;
	[sflag:s31] =	ssyncset.done @!p0 $0x0  }
0x6c: {  	s20 =	simm.s32 @!p0 $0x200;
	s10 =	sadd.s32 @!p0 $0x80, s10;
	[sflag:s31] =	ssyncadd.s32 @!p0 $0xFFFFFE00  }
0x6d: {  	[tilespmem:s20], [sflag:$0x3] =	stream.linear.gather @!p0 [hbm4b:s10+s18], $0x200, $0x38;
	[tilespmem:$0x1D000] =	vst v63  }
0x6e: {  	_ =	swait.ge @!p0 [sflag:s31], $0x200  }
0x6f: {  	[sflag:s31] =	ssyncset.done @!p0 $0x0  }
0x70: {  	s10 =	simm.s32 @!p0 $0x80;
	s20 =	simm.s32 @!p0 $0x800;
	[sflag:s31] =	ssyncadd.s32 @!p0 $0xFFFFFE00  }
0x71: {  	[tilespmem:s20], [sflag:$0x1] =	stream.indirect.gather @!p0 [hbm4b:s1+s10], $0x10, s18, s10, $0xb8;
	[tilespmem:$0x1D000] =	vst v63  }
0x72: {  	s18 =	simm.s32 @!p0 $0x1000  }
0x73: {  	[tilespmem:s18], [sflag:$0x1] =	stream.indirect.gather @!p0 [hbm4b:s1+s10], $0x10, s10, s10, $0xb8;
	[tilespmem:$0x1D000] =	vst v63  }
0x74: {  	s20 =	simm.s32 @!p0 $0x1800;
	s18 =	simm.s32 @!p0 $0x100  }
0x75: {  	[tilespmem:s20], [sflag:$0x1] =	stream.indirect.gather @!p0 [hbm4b:s1+s10], $0x10, s18, s10, $0xb8;
	[tilespmem:$0x1D000] =	vst v63  }
0x76: {  	s18 =	simm.s32 @!p0 $0x180;
	s20 =	simm.s32 @!p0 $0x2000  }
0x77: {  	[tilespmem:s20], [sflag:$0x1] =	stream.indirect.gather @!p0 [hbm4b:s1+s10], $0x10, s18, s10, $0xb8;
	[tilespmem:$0x1D000] =	vst v63  }
0x78: {  	_ = 	snop  }
0x79: {  	[spmem:s2] =	stream.indirect.scatter.add.f32 [tilespmem:s25], [sflag:$0x3], $0x10, s24, s15, $0xb8;
	[tilespmem:$0x1D000] =	vst v63  }
0x7a: {  	_ =	swait.ge [sflag:s13], $0x800  }
0x7b: {  	[sflag:s13] =	ssyncset.done $0x0  }
0x7c: {  	s18 =	rddreg [dreg:$0x9];
	[sflag:s13] =	ssyncadd.s32 $0xFFFFF800  }
0x7d: {  	[spmem:s2] =	stream.indirect.scatter.add.f32 [tilespmem:s26], [sflag:$0x3], $0x10, s18, s15, $0xb8;
	[tilespmem:$0x1D000] =	vst v63  }
0x7e: {  	_ =	swait.ge [sflag:s13], $0x800  }
0x7f: {  	[sflag:s13] =	ssyncset.done $0x0  }
0x80: {  	s20 =	rddreg [dreg:$0xa];
	[sflag:s13] =	ssyncadd.s32 $0xFFFFF800  }
0x81: {  	[spmem:s2] =	stream.indirect.scatter.add.f32 [tilespmem:s28], [sflag:$0x3], $0x10, s20, s15, $0xb8;
	[tilespmem:$0x1D000] =	vst v63  }
0x82: {  	_ =	swait.ge [sflag:s13], $0x800  }
0x83: {  	[sflag:s13] =	ssyncset.done $0x0  }
0x84: {  	s31 =	rddreg [dreg:$0xb];
	[sflag:s13] =	ssyncadd.s32 $0xFFFFF800  }
0x85: {  	[spmem:s2] =	stream.indirect.scatter.add.f32 [tilespmem:s29], [sflag:$0x3], $0x10, s31, s15, $0xb8;
	[tilespmem:$0x1D000] =	vst v63  }
0x86: {  	_ =	swait.ge [sflag:s13], $0x800  }
0x87: {  	p0 =	por p1, p1;
	s10 =	simm.s32 $0x80;
	[sflag:s13] =	ssyncset.done $0x0  }
.LBB2_3:
0x88: {  	[sflag:s13] =	ssyncadd.s32 $0xFFFFF800  }
0x89: {  	_ =	swait.ge [sflag:s22], $0x800  }
0x8a: {  	[sflag:s22] =	ssyncset.done $0x0  }
0x8b: {  	[sflag:s22] =	ssyncadd.s32 $0xFFFFF800  }
0x8c: {  	_ =	swait.ge [sflag:s22], $0x800  }
0x8d: {  	[sflag:s22] =	ssyncset.done $0x0  }
0x8e: {  	[sflag:s22] =	ssyncadd.s32 $0xFFFFF800  }
0x8f: {  	_ =	swait.ge [sflag:s22], $0x800  }
0x90: {  	[sflag:s22] =	ssyncset.done $0x0  }
0x91: {  	[sflag:s22] =	ssyncadd.s32 $0xFFFFF800  }
0x92: {  	s31 =	smov.u32 s10;
	_ =	swait.ge [sflag:s22], $0x800  }
0x93: {  	s18 =	sadd.s32 s31, s8;
	[sflag:s22] =	ssyncset.done $0x0  }
0x94: {  	s18 =	sadd.s32 $0x40, s18;
	[sflag:s22] =	ssyncadd.s32 $0xFFFFF800  }
0x95: {  	[tilespmem:s23], [sflag:$0x3] =	stream.linear.gather [hbm4b:s18+s3], $0x200, $0x38;
	[tilespmem:$0x1D000] =	vst v63  }
0x96: {  	_ =	swait.ge [sflag:s13], $0x200  }
0x97: {  	s20 =	sadd.s32 s31, s9;
	[sflag:s13] =	ssyncset.done $0x0  }
0x98: {  	s18 =	sadd.s32 $0x40, s20;
	[sflag:s13] =	ssyncadd.s32 $0xFFFFFE00  }
0x99: {  	[tilespmem:s24], [sflag:$0x3] =	stream.linear.gather [hbm4b:s18+s3], $0x200, $0x38;
	[tilespmem:$0x1D000] =	vst v63  }
0x9a: {  	_ =	swait.ge [sflag:s13], $0x200  }
0x9b: {  	[sflag:s13] =	ssyncset.done $0x0  }
0x9c: {  	[sflag:s13] =	ssyncadd.s32 $0xFFFFFE00  }
0x9d: {  	[tilespmem:s25], [sflag:$0x2] =	stream.indirect.gather [hbm4b:s1+s15], $0x10, s23, s15, $0xb8;
	[tilespmem:$0x1D000] =	vst v63  }
0x9e: {  	s4 =	rddreg [dreg:$0x3]  }
0x9f: {  	[tilespmem:s26], [sflag:$0x2] =	stream.indirect.gather [hbm4b:s1+s15], $0x10, s4, s15, $0xb8;
	[tilespmem:$0x1D000] =	vst v63  }
0xa0: {  	s20 =	rddreg [dreg:$0x4]  }
0xa1: {  	[tilespmem:s28], [sflag:$0x2] =	stream.indirect.gather [hbm4b:s1+s15], $0x10, s20, s15, $0xb8;
	[tilespmem:$0x1D000] =	vst v63  }
0xa2: {  	s4 =	rddreg [dreg:$0x5]  }
0xa3: {  	[tilespmem:s29], [sflag:$0x2] =	stream.indirect.gather [hbm4b:s1+s15], $0x10, s4, s15, $0xb8;
	[tilespmem:$0x1D000] =	vst v63  }
0xa4: {  	_ = 	snop  }
0xa5: {  	[spmem:s2] =	stream.indirect.scatter.add.f32 [tilespmem:s16], [sflag:$0x3], $0x10, s14, s15, $0xb8;
	[tilespmem:$0x1D000] =	vst v63  }
0xa6: {  	_ =	swait.ge [sflag:s13], $0x800  }
0xa7: {  	[sflag:s13] =	ssyncset.done $0x0  }
0xa8: {  	s4 =	rddreg [dreg:$0x6];
	[sflag:s13] =	ssyncadd.s32 $0xFFFFF800  }
0xa9: {  	[spmem:s2] =	stream.indirect.scatter.add.f32 [tilespmem:s17], [sflag:$0x3], $0x10, s4, s15, $0xb8;
	[tilespmem:$0x1D000] =	vst v63  }
0xaa: {  	_ =	swait.ge [sflag:s13], $0x800  }
0xab: {  	[sflag:s13] =	ssyncset.done $0x0  }
0xac: {  	s20 =	rddreg [dreg:$0x7];
	[sflag:s13] =	ssyncadd.s32 $0xFFFFF800  }
0xad: {  	[spmem:s2] =	stream.indirect.scatter.add.f32 [tilespmem:s19], [sflag:$0x3], $0x10, s20, s15, $0xb8;
	[tilespmem:$0x1D000] =	vst v63  }
0xae: {  	_ =	swait.ge [sflag:s13], $0x800  }
0xaf: {  	[sflag:s13] =	ssyncset.done $0x0  }
0xb0: {  	s4 =	rddreg [dreg:$0x8];
	[sflag:s13] =	ssyncadd.s32 $0xFFFFF800  }
0xb1: {  	[spmem:s2] =	stream.indirect.scatter.add.f32 [tilespmem:s21], [sflag:$0x3], $0x10, s4, s15, $0xb8;
	[tilespmem:$0x1D000] =	vst v63  }
0xb2: {  	_ =	swait.ge [sflag:s13], $0x800  }
0xb3: {  	[sflag:s13] =	ssyncset.done $0x0  }
0xb4: {  	[sflag:s13] =	ssyncadd.s32 $0xFFFFF800  }
0xb5: {  	_ =	swait.ge [sflag:s30], $0x800  }
0xb6: {  	[sflag:s30] =	ssyncset.done $0x0  }
0xb7: {  	[sflag:s30] =	ssyncadd.s32 $0xFFFFF800  }
0xb8: {  	_ =	swait.ge [sflag:s30], $0x800  }
0xb9: {  	[sflag:s30] =	ssyncset.done $0x0  }
0xba: {  	[sflag:s30] =	ssyncadd.s32 $0xFFFFF800  }
0xbb: {  	_ =	swait.ge [sflag:s30], $0x800  }
0xbc: {  	[sflag:s30] =	ssyncset.done $0x0  }
0xbd: {  	p2 =	seq.s32 s31, $0x3080;
	[sflag:s30] =	ssyncadd.s32 $0xFFFFF800  }
0xbe: {  	s18 =	sadd.s32 @!p2 s31, s8;
	_ =	swait.ge [sflag:s30], $0x800  }
0xbf: {  	s18 =	sadd.s32 @!p2 $0x80, s18;
	[sflag:s30] =	ssyncset.done $0x0  }
0xc0: {  	s20 =	simm.s32 @!p2 $0x3;
	s4 =	simm.s32 @!p2 $0x0;
	[sflag:s30] =	ssyncadd.s32 $0xFFFFF800  }
0xc1: {  	[tilespmem:s4], [sflag:$0x3] =	stream.linear.gather @!p2 [hbm4b:s18+s4], $0x200, $0x38;
	[tilespmem:$0x1D000] =	vst v63  }
0xc2: {  	_ =	swait.ge @!p2 [sflag:s20], $0x200  }
0xc3: {  	s18 =	sadd.s32 @!p2 s31, s9;
	[sflag:s20] =	ssyncset.done @!p2 $0x0  }
0xc4: {  	s31 =	simm.s32 @!p2 $0x200;
	s18 =	sadd.s32 @!p2 $0x80, s18;
	[sflag:s20] =	ssyncadd.s32 @!p2 $0xFFFFFE00  }
0xc5: {  	[tilespmem:s31], [sflag:$0x3] =	stream.linear.gather @!p2 [hbm4b:s18+s4], $0x200, $0x38;
	[tilespmem:$0x1D000] =	vst v63  }
0xc6: {  	_ =	swait.ge @!p2 [sflag:s20], $0x200  }
0xc7: {  	[sflag:s20] =	ssyncset.done @!p2 $0x0  }
0xc8: {  	s18 =	simm.s32 @!p2 $0x80;
	[sflag:s20] =	ssyncadd.s32 @!p2 $0xFFFFFE00;
	s20 =	simm.s32 @!p2 $0x800  }
0xc9: {  	[tilespmem:s20], [sflag:$0x1] =	stream.indirect.gather @!p2 [hbm4b:s1+s18], $0x10, s4, s18, $0xb8;
	[tilespmem:$0x1D000] =	vst v63  }
0xca: {  	s4 =	simm.s32 @!p2 $0x1000  }
0xcb: {  	[tilespmem:s4], [sflag:$0x1] =	stream.indirect.gather @!p2 [hbm4b:s1+s18], $0x10, s18, s18, $0xb8;
	[tilespmem:$0x1D000] =	vst v63  }
0xcc: {  	s20 =	simm.s32 @!p2 $0x1800;
	s4 =	simm.s32 @!p2 $0x100  }
0xcd: {  	[tilespmem:s20], [sflag:$0x1] =	stream.indirect.gather @!p2 [hbm4b:s1+s18], $0x10, s4, s18, $0xb8;
	[tilespmem:$0x1D000] =	vst v63  }
0xce: {  	s4 =	simm.s32 @!p2 $0x180;
	s20 =	simm.s32 @!p2 $0x2000  }
0xcf: {  	[tilespmem:s20], [sflag:$0x1] =	stream.indirect.gather @!p2 [hbm4b:s1+s18], $0x10, s4, s18, $0xb8;
	[tilespmem:$0x1D000] =	vst v63  }
0xd0: {  	_ = 	snop  }
0xd1: {  	[spmem:s2] =	stream.indirect.scatter.add.f32 [tilespmem:s25], [sflag:$0x3], $0x10, s24, s15, $0xb8;
	[tilespmem:$0x1D000] =	vst v63  }
0xd2: {  	_ =	swait.ge [sflag:s13], $0x800  }
0xd3: {  	[sflag:s13] =	ssyncset.done $0x0  }
0xd4: {  	s18 =	rddreg [dreg:$0x9];
	[sflag:s13] =	ssyncadd.s32 $0xFFFFF800  }
0xd5: {  	[spmem:s2] =	stream.indirect.scatter.add.f32 [tilespmem:s26], [sflag:$0x3], $0x10, s18, s15, $0xb8;
	[tilespmem:$0x1D000] =	vst v63  }
0xd6: {  	_ =	swait.ge [sflag:s13], $0x800  }
0xd7: {  	[sflag:s13] =	ssyncset.done $0x0  }
0xd8: {  	s10 =	sadd.s32 $0x80, s10;
	s20 =	rddreg [dreg:$0xa];
	[sflag:s13] =	ssyncadd.s32 $0xFFFFF800  }
0xd9: {  	[spmem:s2] =	stream.indirect.scatter.add.f32 [tilespmem:s28], [sflag:$0x3], $0x10, s20, s15, $0xb8;
	[tilespmem:$0x1D000] =	vst v63  }
0xda: {  	p1 =	sne.s32 s10, $0x3100;
	_ =	swait.ge [sflag:s13], $0x800  }
.Ltmp0:
0xdb: {  	[sflag:s13] =	ssyncset.done $0x0;
	(pc) =	sbr.rel @p1 .LBB2_3-.Ltmp0, $4  }
0xdc: {  	s31 =	rddreg [dreg:$0xb];
	[sflag:s13] =	ssyncadd.s32 $0xFFFFF800  }
0xdd: {  	[spmem:s2] =	stream.indirect.scatter.add.f32 [tilespmem:s29], [sflag:$0x3], $0x10, s31, s15, $0xb8;
	[tilespmem:$0x1D000] =	vst v63  }
0xde: {  	_ =	swait.ge [sflag:s13], $0x800  }
0xdf: {  	[sflag:s13] =	ssyncset.done $0x0  }
0xe0: {  	[sflag:s13] =	ssyncadd.s32 $0xFFFFF800  }
0xe1: {  	s0 =	sadd.s32 s7, s0;
	[bflag:$0x0] =	sbarrier.arrive $0xFFFF  }
0xe2: {  	[hbm:s0], [sflag:s11] =	dma.local [spmem:s12], $0x3100  }
.Ltmp1:
0xe3: {  	_ =	swait.ge [sflag:s13], $0x3100;
	(pc) =	sbr.rel @p0 .LBB2_2-.Ltmp1, $4  }
0xe4: {  	[sflag:s13] =	ssyncset.done $0x0  }
0xe5: {  	[sflag:s13] =	ssyncadd.s32 $0xFFFFCF00  }
0xe6: {  	[bflag:$0x0] =	sbarrier.arrive $0xFFFF  }
0xe7: {  	p1 =	por $0x0, $0x0;
	s0 =	simm.s32 $0x2  }
0xe8: {  	s1 =	rddreg [dreg:$0xe]  }
0xe9: {  	s0 =	rddreg [dreg:$0xd];
	s1 =	sadd.s32 $0x1, s1  }
0xea: {  	p0 =	sne.s32 s1, s0  }
.Ltmp2:
0xeb: {  	_ = 	snop;
	(pc) =	sbr.rel @p0 .LBB2_1-.Ltmp2, $1  }
0xec: {  	_ =	sdelay $0x3  }
0xed: {  	_ =	sfence.sel $0x180000  }
0xee: {  	[bflag:$0x0] =	sbarrier.arrive $0xFFFF  }
0xef: {  	_ =	strace $0x9000004A  }
0xf0: {  	s0 =	stileid.u32;
	[bflag:$0x2] =	sbarrier.arrive $0xFFFF  }
0xf1: {  	p0 =	sne.s32 s0, $0x0;
	s0 =	rddreg [dreg:$0x2]  }
0xf2: {  	s0 =	sadd.s32 @!p0 $0x100000, s0  }
0xf3: {  	[sflag:s0] =	ssyncadd.tile.s32 @!p0 $0x1;
	_ =	shalt  }
.Lfunc_end2:
_tile_overlayer_lowered:
.L_overlay_start_2:
0xf4: {  	(tag) =	ssettag $0x2  }
0xf5: {  	s0 =	rddreg [dreg:$0x0];
	s2 =	stileid.u32  }
0xf6: {  	s1 =	rddreg [dreg:$0x1];
	p0 =	sne.s32 s2, $0x0  }
0xf7: {  	s3 =	rddreg [dreg:$0x2];
	[bflag:$0x3] =	sbarrier.arrive $0xFFFF;
	s2 =	simm.s32 @!p0 $0x1C03  }
0xf8: {  	[timem:s3], [sflag:s2] =	dma.local @!p0 [hbm:s0], s1  }
0xf9: {  	s0 =	simm.s32 @!p0 $0x3  }
0xfa: {  	_ =	swait.ge @!p0 [sflag:s0], s1  }
0xfb: {  	s1 =	ssub.s32 @!p0 $0x0, s1;
	[sflag:s0] =	ssyncset.done @!p0 $0x0  }
0xfc: {  	[sflag:s0] =	ssyncadd.s32 @!p0 s1  }
0xfd: {  	[bflag:$0x3] =	sbarrier.arrive $0xFFFF  }
0xfe: {  	_ =	shalt  }

// kernel: kernel.14.cloned.1.call-start
scs
__scs_entry_jumppad:
0x0: {  	(pc) =	sbr.rel $0x88, $3  }
0x1: {  	(tag) =	ssettag $0x0;
	lr =	simm.s32 $0x1  }
0x2: {  	[smem:$0x3F96] =	sst lr;
	_ =	strace $0xD0000000  }
0x3: {  	_ = 	snop  }
0x4: {  	_ = 	snop  }
0x5: {  	_ = 	snop  }
0x6: {  	_ = 	snop  }
0x7: {  	_ = 	snop  }
__scs_overlays_trampoline_lowered:
0x8: {  	[smem:$0x3FA5] =	sst s0  }
0x9: {  	[smem:$0x3FA6] =	sst s1  }
0xa: {  	[smem:$0x3FA7] =	sst s2  }
0xb: {  	[smem:$0x3FA8] =	sst s3  }
0xc: {  	[smem:$0x3FA9] =	sst s4  }
0xd: {  	[smem:$0x3FAA] =	sst s5  }
0xe: {  	[smem:$0x3FAB] =	sst s6  }
0xf: {  	[smem:$0x3FAC] =	sst s7  }
0x10: {  	[smem:$0x3FAD] =	sst s8  }
0x11: {  	[smem:$0x3FAE] =	sst s9;
	s0 =	simm.s32 @!p0 $0x0  }
0x12: {  	s1 =	sld [smem:$0x3F94];
	s0 =	simm.s32 @p0 $0x1  }
0x13: {  	[smem:$0x3FAF] =	sst s0;
	s0 =	simm.s32 @!p1 $0x0  }
0x14: {  	s2 =	sld [smem:$0x3F93];
	s0 =	simm.s32 @p1 $0x1  }
0x15: {  	[smem:$0x3FB0] =	sst s0;
	s0 =	simm.s32 @!p2 $0x0  }
0x16: {  	s3 =	sld [smem:$0x3FDB];
	s0 =	simm.s32 @p2 $0x1  }
0x17: {  	s4 =	simm.s32 $0x1BF5;
	[smem:$0x3FB2] =	sst s0  }
0x18: {  	s0 =	sld [smem:$0x3F95];
	_ =	swait.ge [sflag:s4], $0x0  }
0x19: {  	s7 =	sld [smem:$0x3F96]  }
0x1a: {  	s8 =	sadd.s32 $0xFFFFE003, lr  }
0x1b: {  	s9 =	sadd.s32 $0xFFFFFEF7, lr;
	s5 =	simm.s32 $0xFFFFFFFF;
	p2 =	slt.u32 s8, $0xFFFFF086  }
0x1c: {  	p1 =	slt.u32 s9, $0xF7A;
	s5 =	simm.s32 @!p2 $0x0  }
0x1d: {  	s5 =	simm.s32 @p1 $0x1;
	p0 =	seq.s32 s7, s2  }
0x1e: {  	s7 =	smul.u32 @!p0 $0xF7A, s2;
	p2 =	seq.s32 @!p0 s5, $0x0  }
0x1f: {  	s9 =	smul.u32 $0xF7A, s1;
	s8 =	simm.s32 @!p0 $0x1BF5;
	p2 =	por !p2, p0  }
0x20: {  	[sflag:s8] =	ssyncset.s32 @!p0 $0xFFFFF086;
	s6 =	sadd.s32 @!p0 s3, s7;
	s7 =	simm.s32 @!p0 $0x108  }
0x21: {  	s3 =	sadd.s32 s3, s9;
	s6 =	sadd.s32 @!p0 $0x88, s6;
	s7 =	simm.s32 @p2 $0x1082  }
0x22: {  	[simem:s7], [sflag:s8] =	dma.local @!p0 [hbm:s6], $0xF7A  }
0x23: {  	s9 =	sor.u32 $0xD0000000, s2;
	s6 =	simm.s32 $0x108;
	_ =	swait.ge @!p0 [sflag:s8], $0x0  }
0x24: {  	s3 =	sadd.s32 $0x88, s3;
	s6 =	simm.s32 @!p1 $0x1082;
	[sflag:s4] =	ssyncset.s32 $0xFFFFF086  }
0x25: {  	[simem:s6], [sflag:s4] =	dma.local [hbm:s3], $0xF7A  }
0x26: {  	[smem:$0x3F96] =	sst s1;
	(tag) =	ssettag s2;
	_ =	strace s9  }
0x27: {  	s1 =	sld [smem:$0x3FA6]  }
0x28: {  	s2 =	sld [smem:$0x3FA7]  }
0x29: {  	s4 =	sld [smem:$0x3FA9]  }
0x2a: {  	p0 =	seq.s32 s5, $0x0;
	s5 =	sld [smem:$0x3FAA]  }
0x2b: {  	s6 =	sld [smem:$0x3FAB]  }
0x2c: {  	s7 =	sld [smem:$0x3FAC]  }
0x2d: {  	s3 =	simm.s32 $0x108;
	s8 =	sld [smem:$0x3FAD]  }
0x2e: {  	s3 =	simm.s32 @!p0 $0x1082;
	s9 =	sld [smem:$0x3FAE]  }
0x2f: {  	lr =	sadd.s32 s0, s3;
	s0 =	sld [smem:$0x3FA5]  }
0x30: {  	s3 =	sld [smem:$0x3FA8]  }
0x31: {  	[smem:$0x3FB1] =	sst s10  }
0x32: {  	s10 =	sld [smem:$0x3FAF];
	_ =	sdelay $0x3  }
0x33: {  	p0 =	seq.s32 s10, $0x1;
	s10 =	sld [smem:$0x3FB1];
	_ =	sdelay $0x3  }
0x34: {  	[smem:$0x3FB1] =	sst s10  }
0x35: {  	s10 =	sld [smem:$0x3FB0];
	_ =	sdelay $0x3  }
0x36: {  	p1 =	seq.s32 s10, $0x1;
	s10 =	sld [smem:$0x3FB1];
	_ =	sdelay $0x3  }
0x37: {  	[smem:$0x3FB1] =	sst s10  }
0x38: {  	s10 =	sld [smem:$0x3FB2]  }
0x39: {  	_ = 	snop;
	(pc) =	sbr.ind lr, $3  }
0x3a: {  	_ = 	snop  }
0x3b: {  	_ = 	snop  }
0x3c: {  	p2 =	seq.s32 s10, $0x1;
	s10 =	sld [smem:$0x3FB1]  }
0x3d: {  	_ =	shalt  }
0x3e: {  	_ =	shalt  }
0x3f: {  	_ =	shalt  }
0x40: {  	_ =	shalt  }
0x41: {  	_ =	shalt  }
0x42: {  	_ =	shalt  }
0x43: {  	_ =	shalt  }
0x44: {  	_ =	shalt  }
0x45: {  	_ =	shalt  }
0x46: {  	_ =	shalt  }
0x47: {  	_ =	shalt  }
0x48: {  	_ =	shalt  }
0x49: {  	_ =	shalt  }
0x4a: {  	_ =	shalt  }
0x4b: {  	_ =	shalt  }
0x4c: {  	_ =	shalt  }
0x4d: {  	_ =	shalt  }
0x4e: {  	_ =	shalt  }
0x4f: {  	_ =	shalt  }
0x50: {  	_ =	shalt  }
0x51: {  	_ =	shalt  }
0x52: {  	_ =	shalt  }
0x53: {  	_ =	shalt  }
0x54: {  	_ =	shalt  }
0x55: {  	_ =	shalt  }
0x56: {  	_ =	shalt  }
0x57: {  	_ =	shalt  }
0x58: {  	_ =	shalt  }
0x59: {  	_ =	shalt  }
0x5a: {  	_ =	shalt  }
0x5b: {  	_ =	shalt  }
0x5c: {  	_ =	shalt  }
0x5d: {  	_ =	shalt  }
0x5e: {  	_ =	shalt  }
0x5f: {  	_ =	shalt  }
0x60: {  	_ =	shalt  }
0x61: {  	_ =	shalt  }
0x62: {  	_ =	shalt  }
0x63: {  	_ =	shalt  }
0x64: {  	_ =	shalt  }
0x65: {  	_ =	shalt  }
0x66: {  	_ =	shalt  }
0x67: {  	_ =	shalt  }
0x68: {  	_ =	shalt  }
0x69: {  	_ =	shalt  }
0x6a: {  	_ =	shalt  }
0x6b: {  	_ =	shalt  }
0x6c: {  	_ =	shalt  }
0x6d: {  	_ =	shalt  }
0x6e: {  	_ =	shalt  }
0x6f: {  	_ =	shalt  }
0x70: {  	_ =	shalt  }
0x71: {  	_ =	shalt  }
0x72: {  	_ =	shalt  }
0x73: {  	_ =	shalt  }
0x74: {  	_ =	shalt  }
0x75: {  	_ =	shalt  }
0x76: {  	_ =	shalt  }
0x77: {  	_ =	shalt  }
0x78: {  	_ =	shalt  }
0x79: {  	_ =	shalt  }
0x7a: {  	_ =	shalt  }
0x7b: {  	_ =	shalt  }
0x7c: {  	_ =	shalt  }
0x7d: {  	_ =	shalt  }
0x7e: {  	_ =	shalt  }
0x7f: {  	_ =	shalt  }
0x80: {  	_ =	shalt  }
0x81: {  	_ =	shalt  }
0x82: {  	_ =	shalt  }
0x83: {  	_ =	shalt  }
0x84: {  	_ =	shalt  }
0x85: {  	_ =	shalt  }
0x86: {  	_ =	shalt  }
0x87: {  	_ =	shalt  }
.Lfunc_end0:
.L_simem_size_0:
called_computation.2_lowered:
.L_overlay_start_0:
0x88: {  	s2 =	sld [smem:$0x3FD9]  }
0x89: {  	s3 =	sld [smem:$0x3FFE];
	_ =	sdelay $0x1  }
0x8a: {  	s1 =	srdreg.scid  }
0x8b: {  	s0 =	sand.u32 $0x1, s1  }
0x8c: {  	s16 =	sshll.u32 s0, $0xA;
	s2 =	sadd.s32 s3, s2  }
0x8d: {  	s2 =	sadd.s32 s2, s16  }
0x8e: {  	[smem:$0x3FBD] =	sst s2  }
0x8f: {  	_ = 	snop  }
0x90: {  	(tm) =	ssettm $0x1  }
0x91: {  	s17 =	sld [smem:$0x3FFB];
	_ =	sdelay $0x3  }
0x92: {  	_ =	strace s17  }
0x93: {  	s2 =	sld [smem:$0x3FFC];
	_ =	sdelay $0x3  }
0x94: {  	_ =	strace s2  }
0x95: {  	s2 =	sld [smem:$0x3FFD];
	_ =	sdelay $0x3  }
0x96: {  	_ =	strace s2  }
0x97: {  	_ =	strace $0x8FFFFFFF  }
0x98: {  	s18 =	sld [smem:$0x3FDB];
	_ =	sdelay $0x1  }
0x99: {  	s19 =	simm.s32 $_scs_section_size  }
0x9a: {  	s4 =	simm.s32 $_size__tile_overlayer_lowered;
	s5 =	simm.s32 $_tile_overlayer_lowered  }
0x9b: {  	s22 =	simm.s32 $0x1BFF;
	s21 =	sshll.u32 s5, $0x1;
	s2 =	sadd.s32 s19, s18  }
0x9c: {  	s6 =	simm.s32 $0x0;
	s20 =	sshll.u32 s4, $0x1;
	s4 =	sadd.s32 s21, s2  }
0x9d: {  	[timem:s6], [sflag:s22] =	dma.local [hbm:s4], s20  }
0x9e: {  	_ =	swait.ge [sflag:s22], s20  }
0x9f: {  	s3 =	ssub.s32 $0x0, s20;
	[sflag:s22] =	ssyncset.done $0x0  }
0xa0: {  	[sflag:s22] =	ssyncadd.s32 s3;
	_ =	sdelay $0x1  }
0xa1: {  	s23 =	simm.s32 $0x1B8B  }
0xa2: {  	_ =	swait.ge [sflag:s23], $0x1  }
0xa3: {  	[sflag:s23] =	ssyncset.done $0x0  }
0xa4: {  	s25 =	simm.s32 $0x1B8E;
	s24 =	sld [smem:$0x3FFE];
	[sflag:s23] =	ssyncadd.s32 $0xFFFFFFFF  }
0xa5: {  	s26 =	simm.s32 $execute0_lowered;
	[smem:$0x3FD2] =	sst s25  }
0xa6: {  	s4 =	sshll.u32 s26, $0x1;
	_ =	strace $0x8000004C;
	[dreg:$0x1] =	wrdreg $0xFFFFFFFF  }
0xa7: {  	s28 =	simm.s32 $_size_execute0_lowered;
	s2 =	sadd.s32 s2, s4;
	[dreg:$0x0] =	wrdreg $0x0  }
0xa8: {  	s4 =	sshll.u32 s28, $0x1;
	[dreg:$0x2] =	wrdreg s2  }
0xa9: {  	[dreg:$0x3] =	wrdreg s4  }
0xaa: {  	[dreg:$0x4] =	wrdreg $0xC0  }
0xab: {  	_ =	task [dreg:s6], $0x5FFFF  }
0xac: {  	[dreg:$0x1] =	wrdreg $0xFFFFFFFF  }
0xad: {  	[dreg:$0x0] =	wrdreg $0x60  }
0xae: {  	[dreg:$0x2] =	wrdreg s24  }
0xaf: {  	[dreg:$0x3] =	wrdreg $0x48000  }
0xb0: {  	[dreg:$0x4] =	wrdreg $0x9  }
0xb1: {  	_ =	task.clear_ibuf [dreg:s6], $0x5FFFF;
	_ =	strace $0x9000004C  }
0xb2: {  	s29 =	simm.s32 $0x9;
	_ =	strace $0x8000004E  }
0xb3: {  	_ =	swait.ge [sflag:s29], $0x1  }
0xb4: {  	[sflag:s29] =	ssyncadd.s32 $0xFFFFFFFF  }
0xb5: {  	_ =	strace $0x9000004E  }
0xb6: {  	_ =	sfence  }
0xb7: {  	s30 =	sld [smem:$0x0];
	_ =	sdelay $0x2  }
0xb8: {  	s31 =	sshll.u32 s1, $0xD;
	s1 =	sshrl.u32 s1, $0x2  }
0xb9: {  	s3 =	sand.u32 $0x4000, s31;
	s1 =	sadd.s32 s1, s30  }
0xba: {  	s0 =	sor.u32 s3, s0;
	s1 =	sshll.u32 s1, $0x11  }
0xbb: {  	s0 =	sor.u32 s1, s0  }
0xbc: {  	s0 =	sadd.s32 $0x8F2B, s0  }
0xbd: {  	[sflag:s0] =	ssyncadd.remote.s32 $0x1  }
0xbe: {  	_ =	sfence.sel $0xFFFF  }
0xbf: {  	[dreg:$0x0] =	wrdreg $0xFFFFFFFF;
	(pc) =	sbr.abs _section_cstart, $3  }
0xc0: {  	[dreg:$0x1] =	wrdreg $0xFFFFFFFF  }
0xc1: {  	_ =	task.clear_ibuf [dreg:s6], $0x2FFFF;
	_ =	strace $0x9FFFFFFF  }
0xc2: {  	(tm) =	ssettm $0x7FFFFFFF  }
0xc3: {  	_ =	shalt  }
tec
execute0_lowered:
.L_overlay_start_1:
0x0: {  	(tag) =	ssettag $0x1  }
0x1: {  	s0 =	rddreg [dreg:$0x0]  }
0x2: {  	s2 =	rddreg [dreg:$0x1];
	s3 =	simm.s32 $0x0  }
0x3: {  	s4 =	stileid.u32;
	s1 =	srdreg.scid;
	s13 =	simm.s32 $0x3  }
0x4: {  	s14 =	simm.s32 $0x200;
	s19 =	simm.s32 $0x480;
	s15 =	simm.s32 $0x80  }
0x5: {  	s20 =	simm.s32 $0x500;
	s21 =	simm.s32 $0x580;
	s22 =	simm.s32 $0x280  }
0x6: {  	s23 =	simm.s32 $0x300;
	[smem:$0x7FF] =	sst s3;
	s1 =	sand.u32 $0x1, s1  }
0x7: {  	s24 =	simm.s32 $0x380;
	_ =	strace $0x8000004D;
	[dreg:$0xc] =	wrdreg s1  }
0x8: {  	s25 =	simm.s32 $0x680;
	s26 =	simm.s32 $0x700;
	[dreg:$0x3] =	wrdreg s19  }
0x9: {  	s31 =	simm.s32 $0x780;
	s28 =	simm.s32 $0x3800;
	[dreg:$0x4] =	wrdreg s20  }
0xa: {  	s29 =	simm.s32 $0x4000;
	s7 =	smul.u32 $0x3100, s4;
	[dreg:$0x5] =	wrdreg s21  }
0xb: {  	s30 =	simm.s32 $0x2;
	s10 =	smul.u32 $0x18800, s4;
	[dreg:$0x6] =	wrdreg s22  }
0xc: {  	s6 =	sadd.s32 $0x6A200, s0;
	s18 =	sshll.u32 s4, $0x6;
	[dreg:$0x7] =	wrdreg s23  }
0xd: {  	s1 =	ssub.s32 $0x2, s1;
	s11 =	sor.u32 $0x1C03, s18;
	[dreg:$0x8] =	wrdreg s24  }
0xe: {  	s19 =	simm.s32 $0x1800;
	s21 =	simm.s32 $0x2000;
	[dreg:$0x9] =	wrdreg s25  }
0xf: {  	s22 =	simm.s32 $0x1;
	[dreg:$0xa] =	wrdreg s26;
	s23 =	simm.s32 $0x400  }
0x10: {  	s24 =	simm.s32 $0x600;
	[dreg:$0xb] =	wrdreg s31;
	s25 =	simm.s32 $0x2800  }
0x11: {  	s26 =	simm.s32 $0x3000;
	s9 =	sadd.s32 s7, s0;
	s8 =	sshrl.u32 s1, $0x1  }
0x12: {  	s7 =	sadd.s32 $0x12E200, s0;
	s5 =	smov.u32 s10;
	s17 =	sadd.s32 s10, s2  }
0x13: {  	s16 =	ssub.s32 s1, s8;
	s8 =	sadd.s32 $0x2000, s9;
	s9 =	sadd.s32 $0x33000, s9  }
0x14: {  	s12 =	sshrl.u32 s17, $0x3;
	s17 =	simm.s32 $0x1000;
	s0 =	smax.u32 s16, $0x1  }
0x15: {  	s1 =	simm.s32 $0x0;
	s16 =	simm.s32 $0x800;
	[dreg:$0xd] =	wrdreg s0  }
.LBB2_1:
0x16: {  	[dreg:$0xe] =	wrdreg s1;
	p1 =	por $0x1, $0x1;
	s0 =	simm.s32 $0x0  }
.LBB2_2:
0x17: {  	s1 =	rddreg [dreg:$0xc]  }
0x18: {  	s0 =	sor.u32 s1, s0  }
0x19: {  	s1 =	smul.u32 $0x188000, s0;
	_ =	sdelay $0x1  }
0x1a: {  	s0 =	sadd.s32 s5, s1  }
0x1b: {  	s0 =	sshrl.u32 s0, $0x3  }
0x1c: {  	s10 =	sadd.s32 s6, s0  }
0x1d: {  	[spmem:s12], [sflag:s11] =	dma.local [hbm:s10], $0x3100  }
0x1e: {  	_ =	swait.ge [sflag:s13], $0x3100  }
0x1f: {  	[sflag:s13] =	ssyncset.done $0x0  }
0x20: {  	[sflag:s13] =	ssyncadd.s32 $0xFFFFCF00  }
0x21: {  	s4 =	simm.s32 $0x0;
	[bflag:$0x0] =	sbarrier.arrive $0xFFFF  }
0x22: {  	[tilespmem:s4], [sflag:$0x3] =	stream.linear.gather [hbm4b:s8+s4], $0x200, $0x38;
	[tilespmem:$0x1D000] =	vst v63  }
0x23: {  	_ =	swait.ge [sflag:s13], $0x200  }
0x24: {  	[sflag:s13] =	ssyncset.done $0x0  }
0x25: {  	[sflag:s13] =	ssyncadd.s32 $0xFFFFFE00  }
0x26: {  	[tilespmem:s14], [sflag:$0x3] =	stream.linear.gather [hbm4b:s9+s4], $0x200, $0x38;
	[tilespmem:$0x1D000] =	vst v63  }
0x27: {  	_ =	swait.ge [sflag:s13], $0x200  }
0x28: {  	s1 =	sshrl.u32 s1, $0x3;
	[sflag:s13] =	ssyncset.done $0x0  }
0x29: {  	s1 =	sadd.s32 s6, s1;
	[sflag:s13] =	ssyncadd.s32 $0xFFFFFE00  }
0x2a: {  	[tilespmem:s16], [sflag:$0x1] =	stream.indirect.gather [hbm4b:s1+s15], $0x10, s4, s15, $0xb8;
	[tilespmem:$0x1D000] =	vst v63  }
0x2b: {  	_ = 	snop  }
0x2c: {  	[tilespmem:s17], [sflag:$0x1] =	stream.indirect.gather [hbm4b:s1+s15], $0x10, s15, s15, $0xb8;
	[tilespmem:$0x1D000] =	vst v63  }
0x2d: {  	s4 =	simm.s32 $0x100  }
0x2e: {  	[tilespmem:s19], [sflag:$0x1] =	stream.indirect.gather [hbm4b:s1+s15], $0x10, s4, s15, $0xb8;
	[tilespmem:$0x1D000] =	vst v63  }
0x2f: {  	s18 =	simm.s32 $0x180  }
0x30: {  	[tilespmem:s21], [sflag:$0x1] =	stream.indirect.gather [hbm4b:s1+s15], $0x10, s18, s15, $0xb8;
	[tilespmem:$0x1D000] =	vst v63  }
0x31: {  	_ =	swait.ge [sflag:s22], $0x800  }
0x32: {  	[sflag:s22] =	ssyncset.done $0x0  }
0x33: {  	[sflag:s22] =	ssyncadd.s32 $0xFFFFF800  }
0x34: {  	_ =	swait.ge [sflag:s22], $0x800  }
0x35: {  	[sflag:s22] =	ssyncset.done $0x0  }
0x36: {  	[sflag:s22] =	ssyncadd.s32 $0xFFFFF800  }
0x37: {  	_ =	swait.ge [sflag:s22], $0x800  }
0x38: {  	[sflag:s22] =	ssyncset.done $0x0  }
0x39: {  	[sflag:s22] =	ssyncadd.s32 $0xFFFFF800  }
0x3a: {  	_ =	swait.ge [sflag:s22], $0x800  }
0x3b: {  	s20 =	sadd.s32 $0x0, s8;
	[sflag:s22] =	ssyncset.done $0x0  }
0x3c: {  	s10 =	sadd.s32 $0x40, s20;
	[sflag:s22] =	ssyncadd.s32 $0xFFFFF800  }
0x3d: {  	[tilespmem:s23], [sflag:$0x3] =	stream.linear.gather [hbm4b:s10+s3], $0x200, $0x38;
	[tilespmem:$0x1D000] =	vst v63  }
0x3e: {  	_ =	swait.ge [sflag:s13], $0x200  }
0x3f: {  	s31 =	sadd.s32 $0x0, s9;
	[sflag:s13] =	ssyncset.done $0x0  }
0x40: {  	s10 =	sadd.s32 $0x40, s31;
	[sflag:s13] =	ssyncadd.s32 $0xFFFFFE00  }
0x41: {  	[tilespmem:s24], [sflag:$0x3] =	stream.linear.gather [hbm4b:s10+s3], $0x200, $0x38;
	[tilespmem:$0x1D000] =	vst v63  }
0x42: {  	_ =	swait.ge [sflag:s13], $0x200  }
0x43: {  	[sflag:s13] =	ssyncset.done $0x0  }
0x44: {  	[sflag:s13] =	ssyncadd.s32 $0xFFFFFE00  }
0x45: {  	[tilespmem:s25], [sflag:$0x2] =	stream.indirect.gather [hbm4b:s1+s15], $0x10, s23, s15, $0xb8;
	[tilespmem:$0x1D000] =	vst v63  }
0x46: {  	s4 =	rddreg [dreg:$0x3]  }
0x47: {  	[tilespmem:s26], [sflag:$0x2] =	stream.indirect.gather [hbm4b:s1+s15], $0x10, s4, s15, $0xb8;
	[tilespmem:$0x1D000] =	vst v63  }
0x48: {  	s31 =	rddreg [dreg:$0x4]  }
0x49: {  	[tilespmem:s28], [sflag:$0x2] =	stream.indirect.gather [hbm4b:s1+s15], $0x10, s31, s15, $0xb8;
	[tilespmem:$0x1D000] =	vst v63  }
0x4a: {  	s18 =	rddreg [dreg:$0x5]  }
0x4b: {  	[tilespmem:s29], [sflag:$0x2] =	stream.indirect.gather [hbm4b:s1+s15], $0x10, s18, s15, $0xb8;
	[tilespmem:$0x1D000] =	vst v63  }
0x4c: {  	_ = 	snop  }
0x4d: {  	[spmem:s2] =	stream.indirect.scatter.add.f32 [tilespmem:s16], [sflag:$0x3], $0x10, s14, s15, $0xb8;
	[tilespmem:$0x1D000] =	vst v63  }
0x4e: {  	_ =	swait.ge [sflag:s13], $0x800  }
0x4f: {  	[sflag:s13] =	ssyncset.done $0x0  }
0x50: {  	s20 =	rddreg [dreg:$0x6];
	[sflag:s13] =	ssyncadd.s32 $0xFFFFF800  }
0x51: {  	[spmem:s2] =	stream.indirect.scatter.add.f32 [tilespmem:s17], [sflag:$0x3], $0x10, s20, s15, $0xb8;
	[tilespmem:$0x1D000] =	vst v63  }
0x52: {  	_ =	swait.ge [sflag:s13], $0x800  }
0x53: {  	[sflag:s13] =	ssyncset.done $0x0  }
0x54: {  	s31 =	rddreg [dreg:$0x7];
	[sflag:s13] =	ssyncadd.s32 $0xFFFFF800  }
0x55: {  	[spmem:s2] =	stream.indirect.scatter.add.f32 [tilespmem:s19], [sflag:$0x3], $0x10, s31, s15, $0xb8;
	[tilespmem:$0x1D000] =	vst v63  }
0x56: {  	_ =	swait.ge [sflag:s13], $0x800  }
0x57: {  	[sflag:s13] =	ssyncset.done $0x0  }
0x58: {  	s4 =	rddreg [dreg:$0x8];
	[sflag:s13] =	ssyncadd.s32 $0xFFFFF800  }
0x59: {  	[spmem:s2] =	stream.indirect.scatter.add.f32 [tilespmem:s21], [sflag:$0x3], $0x10, s4, s15, $0xb8;
	[tilespmem:$0x1D000] =	vst v63  }
0x5a: {  	_ =	swait.ge [sflag:s13], $0x800  }
0x5b: {  	[sflag:s13] =	ssyncset.done $0x0  }
0x5c: {  	[sflag:s13] =	ssyncadd.s32 $0xFFFFF800  }
0x5d: {  	_ =	swait.ge [sflag:s30], $0x800  }
0x5e: {  	[sflag:s30] =	ssyncset.done $0x0  }
0x5f: {  	[sflag:s30] =	ssyncadd.s32 $0xFFFFF800  }
0x60: {  	_ =	swait.ge [sflag:s30], $0x800  }
0x61: {  	[sflag:s30] =	ssyncset.done $0x0  }
0x62: {  	[sflag:s30] =	ssyncadd.s32 $0xFFFFF800  }
0x63: {  	_ =	swait.ge [sflag:s30], $0x800  }
0x64: {  	[sflag:s30] =	ssyncset.done $0x0  }
0x65: {  	p0 =	por $0x0, $0x0;
	[sflag:s30] =	ssyncadd.s32 $0xFFFFF800  }
0x66: {  	s10 =	sadd.s32 @!p0 $0x0, s8;
	_ =	swait.ge [sflag:s30], $0x800  }
0x67: {  	s10 =	sadd.s32 @!p0 $0x80, s10;
	[sflag:s30] =	ssyncset.done $0x0  }
0x68: {  	s18 =	simm.s32 @!p0 $0x0;
	s31 =	simm.s32 @!p0 $0x3;
	[sflag:s30] =	ssyncadd.s32 $0xFFFFF800  }
0x69: {  	[tilespmem:s18], [sflag:$0x3] =	stream.linear.gather @!p0 [hbm4b:s10+s18], $0x200, $0x38;
	[tilespmem:$0x1D000] =	vst v63  }
0x6a: {  	_ =	swait.ge @!p0 [sflag:s31], $0x200  }
0x6b: {  	s10 =	sadd.s32 @!p0 $0x0, s9;
	[sflag:s31] =	ssyncset.done @!p0 $0x0  }
0x6c: {  	s20 =	simm.s32 @!p0 $0x200;
	s10 =	sadd.s32 @!p0 $0x80, s10;
	[sflag:s31] =	ssyncadd.s32 @!p0 $0xFFFFFE00  }
0x6d: {  	[tilespmem:s20], [sflag:$0x3] =	stream.linear.gather @!p0 [hbm4b:s10+s18], $0x200, $0x38;
	[tilespmem:$0x1D000] =	vst v63  }
0x6e: {  	_ =	swait.ge @!p0 [sflag:s31], $0x200  }
0x6f: {  	[sflag:s31] =	ssyncset.done @!p0 $0x0  }
0x70: {  	s10 =	simm.s32 @!p0 $0x80;
	s20 =	simm.s32 @!p0 $0x800;
	[sflag:s31] =	ssyncadd.s32 @!p0 $0xFFFFFE00  }
0x71: {  	[tilespmem:s20], [sflag:$0x1] =	stream.indirect.gather @!p0 [hbm4b:s1+s10], $0x10, s18, s10, $0xb8;
	[tilespmem:$0x1D000] =	vst v63  }
0x72: {  	s18 =	simm.s32 @!p0 $0x1000  }
0x73: {  	[tilespmem:s18], [sflag:$0x1] =	stream.indirect.gather @!p0 [hbm4b:s1+s10], $0x10, s10, s10, $0xb8;
	[tilespmem:$0x1D000] =	vst v63  }
0x74: {  	s20 =	simm.s32 @!p0 $0x1800;
	s18 =	simm.s32 @!p0 $0x100  }
0x75: {  	[tilespmem:s20], [sflag:$0x1] =	stream.indirect.gather @!p0 [hbm4b:s1+s10], $0x10, s18, s10, $0xb8;
	[tilespmem:$0x1D000] =	vst v63  }
0x76: {  	s18 =	simm.s32 @!p0 $0x180;
	s20 =	simm.s32 @!p0 $0x2000  }
0x77: {  	[tilespmem:s20], [sflag:$0x1] =	stream.indirect.gather @!p0 [hbm4b:s1+s10], $0x10, s18, s10, $0xb8;
	[tilespmem:$0x1D000] =	vst v63  }
0x78: {  	_ = 	snop  }
0x79: {  	[spmem:s2] =	stream.indirect.scatter.add.f32 [tilespmem:s25], [sflag:$0x3], $0x10, s24, s15, $0xb8;
	[tilespmem:$0x1D000] =	vst v63  }
0x7a: {  	_ =	swait.ge [sflag:s13], $0x800  }
0x7b: {  	[sflag:s13] =	ssyncset.done $0x0  }
0x7c: {  	s18 =	rddreg [dreg:$0x9];
	[sflag:s13] =	ssyncadd.s32 $0xFFFFF800  }
0x7d: {  	[spmem:s2] =	stream.indirect.scatter.add.f32 [tilespmem:s26], [sflag:$0x3], $0x10, s18, s15, $0xb8;
	[tilespmem:$0x1D000] =	vst v63  }
0x7e: {  	_ =	swait.ge [sflag:s13], $0x800  }
0x7f: {  	[sflag:s13] =	ssyncset.done $0x0  }
0x80: {  	s20 =	rddreg [dreg:$0xa];
	[sflag:s13] =	ssyncadd.s32 $0xFFFFF800  }
0x81: {  	[spmem:s2] =	stream.indirect.scatter.add.f32 [tilespmem:s28], [sflag:$0x3], $0x10, s20, s15, $0xb8;
	[tilespmem:$0x1D000] =	vst v63  }
0x82: {  	_ =	swait.ge [sflag:s13], $0x800  }
0x83: {  	[sflag:s13] =	ssyncset.done $0x0  }
0x84: {  	s31 =	rddreg [dreg:$0xb];
	[sflag:s13] =	ssyncadd.s32 $0xFFFFF800  }
0x85: {  	[spmem:s2] =	stream.indirect.scatter.add.f32 [tilespmem:s29], [sflag:$0x3], $0x10, s31, s15, $0xb8;
	[tilespmem:$0x1D000] =	vst v63  }
0x86: {  	_ =	swait.ge [sflag:s13], $0x800  }
0x87: {  	p0 =	por p1, p1;
	s10 =	simm.s32 $0x80;
	[sflag:s13] =	ssyncset.done $0x0  }
.LBB2_3:
0x88: {  	[sflag:s13] =	ssyncadd.s32 $0xFFFFF800  }
0x89: {  	_ =	swait.ge [sflag:s22], $0x800  }
0x8a: {  	[sflag:s22] =	ssyncset.done $0x0  }
0x8b: {  	[sflag:s22] =	ssyncadd.s32 $0xFFFFF800  }
0x8c: {  	_ =	swait.ge [sflag:s22], $0x800  }
0x8d: {  	[sflag:s22] =	ssyncset.done $0x0  }
0x8e: {  	[sflag:s22] =	ssyncadd.s32 $0xFFFFF800  }
0x8f: {  	_ =	swait.ge [sflag:s22], $0x800  }
0x90: {  	[sflag:s22] =	ssyncset.done $0x0  }
0x91: {  	[sflag:s22] =	ssyncadd.s32 $0xFFFFF800  }
0x92: {  	s31 =	smov.u32 s10;
	_ =	swait.ge [sflag:s22], $0x800  }
0x93: {  	s18 =	sadd.s32 s31, s8;
	[sflag:s22] =	ssyncset.done $0x0  }
0x94: {  	s18 =	sadd.s32 $0x40, s18;
	[sflag:s22] =	ssyncadd.s32 $0xFFFFF800  }
0x95: {  	[tilespmem:s23], [sflag:$0x3] =	stream.linear.gather [hbm4b:s18+s3], $0x200, $0x38;
	[tilespmem:$0x1D000] =	vst v63  }
0x96: {  	_ =	swait.ge [sflag:s13], $0x200  }
0x97: {  	s20 =	sadd.s32 s31, s9;
	[sflag:s13] =	ssyncset.done $0x0  }
0x98: {  	s18 =	sadd.s32 $0x40, s20;
	[sflag:s13] =	ssyncadd.s32 $0xFFFFFE00  }
0x99: {  	[tilespmem:s24], [sflag:$0x3] =	stream.linear.gather [hbm4b:s18+s3], $0x200, $0x38;
	[tilespmem:$0x1D000] =	vst v63  }
0x9a: {  	_ =	swait.ge [sflag:s13], $0x200  }
0x9b: {  	[sflag:s13] =	ssyncset.done $0x0  }
0x9c: {  	[sflag:s13] =	ssyncadd.s32 $0xFFFFFE00  }
0x9d: {  	[tilespmem:s25], [sflag:$0x2] =	stream.indirect.gather [hbm4b:s1+s15], $0x10, s23, s15, $0xb8;
	[tilespmem:$0x1D000] =	vst v63  }
0x9e: {  	s4 =	rddreg [dreg:$0x3]  }
0x9f: {  	[tilespmem:s26], [sflag:$0x2] =	stream.indirect.gather [hbm4b:s1+s15], $0x10, s4, s15, $0xb8;
	[tilespmem:$0x1D000] =	vst v63  }
0xa0: {  	s20 =	rddreg [dreg:$0x4]  }
0xa1: {  	[tilespmem:s28], [sflag:$0x2] =	stream.indirect.gather [hbm4b:s1+s15], $0x10, s20, s15, $0xb8;
	[tilespmem:$0x1D000] =	vst v63  }
0xa2: {  	s4 =	rddreg [dreg:$0x5]  }
0xa3: {  	[tilespmem:s29], [sflag:$0x2] =	stream.indirect.gather [hbm4b:s1+s15], $0x10, s4, s15, $0xb8;
	[tilespmem:$0x1D000] =	vst v63  }
0xa4: {  	_ = 	snop  }
0xa5: {  	[spmem:s2] =	stream.indirect.scatter.add.f32 [tilespmem:s16], [sflag:$0x3], $0x10, s14, s15, $0xb8;
	[tilespmem:$0x1D000] =	vst v63  }
0xa6: {  	_ =	swait.ge [sflag:s13], $0x800  }
0xa7: {  	[sflag:s13] =	ssyncset.done $0x0  }
0xa8: {  	s4 =	rddreg [dreg:$0x6];
	[sflag:s13] =	ssyncadd.s32 $0xFFFFF800  }
0xa9: {  	[spmem:s2] =	stream.indirect.scatter.add.f32 [tilespmem:s17], [sflag:$0x3], $0x10, s4, s15, $0xb8;
	[tilespmem:$0x1D000] =	vst v63  }
0xaa: {  	_ =	swait.ge [sflag:s13], $0x800  }
0xab: {  	[sflag:s13] =	ssyncset.done $0x0  }
0xac: {  	s20 =	rddreg [dreg:$0x7];
	[sflag:s13] =	ssyncadd.s32 $0xFFFFF800  }
0xad: {  	[spmem:s2] =	stream.indirect.scatter.add.f32 [tilespmem:s19], [sflag:$0x3], $0x10, s20, s15, $0xb8;
	[tilespmem:$0x1D000] =	vst v63  }
0xae: {  	_ =	swait.ge [sflag:s13], $0x800  }
0xaf: {  	[sflag:s13] =	ssyncset.done $0x0  }
0xb0: {  	s4 =	rddreg [dreg:$0x8];
	[sflag:s13] =	ssyncadd.s32 $0xFFFFF800  }
0xb1: {  	[spmem:s2] =	stream.indirect.scatter.add.f32 [tilespmem:s21], [sflag:$0x3], $0x10, s4, s15, $0xb8;
	[tilespmem:$0x1D000] =	vst v63  }
0xb2: {  	_ =	swait.ge [sflag:s13], $0x800  }
0xb3: {  	[sflag:s13] =	ssyncset.done $0x0  }
0xb4: {  	[sflag:s13] =	ssyncadd.s32 $0xFFFFF800  }
0xb5: {  	_ =	swait.ge [sflag:s30], $0x800  }
0xb6: {  	[sflag:s30] =	ssyncset.done $0x0  }
0xb7: {  	[sflag:s30] =	ssyncadd.s32 $0xFFFFF800  }
0xb8: {  	_ =	swait.ge [sflag:s30], $0x800  }
0xb9: {  	[sflag:s30] =	ssyncset.done $0x0  }
0xba: {  	[sflag:s30] =	ssyncadd.s32 $0xFFFFF800  }
0xbb: {  	_ =	swait.ge [sflag:s30], $0x800  }
0xbc: {  	[sflag:s30] =	ssyncset.done $0x0  }
0xbd: {  	p2 =	seq.s32 s31, $0x3080;
	[sflag:s30] =	ssyncadd.s32 $0xFFFFF800  }
0xbe: {  	s18 =	sadd.s32 @!p2 s31, s8;
	_ =	swait.ge [sflag:s30], $0x800  }
0xbf: {  	s18 =	sadd.s32 @!p2 $0x80, s18;
	[sflag:s30] =	ssyncset.done $0x0  }
0xc0: {  	s20 =	simm.s32 @!p2 $0x3;
	s4 =	simm.s32 @!p2 $0x0;
	[sflag:s30] =	ssyncadd.s32 $0xFFFFF800  }
0xc1: {  	[tilespmem:s4], [sflag:$0x3] =	stream.linear.gather @!p2 [hbm4b:s18+s4], $0x200, $0x38;
	[tilespmem:$0x1D000] =	vst v63  }
0xc2: {  	_ =	swait.ge @!p2 [sflag:s20], $0x200  }
0xc3: {  	s18 =	sadd.s32 @!p2 s31, s9;
	[sflag:s20] =	ssyncset.done @!p2 $0x0  }
0xc4: {  	s31 =	simm.s32 @!p2 $0x200;
	s18 =	sadd.s32 @!p2 $0x80, s18;
	[sflag:s20] =	ssyncadd.s32 @!p2 $0xFFFFFE00  }
0xc5: {  	[tilespmem:s31], [sflag:$0x3] =	stream.linear.gather @!p2 [hbm4b:s18+s4], $0x200, $0x38;
	[tilespmem:$0x1D000] =	vst v63  }
0xc6: {  	_ =	swait.ge @!p2 [sflag:s20], $0x200  }
0xc7: {  	[sflag:s20] =	ssyncset.done @!p2 $0x0  }
0xc8: {  	s18 =	simm.s32 @!p2 $0x80;
	[sflag:s20] =	ssyncadd.s32 @!p2 $0xFFFFFE00;
	s20 =	simm.s32 @!p2 $0x800  }
0xc9: {  	[tilespmem:s20], [sflag:$0x1] =	stream.indirect.gather @!p2 [hbm4b:s1+s18], $0x10, s4, s18, $0xb8;
	[tilespmem:$0x1D000] =	vst v63  }
0xca: {  	s4 =	simm.s32 @!p2 $0x1000  }
0xcb: {  	[tilespmem:s4], [sflag:$0x1] =	stream.indirect.gather @!p2 [hbm4b:s1+s18], $0x10, s18, s18, $0xb8;
	[tilespmem:$0x1D000] =	vst v63  }
0xcc: {  	s20 =	simm.s32 @!p2 $0x1800;
	s4 =	simm.s32 @!p2 $0x100  }
0xcd: {  	[tilespmem:s20], [sflag:$0x1] =	stream.indirect.gather @!p2 [hbm4b:s1+s18], $0x10, s4, s18, $0xb8;
	[tilespmem:$0x1D000] =	vst v63  }
0xce: {  	s4 =	simm.s32 @!p2 $0x180;
	s20 =	simm.s32 @!p2 $0x2000  }
0xcf: {  	[tilespmem:s20], [sflag:$0x1] =	stream.indirect.gather @!p2 [hbm4b:s1+s18], $0x10, s4, s18, $0xb8;
	[tilespmem:$0x1D000] =	vst v63  }
0xd0: {  	_ = 	snop  }
0xd1: {  	[spmem:s2] =	stream.indirect.scatter.add.f32 [tilespmem:s25], [sflag:$0x3], $0x10, s24, s15, $0xb8;
	[tilespmem:$0x1D000] =	vst v63  }
0xd2: {  	_ =	swait.ge [sflag:s13], $0x800  }
0xd3: {  	[sflag:s13] =	ssyncset.done $0x0  }
0xd4: {  	s18 =	rddreg [dreg:$0x9];
	[sflag:s13] =	ssyncadd.s32 $0xFFFFF800  }
0xd5: {  	[spmem:s2] =	stream.indirect.scatter.add.f32 [tilespmem:s26], [sflag:$0x3], $0x10, s18, s15, $0xb8;
	[tilespmem:$0x1D000] =	vst v63  }
0xd6: {  	_ =	swait.ge [sflag:s13], $0x800  }
0xd7: {  	[sflag:s13] =	ssyncset.done $0x0  }
0xd8: {  	s10 =	sadd.s32 $0x80, s10;
	s20 =	rddreg [dreg:$0xa];
	[sflag:s13] =	ssyncadd.s32 $0xFFFFF800  }
0xd9: {  	[spmem:s2] =	stream.indirect.scatter.add.f32 [tilespmem:s28], [sflag:$0x3], $0x10, s20, s15, $0xb8;
	[tilespmem:$0x1D000] =	vst v63  }
0xda: {  	p1 =	sne.s32 s10, $0x3100;
	_ =	swait.ge [sflag:s13], $0x800  }
.Ltmp0:
0xdb: {  	[sflag:s13] =	ssyncset.done $0x0;
	(pc) =	sbr.rel @p1 .LBB2_3-.Ltmp0, $4  }
0xdc: {  	s31 =	rddreg [dreg:$0xb];
	[sflag:s13] =	ssyncadd.s32 $0xFFFFF800  }
0xdd: {  	[spmem:s2] =	stream.indirect.scatter.add.f32 [tilespmem:s29], [sflag:$0x3], $0x10, s31, s15, $0xb8;
	[tilespmem:$0x1D000] =	vst v63  }
0xde: {  	_ =	swait.ge [sflag:s13], $0x800  }
0xdf: {  	[sflag:s13] =	ssyncset.done $0x0  }
0xe0: {  	[sflag:s13] =	ssyncadd.s32 $0xFFFFF800  }
0xe1: {  	s0 =	sadd.s32 s7, s0;
	[bflag:$0x0] =	sbarrier.arrive $0xFFFF  }
0xe2: {  	[hbm:s0], [sflag:s11] =	dma.local [spmem:s12], $0x3100  }
.Ltmp1:
0xe3: {  	_ =	swait.ge [sflag:s13], $0x3100;
	(pc) =	sbr.rel @p0 .LBB2_2-.Ltmp1, $4  }
0xe4: {  	[sflag:s13] =	ssyncset.done $0x0  }
0xe5: {  	[sflag:s13] =	ssyncadd.s32 $0xFFFFCF00  }
0xe6: {  	[bflag:$0x0] =	sbarrier.arrive $0xFFFF  }
0xe7: {  	p1 =	por $0x0, $0x0;
	s0 =	simm.s32 $0x2  }
0xe8: {  	s1 =	rddreg [dreg:$0xe]  }
0xe9: {  	s0 =	rddreg [dreg:$0xd];
	s1 =	sadd.s32 $0x1, s1  }
0xea: {  	p0 =	sne.s32 s1, s0  }
.Ltmp2:
0xeb: {  	_ = 	snop;
	(pc) =	sbr.rel @p0 .LBB2_1-.Ltmp2, $1  }
0xec: {  	_ =	sdelay $0x3  }
0xed: {  	_ =	sfence.sel $0x180000  }
0xee: {  	[bflag:$0x0] =	sbarrier.arrive $0xFFFF  }
0xef: {  	_ =	strace $0x9000004D  }
0xf0: {  	s0 =	stileid.u32;
	[bflag:$0x2] =	sbarrier.arrive $0xFFFF  }
0xf1: {  	p0 =	sne.s32 s0, $0x0;
	s0 =	rddreg [dreg:$0x2]  }
0xf2: {  	s0 =	sadd.s32 @!p0 $0x100000, s0  }
0xf3: {  	[sflag:s0] =	ssyncadd.tile.s32 @!p0 $0x1;
	_ =	shalt  }
.Lfunc_end2:
_tile_overlayer_lowered:
.L_overlay_start_2:
0xf4: {  	(tag) =	ssettag $0x2  }
0xf5: {  	s0 =	rddreg [dreg:$0x0];
	s2 =	stileid.u32  }
0xf6: {  	s1 =	rddreg [dreg:$0x1];
	p0 =	sne.s32 s2, $0x0  }
0xf7: {  	s3 =	rddreg [dreg:$0x2];
	[bflag:$0x3] =	sbarrier.arrive $0xFFFF;
	s2 =	simm.s32 @!p0 $0x1C03  }
0xf8: {  	[timem:s3], [sflag:s2] =	dma.local @!p0 [hbm:s0], s1  }
0xf9: {  	s0 =	simm.s32 @!p0 $0x3  }
0xfa: {  	_ =	swait.ge @!p0 [sflag:s0], s1  }
0xfb: {  	s1 =	ssub.s32 @!p0 $0x0, s1;
	[sflag:s0] =	ssyncset.done @!p0 $0x0  }
0xfc: {  	[sflag:s0] =	ssyncadd.s32 @!p0 s1  }
0xfd: {  	[bflag:$0x3] =	sbarrier.arrive $0xFFFF  }
0xfe: {  	_ =	shalt  }

// kernel: kernel.8.cloned.1.call-start
scs
__scs_entry_jumppad:
0x0: {  	(pc) =	sbr.rel $0x88, $3  }
0x1: {  	(tag) =	ssettag $0x0;
	lr =	simm.s32 $0x1  }
0x2: {  	[smem:$0x3F96] =	sst lr;
	_ =	strace $0xD0000000  }
0x3: {  	_ = 	snop  }
0x4: {  	_ = 	snop  }
0x5: {  	_ = 	snop  }
0x6: {  	_ = 	snop  }
0x7: {  	_ = 	snop  }
__scs_overlays_trampoline_lowered:
0x8: {  	[smem:$0x3FA5] =	sst s0  }
0x9: {  	[smem:$0x3FA6] =	sst s1  }
0xa: {  	[smem:$0x3FA7] =	sst s2  }
0xb: {  	[smem:$0x3FA8] =	sst s3  }
0xc: {  	[smem:$0x3FA9] =	sst s4  }
0xd: {  	[smem:$0x3FAA] =	sst s5  }
0xe: {  	[smem:$0x3FAB] =	sst s6  }
0xf: {  	[smem:$0x3FAC] =	sst s7  }
0x10: {  	[smem:$0x3FAD] =	sst s8  }
0x11: {  	[smem:$0x3FAE] =	sst s9;
	s0 =	simm.s32 @!p0 $0x0  }
0x12: {  	s1 =	sld [smem:$0x3F94];
	s0 =	simm.s32 @p0 $0x1  }
0x13: {  	[smem:$0x3FAF] =	sst s0;
	s0 =	simm.s32 @!p1 $0x0  }
0x14: {  	s2 =	sld [smem:$0x3F93];
	s0 =	simm.s32 @p1 $0x1  }
0x15: {  	[smem:$0x3FB0] =	sst s0;
	s0 =	simm.s32 @!p2 $0x0  }
0x16: {  	s3 =	sld [smem:$0x3FDB];
	s0 =	simm.s32 @p2 $0x1  }
0x17: {  	s4 =	simm.s32 $0x1BF5;
	[smem:$0x3FB2] =	sst s0  }
0x18: {  	s0 =	sld [smem:$0x3F95];
	_ =	swait.ge [sflag:s4], $0x0  }
0x19: {  	s7 =	sld [smem:$0x3F96]  }
0x1a: {  	s8 =	sadd.s32 $0xFFFFE003, lr  }
0x1b: {  	s9 =	sadd.s32 $0xFFFFFEF7, lr;
	s5 =	simm.s32 $0xFFFFFFFF;
	p2 =	slt.u32 s8, $0xFFFFF086  }
0x1c: {  	p1 =	slt.u32 s9, $0xF7A;
	s5 =	simm.s32 @!p2 $0x0  }
0x1d: {  	s5 =	simm.s32 @p1 $0x1;
	p0 =	seq.s32 s7, s2  }
0x1e: {  	s7 =	smul.u32 @!p0 $0xF7A, s2;
	p2 =	seq.s32 @!p0 s5, $0x0  }
0x1f: {  	s9 =	smul.u32 $0xF7A, s1;
	s8 =	simm.s32 @!p0 $0x1BF5;
	p2 =	por !p2, p0  }
0x20: {  	[sflag:s8] =	ssyncset.s32 @!p0 $0xFFFFF086;
	s6 =	sadd.s32 @!p0 s3, s7;
	s7 =	simm.s32 @!p0 $0x108  }
0x21: {  	s3 =	sadd.s32 s3, s9;
	s6 =	sadd.s32 @!p0 $0x88, s6;
	s7 =	simm.s32 @p2 $0x1082  }
0x22: {  	[simem:s7], [sflag:s8] =	dma.local @!p0 [hbm:s6], $0xF7A  }
0x23: {  	s9 =	sor.u32 $0xD0000000, s2;
	s6 =	simm.s32 $0x108;
	_ =	swait.ge @!p0 [sflag:s8], $0x0  }
0x24: {  	s3 =	sadd.s32 $0x88, s3;
	s6 =	simm.s32 @!p1 $0x1082;
	[sflag:s4] =	ssyncset.s32 $0xFFFFF086  }
0x25: {  	[simem:s6], [sflag:s4] =	dma.local [hbm:s3], $0xF7A  }
0x26: {  	[smem:$0x3F96] =	sst s1;
	(tag) =	ssettag s2;
	_ =	strace s9  }
0x27: {  	s1 =	sld [smem:$0x3FA6]  }
0x28: {  	s2 =	sld [smem:$0x3FA7]  }
0x29: {  	s4 =	sld [smem:$0x3FA9]  }
0x2a: {  	p0 =	seq.s32 s5, $0x0;
	s5 =	sld [smem:$0x3FAA]  }
0x2b: {  	s6 =	sld [smem:$0x3FAB]  }
0x2c: {  	s7 =	sld [smem:$0x3FAC]  }
0x2d: {  	s3 =	simm.s32 $0x108;
	s8 =	sld [smem:$0x3FAD]  }
0x2e: {  	s3 =	simm.s32 @!p0 $0x1082;
	s9 =	sld [smem:$0x3FAE]  }
0x2f: {  	lr =	sadd.s32 s0, s3;
	s0 =	sld [smem:$0x3FA5]  }
0x30: {  	s3 =	sld [smem:$0x3FA8]  }
0x31: {  	[smem:$0x3FB1] =	sst s10  }
0x32: {  	s10 =	sld [smem:$0x3FAF];
	_ =	sdelay $0x3  }
0x33: {  	p0 =	seq.s32 s10, $0x1;
	s10 =	sld [smem:$0x3FB1];
	_ =	sdelay $0x3  }
0x34: {  	[smem:$0x3FB1] =	sst s10  }
0x35: {  	s10 =	sld [smem:$0x3FB0];
	_ =	sdelay $0x3  }
0x36: {  	p1 =	seq.s32 s10, $0x1;
	s10 =	sld [smem:$0x3FB1];
	_ =	sdelay $0x3  }
0x37: {  	[smem:$0x3FB1] =	sst s10  }
0x38: {  	s10 =	sld [smem:$0x3FB2]  }
0x39: {  	_ = 	snop;
	(pc) =	sbr.ind lr, $3  }
0x3a: {  	_ = 	snop  }
0x3b: {  	_ = 	snop  }
0x3c: {  	p2 =	seq.s32 s10, $0x1;
	s10 =	sld [smem:$0x3FB1]  }
0x3d: {  	_ =	shalt  }
0x3e: {  	_ =	shalt  }
0x3f: {  	_ =	shalt  }
0x40: {  	_ =	shalt  }
0x41: {  	_ =	shalt  }
0x42: {  	_ =	shalt  }
0x43: {  	_ =	shalt  }
0x44: {  	_ =	shalt  }
0x45: {  	_ =	shalt  }
0x46: {  	_ =	shalt  }
0x47: {  	_ =	shalt  }
0x48: {  	_ =	shalt  }
0x49: {  	_ =	shalt  }
0x4a: {  	_ =	shalt  }
0x4b: {  	_ =	shalt  }
0x4c: {  	_ =	shalt  }
0x4d: {  	_ =	shalt  }
0x4e: {  	_ =	shalt  }
0x4f: {  	_ =	shalt  }
0x50: {  	_ =	shalt  }
0x51: {  	_ =	shalt  }
0x52: {  	_ =	shalt  }
0x53: {  	_ =	shalt  }
0x54: {  	_ =	shalt  }
0x55: {  	_ =	shalt  }
0x56: {  	_ =	shalt  }
0x57: {  	_ =	shalt  }
0x58: {  	_ =	shalt  }
0x59: {  	_ =	shalt  }
0x5a: {  	_ =	shalt  }
0x5b: {  	_ =	shalt  }
0x5c: {  	_ =	shalt  }
0x5d: {  	_ =	shalt  }
0x5e: {  	_ =	shalt  }
0x5f: {  	_ =	shalt  }
0x60: {  	_ =	shalt  }
0x61: {  	_ =	shalt  }
0x62: {  	_ =	shalt  }
0x63: {  	_ =	shalt  }
0x64: {  	_ =	shalt  }
0x65: {  	_ =	shalt  }
0x66: {  	_ =	shalt  }
0x67: {  	_ =	shalt  }
0x68: {  	_ =	shalt  }
0x69: {  	_ =	shalt  }
0x6a: {  	_ =	shalt  }
0x6b: {  	_ =	shalt  }
0x6c: {  	_ =	shalt  }
0x6d: {  	_ =	shalt  }
0x6e: {  	_ =	shalt  }
0x6f: {  	_ =	shalt  }
0x70: {  	_ =	shalt  }
0x71: {  	_ =	shalt  }
0x72: {  	_ =	shalt  }
0x73: {  	_ =	shalt  }
0x74: {  	_ =	shalt  }
0x75: {  	_ =	shalt  }
0x76: {  	_ =	shalt  }
0x77: {  	_ =	shalt  }
0x78: {  	_ =	shalt  }
0x79: {  	_ =	shalt  }
0x7a: {  	_ =	shalt  }
0x7b: {  	_ =	shalt  }
0x7c: {  	_ =	shalt  }
0x7d: {  	_ =	shalt  }
0x7e: {  	_ =	shalt  }
0x7f: {  	_ =	shalt  }
0x80: {  	_ =	shalt  }
0x81: {  	_ =	shalt  }
0x82: {  	_ =	shalt  }
0x83: {  	_ =	shalt  }
0x84: {  	_ =	shalt  }
0x85: {  	_ =	shalt  }
0x86: {  	_ =	shalt  }
0x87: {  	_ =	shalt  }
.Lfunc_end0:
.L_simem_size_0:
called_computation_lowered:
.L_overlay_start_0:
0x88: {  	s2 =	sld [smem:$0x3FD9]  }
0x89: {  	s3 =	sld [smem:$0x3FFE];
	_ =	sdelay $0x1  }
0x8a: {  	s1 =	srdreg.scid  }
0x8b: {  	s0 =	sand.u32 $0x1, s1  }
0x8c: {  	s16 =	sshll.u32 s0, $0xA;
	s2 =	sadd.s32 s3, s2  }
0x8d: {  	s2 =	sadd.s32 s2, s16  }
0x8e: {  	[smem:$0x3FBD] =	sst s2  }
0x8f: {  	_ = 	snop  }
0x90: {  	(tm) =	ssettm $0x1  }
0x91: {  	s17 =	sld [smem:$0x3FFB];
	_ =	sdelay $0x3  }
0x92: {  	_ =	strace s17  }
0x93: {  	s2 =	sld [smem:$0x3FFC];
	_ =	sdelay $0x3  }
0x94: {  	_ =	strace s2  }
0x95: {  	s2 =	sld [smem:$0x3FFD];
	_ =	sdelay $0x3  }
0x96: {  	_ =	strace s2  }
0x97: {  	_ =	strace $0x8FFFFFFF  }
0x98: {  	s18 =	sld [smem:$0x3FDB];
	_ =	sdelay $0x1  }
0x99: {  	s19 =	simm.s32 $_scs_section_size  }
0x9a: {  	s4 =	simm.s32 $_size__tile_overlayer_lowered;
	s5 =	simm.s32 $_tile_overlayer_lowered  }
0x9b: {  	s22 =	simm.s32 $0x1BFF;
	s21 =	sshll.u32 s5, $0x1;
	s2 =	sadd.s32 s19, s18  }
0x9c: {  	s6 =	simm.s32 $0x0;
	s20 =	sshll.u32 s4, $0x1;
	s4 =	sadd.s32 s21, s2  }
0x9d: {  	[timem:s6], [sflag:s22] =	dma.local [hbm:s4], s20  }
0x9e: {  	_ =	swait.ge [sflag:s22], s20  }
0x9f: {  	s3 =	ssub.s32 $0x0, s20;
	[sflag:s22] =	ssyncset.done $0x0  }
0xa0: {  	[sflag:s22] =	ssyncadd.s32 s3;
	_ =	sdelay $0x1  }
0xa1: {  	s23 =	simm.s32 $0x1B8B  }
0xa2: {  	_ =	swait.ge [sflag:s23], $0x1  }
0xa3: {  	[sflag:s23] =	ssyncset.done $0x0  }
0xa4: {  	s25 =	simm.s32 $0x1B8E;
	s24 =	sld [smem:$0x3FFE];
	[sflag:s23] =	ssyncadd.s32 $0xFFFFFFFF  }
0xa5: {  	s26 =	simm.s32 $execute0_lowered;
	[smem:$0x3FD2] =	sst s25  }
0xa6: {  	s4 =	sshll.u32 s26, $0x1;
	_ =	strace $0x80000046;
	[dreg:$0x1] =	wrdreg $0xFFFFFFFF  }
0xa7: {  	s28 =	simm.s32 $_size_execute0_lowered;
	s2 =	sadd.s32 s2, s4;
	[dreg:$0x0] =	wrdreg $0x0  }
0xa8: {  	s4 =	sshll.u32 s28, $0x1;
	[dreg:$0x2] =	wrdreg s2  }
0xa9: {  	[dreg:$0x3] =	wrdreg s4  }
0xaa: {  	[dreg:$0x4] =	wrdreg $0xC0  }
0xab: {  	_ =	task [dreg:s6], $0x5FFFF  }
0xac: {  	[dreg:$0x1] =	wrdreg $0xFFFFFFFF  }
0xad: {  	[dreg:$0x0] =	wrdreg $0x60  }
0xae: {  	[dreg:$0x2] =	wrdreg s24  }
0xaf: {  	[dreg:$0x3] =	wrdreg $0x1D000  }
0xb0: {  	[dreg:$0x4] =	wrdreg $0x9  }
0xb1: {  	_ =	task.clear_ibuf [dreg:s6], $0x5FFFF;
	_ =	strace $0x90000046  }
0xb2: {  	s29 =	simm.s32 $0x9;
	_ =	strace $0x80000048  }
0xb3: {  	_ =	swait.ge [sflag:s29], $0x1  }
0xb4: {  	[sflag:s29] =	ssyncadd.s32 $0xFFFFFFFF  }
0xb5: {  	_ =	strace $0x90000048  }
0xb6: {  	_ =	sfence  }
0xb7: {  	s30 =	sld [smem:$0x0];
	_ =	sdelay $0x2  }
0xb8: {  	s31 =	sshll.u32 s1, $0xD;
	s1 =	sshrl.u32 s1, $0x2  }
0xb9: {  	s3 =	sand.u32 $0x4000, s31;
	s1 =	sadd.s32 s1, s30  }
0xba: {  	s0 =	sor.u32 s3, s0;
	s1 =	sshll.u32 s1, $0x11  }
0xbb: {  	s0 =	sor.u32 s1, s0  }
0xbc: {  	s0 =	sadd.s32 $0x8F2B, s0  }
0xbd: {  	[sflag:s0] =	ssyncadd.remote.s32 $0x1  }
0xbe: {  	_ =	sfence.sel $0xFFFF  }
0xbf: {  	[dreg:$0x0] =	wrdreg $0xFFFFFFFF;
	(pc) =	sbr.abs _section_cstart, $3  }
0xc0: {  	[dreg:$0x1] =	wrdreg $0xFFFFFFFF  }
0xc1: {  	_ =	task.clear_ibuf [dreg:s6], $0x2FFFF;
	_ =	strace $0x9FFFFFFF  }
0xc2: {  	(tm) =	ssettm $0x7FFFFFFF  }
0xc3: {  	_ =	shalt  }
tec
execute0_lowered:
.L_overlay_start_1:
0x0: {  	(tag) =	ssettag $0x1  }
0x1: {  	s4 =	rddreg [dreg:$0x0];
	s0 =	srdreg.scid  }
0x2: {  	s2 =	rddreg [dreg:$0x1];
	s1 =	stileid.u32;
	s3 =	simm.s32 $0x0  }
0x3: {  	s10 =	simm.s32 $0x80;
	s11 =	simm.s32 $0x400;
	s12 =	simm.s32 $0x100  }
0x4: {  	s13 =	simm.s32 $0x180;
	s14 =	simm.s32 $0x200;
	s15 =	simm.s32 $0x280  }
0x5: {  	s16 =	simm.s32 $0x300;
	s17 =	simm.s32 $0x380;
	s20 =	simm.s32 $0x20  }
0x6: {  	s21 =	simm.s32 $0x10;
	s22 =	simm.s32 $0x0;
	s7 =	smul.u32 $0x188, s1  }
0x7: {  	s5 =	sand.u32 $0x1, s0;
	s0 =	rddreg [dreg:$0x2];
	s8 =	smul.u32 $0x3100, s1  }
0x8: {  	[smem:$0x7FF] =	sst s3;
	s26 =	smul.u32 $0x6200, s1;
	s18 =	sshll.u32 s1, $0x6  }
0x9: {  	s6 =	smul.u32 $0x1880, s5;
	s25 =	sshll.u32 s5, $0x7;
	s5 =	ssub.s32 $0x2, s5  }
0xa: {  	_ =	strace $0x80000047;
	s18 =	sor.u32 $0x1C01, s18;
	s29 =	sshrl.u32 s5, $0x1  }
0xb: {  	s30 =	sshrl.u32 s26, $0x2;
	s6 =	sadd.s32 s7, s6;
	s7 =	sor.u32 s25, s8  }
0xc: {  	s31 =	ssub.s32 s5, s29;
	s6 =	sshll.u32 s6, $0x4;
	s28 =	sshrl.u32 s7, $0x3  }
0xd: {  	s8 =	simm.s32 $0x480;
	s9 =	sadd.s32 s6, s4;
	s6 =	sadd.s32 s28, s4  }
0xe: {  	s4 =	sadd.s32 s30, s2;
	s5 =	sadd.s32 $0x64000, s6;
	s6 =	smax.u32 s31, $0x1  }
0xf: {  	v0 =	vimm.f32 $1.000000000e+00;
	v1 =	vimm.f32 $0.0e+00;
	s7 =	sadd.s32 $0x33000, s9;
	s9 =	simm.s32 $0x1;
	s19 =	sshrl.u32 s4, $0x3  }
.LBB2_1:
0x10: {  	[tilespmem:$0x400] =	vst v0  }
0x11: {  	[tilespmem:$0x410] =	vst v0  }
0x12: {  	[tilespmem:$0x420] =	vst v0  }
0x13: {  	[tilespmem:$0x430] =	vst v0  }
0x14: {  	[tilespmem:$0x440] =	vst v0  }
0x15: {  	[tilespmem:$0x450] =	vst v0  }
0x16: {  	[tilespmem:$0x460] =	vst v0  }
0x17: {  	[tilespmem:$0x470] =	vst v0;
	s23 =	simm.s32 $0x40;
	s24 =	simm.s32 $0x0  }
.LBB2_2:
0x18: {  	p0 =	sne.s32 s23, $0x61C0;
	[tilespmem:s24+$0x480] =	vst v1;
	s24 =	smov.u32 s23;
	s23 =	sadd.s32 $0x40, s23  }
.Ltmp0:
0x19: {  	(pc) =	sbr.rel @p0 .LBB2_2-.Ltmp0, $2  }
0x1a: {  	_ =	sdelay $0x2  }
0x1b: {  	s24 =	sshra.s32 s24, $0x2  }
0x1c: {  	[tilespmem:s24+$0x480] =	vst v1  }
0x1d: {  	[spmem:s4] =	stream.linear.scatter [tilespmem:s8], [sflag:$0x1], $0x1880, $0x38;
	[tilespmem:$0x3580] =	vst v63  }
0x1e: {  	_ =	swait.ge [sflag:s9], $0x1880  }
0x1f: {  	[sflag:s9] =	ssyncset.done $0x0  }
0x20: {  	[sflag:s9] =	ssyncadd.s32 $0xFFFFE780  }
0x21: {  	s23 =	sadd.s32 $0x0, s7;
	[bflag:$0x0] =	sbarrier.arrive $0xFFFF  }
0x22: {  	[tilespmem:s3], [sflag:$0x1] =	stream.linear.gather [hbm4b:s23+s3], $0x400, $0x38;
	[tilespmem:$0x3580] =	vst v63  }
0x23: {  	_ =	swait.ge [sflag:s9], $0x400  }
0x24: {  	[sflag:s9] =	ssyncset.done $0x0  }
0x25: {  	[sflag:s9] =	ssyncadd.s32 $0xFFFFFC00  }
0x26: {  	[spmem:s2] =	stream.indirect.scatter.add.f32 [tilespmem:s11], [sflag:$0x1], $0x1, s3, s10, $0xb8;
	[tilespmem:$0x3580] =	vst v63  }
0x27: {  	_ =	swait.ge [sflag:s9], $0x80  }
0x28: {  	[sflag:s9] =	ssyncset.done $0x0  }
0x29: {  	[sflag:s9] =	ssyncadd.s32 $0xFFFFFF80  }
0x2a: {  	[spmem:s2] =	stream.indirect.scatter.add.f32 [tilespmem:s11], [sflag:$0x1], $0x1, s10, s10, $0xb8;
	[tilespmem:$0x3580] =	vst v63  }
0x2b: {  	_ =	swait.ge [sflag:s9], $0x80  }
0x2c: {  	[sflag:s9] =	ssyncset.done $0x0  }
0x2d: {  	[sflag:s9] =	ssyncadd.s32 $0xFFFFFF80  }
0x2e: {  	[spmem:s2] =	stream.indirect.scatter.add.f32 [tilespmem:s11], [sflag:$0x1], $0x1, s12, s10, $0xb8;
	[tilespmem:$0x3580] =	vst v63  }
0x2f: {  	_ =	swait.ge [sflag:s9], $0x80  }
0x30: {  	[sflag:s9] =	ssyncset.done $0x0  }
0x31: {  	[sflag:s9] =	ssyncadd.s32 $0xFFFFFF80  }
0x32: {  	[spmem:s2] =	stream.indirect.scatter.add.f32 [tilespmem:s11], [sflag:$0x1], $0x1, s13, s10, $0xb8;
	[tilespmem:$0x3580] =	vst v63  }
0x33: {  	_ =	swait.ge [sflag:s9], $0x80  }
0x34: {  	[sflag:s9] =	ssyncset.done $0x0  }
0x35: {  	[sflag:s9] =	ssyncadd.s32 $0xFFFFFF80  }
0x36: {  	[spmem:s2] =	stream.indirect.scatter.add.f32 [tilespmem:s11], [sflag:$0x1], $0x1, s14, s10, $0xb8;
	[tilespmem:$0x3580] =	vst v63  }
0x37: {  	_ =	swait.ge [sflag:s9], $0x80  }
0x38: {  	[sflag:s9] =	ssyncset.done $0x0  }
0x39: {  	[sflag:s9] =	ssyncadd.s32 $0xFFFFFF80  }
0x3a: {  	[spmem:s2] =	stream.indirect.scatter.add.f32 [tilespmem:s11], [sflag:$0x1], $0x1, s15, s10, $0xb8;
	[tilespmem:$0x3580] =	vst v63  }
0x3b: {  	_ =	swait.ge [sflag:s9], $0x80  }
0x3c: {  	[sflag:s9] =	ssyncset.done $0x0  }
0x3d: {  	[sflag:s9] =	ssyncadd.s32 $0xFFFFFF80  }
0x3e: {  	[spmem:s2] =	stream.indirect.scatter.add.f32 [tilespmem:s11], [sflag:$0x1], $0x1, s16, s10, $0xb8;
	[tilespmem:$0x3580] =	vst v63  }
0x3f: {  	_ =	swait.ge [sflag:s9], $0x80  }
0x40: {  	[sflag:s9] =	ssyncset.done $0x0  }
0x41: {  	[sflag:s9] =	ssyncadd.s32 $0xFFFFFF80  }
0x42: {  	[spmem:s2] =	stream.indirect.scatter.add.f32 [tilespmem:s11], [sflag:$0x1], $0x1, s17, s10, $0xb8;
	[tilespmem:$0x3580] =	vst v63  }
0x43: {  	_ =	swait.ge [sflag:s9], $0x80  }
0x44: {  	s25 =	simm.s32 $0x100;
	s23 =	simm.s32 $0x80;
	[sflag:s9] =	ssyncset.done $0x0  }
.LBB2_4:
0x45: {  	s26 =	sadd.s32 s23, s7  }
0x46: {  	[sflag:s9] =	ssyncadd.s32 $0xFFFFFF80;
	s23 =	smov.u32 s25;
	s24 =	sadd.s32 $0x80, s25  }
0x47: {  	[tilespmem:s3], [sflag:$0x1] =	stream.linear.gather [hbm4b:s26+s3], $0x400, $0x38;
	[tilespmem:$0x3580] =	vst v63  }
0x48: {  	p0 =	sne.s32 s25, $0x1800;
	_ =	swait.ge [sflag:s9], $0x400  }
0x49: {  	[sflag:s9] =	ssyncset.done $0x0  }
0x4a: {  	[sflag:s9] =	ssyncadd.s32 $0xFFFFFC00  }
0x4b: {  	[spmem:s2] =	stream.indirect.scatter.add.f32 [tilespmem:s11], [sflag:$0x1], $0x1, s3, s10, $0xb8;
	[tilespmem:$0x3580] =	vst v63  }
0x4c: {  	_ =	swait.ge [sflag:s9], $0x80  }
0x4d: {  	[sflag:s9] =	ssyncset.done $0x0  }
0x4e: {  	[sflag:s9] =	ssyncadd.s32 $0xFFFFFF80  }
0x4f: {  	[spmem:s2] =	stream.indirect.scatter.add.f32 [tilespmem:s11], [sflag:$0x1], $0x1, s10, s10, $0xb8;
	[tilespmem:$0x3580] =	vst v63  }
0x50: {  	_ =	swait.ge [sflag:s9], $0x80  }
0x51: {  	[sflag:s9] =	ssyncset.done $0x0  }
0x52: {  	[sflag:s9] =	ssyncadd.s32 $0xFFFFFF80  }
0x53: {  	[spmem:s2] =	stream.indirect.scatter.add.f32 [tilespmem:s11], [sflag:$0x1], $0x1, s12, s10, $0xb8;
	[tilespmem:$0x3580] =	vst v63  }
0x54: {  	_ =	swait.ge [sflag:s9], $0x80  }
0x55: {  	[sflag:s9] =	ssyncset.done $0x0  }
0x56: {  	[sflag:s9] =	ssyncadd.s32 $0xFFFFFF80  }
0x57: {  	[spmem:s2] =	stream.indirect.scatter.add.f32 [tilespmem:s11], [sflag:$0x1], $0x1, s13, s10, $0xb8;
	[tilespmem:$0x3580] =	vst v63  }
0x58: {  	_ =	swait.ge [sflag:s9], $0x80  }
0x59: {  	[sflag:s9] =	ssyncset.done $0x0  }
0x5a: {  	[sflag:s9] =	ssyncadd.s32 $0xFFFFFF80  }
0x5b: {  	[spmem:s2] =	stream.indirect.scatter.add.f32 [tilespmem:s11], [sflag:$0x1], $0x1, s14, s10, $0xb8;
	[tilespmem:$0x3580] =	vst v63  }
0x5c: {  	_ =	swait.ge [sflag:s9], $0x80  }
0x5d: {  	[sflag:s9] =	ssyncset.done $0x0  }
0x5e: {  	[sflag:s9] =	ssyncadd.s32 $0xFFFFFF80  }
0x5f: {  	[spmem:s2] =	stream.indirect.scatter.add.f32 [tilespmem:s11], [sflag:$0x1], $0x1, s15, s10, $0xb8;
	[tilespmem:$0x3580] =	vst v63  }
0x60: {  	_ =	swait.ge [sflag:s9], $0x80  }
0x61: {  	[sflag:s9] =	ssyncset.done $0x0  }
0x62: {  	[sflag:s9] =	ssyncadd.s32 $0xFFFFFF80  }
0x63: {  	[spmem:s2] =	stream.indirect.scatter.add.f32 [tilespmem:s11], [sflag:$0x1], $0x1, s16, s10, $0xb8;
	[tilespmem:$0x3580] =	vst v63  }
0x64: {  	_ =	swait.ge [sflag:s9], $0x80  }
.Ltmp1:
0x65: {  	[sflag:s9] =	ssyncset.done $0x0;
	(pc) =	sbr.rel @p0 .LBB2_4-.Ltmp1, $4  }
0x66: {  	[sflag:s9] =	ssyncadd.s32 $0xFFFFFF80  }
0x67: {  	[spmem:s2] =	stream.indirect.scatter.add.f32 [tilespmem:s11], [sflag:$0x1], $0x1, s17, s10, $0xb8;
	[tilespmem:$0x3580] =	vst v63  }
0x68: {  	_ =	swait.ge [sflag:s9], $0x80  }
0x69: {  	s25 =	smov.u32 s24;
	[sflag:s9] =	ssyncset.done $0x0  }
0x6a: {  	s23 =	sadd.s32 s23, s7;
	[sflag:s9] =	ssyncadd.s32 $0xFFFFFF80  }
0x6b: {  	[tilespmem:s3], [sflag:$0x1] =	stream.linear.gather [hbm4b:s23+s3], $0x400, $0x38;
	[tilespmem:$0x3580] =	vst v63  }
0x6c: {  	_ =	swait.ge [sflag:s9], $0x400  }
0x6d: {  	[sflag:s9] =	ssyncset.done $0x0  }
0x6e: {  	[sflag:s9] =	ssyncadd.s32 $0xFFFFFC00  }
0x6f: {  	[spmem:s2] =	stream.indirect.scatter.add.f32 [tilespmem:s11], [sflag:$0x1], $0x1, s3, s10, $0xb8;
	[tilespmem:$0x3580] =	vst v63  }
0x70: {  	_ =	swait.ge [sflag:s9], $0x80  }
0x71: {  	[sflag:s9] =	ssyncset.done $0x0  }
0x72: {  	[sflag:s9] =	ssyncadd.s32 $0xFFFFFF80  }
0x73: {  	[spmem:s2] =	stream.indirect.scatter.add.f32 [tilespmem:s11], [sflag:$0x1], $0x1, s10, s10, $0xb8;
	[tilespmem:$0x3580] =	vst v63  }
0x74: {  	_ =	swait.ge [sflag:s9], $0x80  }
0x75: {  	[sflag:s9] =	ssyncset.done $0x0  }
0x76: {  	[sflag:s9] =	ssyncadd.s32 $0xFFFFFF80  }
0x77: {  	[spmem:s2] =	stream.indirect.scatter.add.f32 [tilespmem:s11], [sflag:$0x1], $0x1, s12, s10, $0xb8;
	[tilespmem:$0x3580] =	vst v63  }
0x78: {  	_ =	swait.ge [sflag:s9], $0x80  }
0x79: {  	[sflag:s9] =	ssyncset.done $0x0  }
0x7a: {  	[sflag:s9] =	ssyncadd.s32 $0xFFFFFF80  }
0x7b: {  	[spmem:s2] =	stream.indirect.scatter.add.f32 [tilespmem:s11], [sflag:$0x1], $0x1, s13, s10, $0xb8;
	[tilespmem:$0x3580] =	vst v63  }
0x7c: {  	_ =	swait.ge [sflag:s9], $0x80  }
0x7d: {  	[sflag:s9] =	ssyncset.done $0x0  }
0x7e: {  	[sflag:s9] =	ssyncadd.s32 $0xFFFFFF80  }
0x7f: {  	[spmem:s2] =	stream.indirect.scatter.add.f32 [tilespmem:s11], [sflag:$0x1], $0x1, s14, s10, $0xb8;
	[tilespmem:$0x3580] =	vst v63  }
0x80: {  	_ =	swait.ge [sflag:s9], $0x80  }
0x81: {  	[sflag:s9] =	ssyncset.done $0x0  }
0x82: {  	[sflag:s9] =	ssyncadd.s32 $0xFFFFFF80  }
0x83: {  	[spmem:s2] =	stream.indirect.scatter.add.f32 [tilespmem:s11], [sflag:$0x1], $0x1, s15, s10, $0xb8;
	[tilespmem:$0x3580] =	vst v63  }
0x84: {  	_ =	swait.ge [sflag:s9], $0x80  }
0x85: {  	[sflag:s9] =	ssyncset.done $0x0  }
0x86: {  	[sflag:s9] =	ssyncadd.s32 $0xFFFFFF80  }
0x87: {  	[spmem:s2] =	stream.indirect.scatter.add.f32 [tilespmem:s11], [sflag:$0x1], $0x1, s16, s10, $0xb8;
	[tilespmem:$0x3580] =	vst v63  }
0x88: {  	_ =	swait.ge [sflag:s9], $0x80  }
0x89: {  	[sflag:s9] =	ssyncset.done $0x0  }
0x8a: {  	[sflag:s9] =	ssyncadd.s32 $0xFFFFFF80  }
0x8b: {  	[spmem:s2] =	stream.indirect.scatter.add.f32 [tilespmem:s11], [sflag:$0x1], $0x1, s17, s10, $0xb8;
	[tilespmem:$0x3580] =	vst v63  }
0x8c: {  	_ =	swait.ge [sflag:s9], $0x80  }
0x8d: {  	s22 =	sadd.s32 $0x1, s22;
	[sflag:s9] =	ssyncset.done $0x0  }
0x8e: {  	p0 =	sne.s32 s22, s6;
	[sflag:s9] =	ssyncadd.s32 $0xFFFFFF80  }
.Ltmp2:
0x8f: {  	[bflag:$0x0] =	sbarrier.arrive $0xFFFF;
	(pc) =	sbr.rel @p0 .LBB2_1-.Ltmp2, $4  }
0x90: {  	[hbm:s5@s20], [sflag:s18] =	dma.strided [spmem:s19@s21], $0x310, s9, $0x10   }
0x91: {  	_ =	swait.ge [sflag:s9], $0x310  }
0x92: {  	[sflag:s9] =	ssyncset.done $0x0  }
0x93: {  	[sflag:s9] =	ssyncadd.s32 $0xFFFFFCF0  }
0x94: {  	_ =	sfence.sel $0x180000  }
0x95: {  	[bflag:$0x0] =	sbarrier.arrive $0xFFFF  }
0x96: {  	p0 =	sne.s32 s1, $0x0;
	_ =	strace $0x90000047  }
0x97: {  	s0 =	sadd.s32 @!p0 $0x100000, s0;
	[bflag:$0x2] =	sbarrier.arrive $0xFFFF  }
0x98: {  	[sflag:s0] =	ssyncadd.tile.s32 @!p0 $0x1;
	_ =	shalt  }
.Lfunc_end2:
_tile_overlayer_lowered:
.L_overlay_start_2:
0x99: {  	(tag) =	ssettag $0x2  }
0x9a: {  	s0 =	rddreg [dreg:$0x0];
	s2 =	stileid.u32  }
0x9b: {  	s1 =	rddreg [dreg:$0x1];
	p0 =	sne.s32 s2, $0x0  }
0x9c: {  	s3 =	rddreg [dreg:$0x2];
	[bflag:$0x3] =	sbarrier.arrive $0xFFFF;
	s2 =	simm.s32 @!p0 $0x1C01  }
0x9d: {  	[timem:s3], [sflag:s2] =	dma.local @!p0 [hbm:s0], s1  }
0x9e: {  	s0 =	simm.s32 @!p0 $0x1  }
0x9f: {  	_ =	swait.ge @!p0 [sflag:s0], s1  }
0xa0: {  	s1 =	ssub.s32 @!p0 $0x0, s1;
	[sflag:s0] =	ssyncset.done @!p0 $0x0  }
0xa1: {  	[sflag:s0] =	ssyncadd.s32 @!p0 s1  }
0xa2: {  	[bflag:$0x3] =	sbarrier.arrive $0xFFFF  }
0xa3: {  	_ =	shalt  }

</sc_bundles>
